<compile_context>
chip_gen: v7x
topology: tpu7x:2x2x1
jax: 0.10.2.dev20260603
libtpu: 0.0.44.dev20260713+nightly
codegen_flags: <defaults>
</compile_context>

<pallas_src>
import functools

import jax
import jax.numpy as jnp
from jax import lax
from jax.experimental import pallas as pl
from jax.experimental.pallas import tpu as pltpu
from jax.experimental.pallas import tpu_sc as plsc

NC = 2
NS = 16
NW = NC * NS
CH = 125


def _sc_aggregate(q, src_r, dst_r, ones_h, npad, d, nchunk, ch, slots,
                  with_deg):
  mesh = plsc.VectorSubcoreMesh(core_axis_name="c", subcore_axis_name="s",
                                num_cores=NC, num_subcores=NS)
  rows_per_tile = npad // NS

  out_type = [jax.ShapeDtypeStruct((NC, npad, d), jnp.float32)]
  scratch = [
      pltpu.VMEM((nchunk, ch), jnp.int32),
      pltpu.VMEM((nchunk, ch), jnp.int32),
      pltpu.VMEM((slots, ch, d), jnp.float32),
      pltpu.VMEM((16, d), jnp.float32),
      pltpu.VMEM_SHARED((npad, d), jnp.float32),
      pltpu.SemaphoreType.DMA((max(slots, 2),)),
      pltpu.SemaphoreType.DMA((max(slots, 2),)),
  ]
  if with_deg:
    out_type.append(jax.ShapeDtypeStruct((NC, npad), jnp.float32))
    scratch += [
        pltpu.VMEM((ch,), jnp.float32),
        pltpu.VMEM((rows_per_tile,), jnp.float32),
        pltpu.VMEM_SHARED((npad,), jnp.float32),
        pltpu.SemaphoreType.DMA,
    ]

  @functools.partial(
      pl.kernel, mesh=mesh, out_type=tuple(out_type),
      scratch_types=tuple(scratch),
      compiler_params=pltpu.CompilerParams(use_tc_tiling_on_sc=False),
      name="agg_deg" if with_deg else "agg")
  def agg_kernel(q_hbm, src_hbm, dst_hbm, ones_hbm, *rest):
    if with_deg:
      (part_hbm, degp_hbm, src_v, dst_v, rows_v, zmat_v, acc_s, gsems,
       ssems, ones_v, zrow_v, dega_s, dsem) = rest
    else:
      (part_hbm, src_v, dst_v, rows_v, zmat_v, acc_s, gsems, ssems) = rest
    c = lax.axis_index("c")
    s = lax.axis_index("s")
    wid = s * NC + c

    pltpu.sync_copy(src_hbm.at[wid], src_v)
    pltpu.sync_copy(dst_hbm.at[wid], dst_v)

    z16 = jnp.zeros((16,), jnp.float32)
    for i in range(16):
      for j in range(d // 16):
        zmat_v[i, pl.ds(j * 16, 16)] = z16
    base = s * rows_per_tile

    def clear_body(k, _):
      pltpu.sync_copy(zmat_v, acc_s.at[pl.ds(base + k * 16, 16)])
      return 0
    lax.fori_loop(0, rows_per_tile // 16, clear_body, 0)

    if with_deg:
      pltpu.sync_copy(ones_hbm, ones_v)
      for j in range(rows_per_tile // 16):
        zrow_v[pl.ds(j * 16, 16)] = z16
      pltpu.sync_copy(zrow_v, dega_s.at[pl.ds(base, rows_per_tile)])

    plsc.subcore_barrier()

    if slots == 3:
      def gw(j, k3):
        pltpu.make_async_copy(q_hbm.at[src_v.at[j]], rows_v.at[k3],
                              gsems.at[k3]).wait()

      def sw(j, k3):
        pltpu.make_async_copy(rows_v.at[k3], acc_s.at[dst_v.at[j]],
                              ssems.at[k3]).wait()

      def prime3(j, _):
        pltpu.async_copy(q_hbm.at[src_v.at[j]], rows_v.at[j], gsems.at[j])
        return 0
      lax.fori_loop(0, 2, prime3, 0)

      def chunk_body(j, _):
        k3 = lax.rem(j, 3)
        gw(j, k3)
        pltpu.async_copy(rows_v.at[k3], acc_s.at[dst_v.at[j]],
                         ssems.at[k3], add=True)

        @pl.when(j >= 1)
        def _():
          sw(j - 1, lax.rem(j - 1, 3))

        @pl.when(j + 2 < nchunk)
        def _():
          k3n = lax.rem(j + 2, 3)
          pltpu.async_copy(q_hbm.at[src_v.at[j + 2]], rows_v.at[k3n],
                           gsems.at[k3n])
        return 0
      lax.fori_loop(0, nchunk, chunk_body, 0)
      sw(nchunk - 1, lax.rem(nchunk - 1, 3))
      chunk_body = None
    elif slots == 2:
      pltpu.async_copy(q_hbm.at[src_v.at[0]], rows_v.at[0], gsems.at[0])

      def chunk_body(j, _):
        k = lax.rem(j, 2)

        @pl.when(j + 1 < nchunk)
        def _():
          pltpu.async_copy(q_hbm.at[src_v.at[j + 1]], rows_v.at[1 - k],
                           gsems.at[1 - k])

        pltpu.make_async_copy(q_hbm.at[src_v.at[j]], rows_v.at[k],
                              gsems.at[k]).wait()
        pltpu.sync_copy(rows_v.at[k], acc_s.at[dst_v.at[j]], add=True)
        if with_deg:
          pltpu.async_copy(ones_v, dega_s.at[dst_v.at[j]], dsem, add=True)
        return 0
    else:
      def chunk_body(j, _):
        pltpu.async_copy(q_hbm.at[src_v.at[j]], rows_v.at[0],
                         gsems.at[0]).wait()
        pltpu.sync_copy(rows_v.at[0], acc_s.at[dst_v.at[j]], add=True)
        if with_deg:
          pltpu.sync_copy(ones_v, dega_s.at[dst_v.at[j]], add=True)
        return 0
    if chunk_body is not None:
      lax.fori_loop(0, nchunk, chunk_body, 0)

    if with_deg and slots == 2:
      pltpu.make_async_copy(src_hbm.at[wid], dst_v, dsem).wait()

    plsc.subcore_barrier()

    pltpu.sync_copy(acc_s.at[pl.ds(base, rows_per_tile)],
                    part_hbm.at[c, pl.ds(base, rows_per_tile)])
    if with_deg:
      pltpu.sync_copy(dega_s.at[pl.ds(base, rows_per_tile)],
                      degp_hbm.at[c, pl.ds(base, rows_per_tile)])

  return agg_kernel(q, src_r, dst_r, ones_h)


def _tc_transform(x, Wl, Wr):
  n, _ = x.shape
  dout = Wl.shape[1]

  def body(x_ref, wl_ref, wr_ref, q_ref, r_ref):
    xv = x_ref[...]
    q_ref[...] = jnp.dot(xv, wl_ref[...], preferred_element_type=jnp.float32)
    r_ref[...] = jnp.dot(xv, wr_ref[...], preferred_element_type=jnp.float32)

  return pl.pallas_call(
      body,
      out_shape=(jax.ShapeDtypeStruct((n, dout), jnp.float32),
                 jax.ShapeDtypeStruct((n, dout), jnp.float32)),
  )(x, Wl, Wr)


def _tc_mid(part, deg2, r1, b1, Wl2, Wr2):
  n = r1.shape[0]
  dout = Wl2.shape[1]

  def body(p_ref, d_ref, r1_ref, b1_ref, wl_ref, wr_ref, q2_ref, r2_ref):
    deg = jnp.maximum(d_ref[0, :n] + d_ref[1, :n], 1.0)
    h = (p_ref[0, :n] + p_ref[1, :n]) / deg + b1_ref[...] + r1_ref[...]
    h = jnp.maximum(h, 0.0)
    q2_ref[...] = jnp.dot(h, wl_ref[...], preferred_element_type=jnp.float32)
    r2_ref[...] = jnp.dot(h, wr_ref[...], preferred_element_type=jnp.float32)

  return pl.pallas_call(
      body,
      out_shape=(jax.ShapeDtypeStruct((n, dout), jnp.float32),
                 jax.ShapeDtypeStruct((n, dout), jnp.float32)),
  )(part, deg2, r1, b1.reshape(1, -1), Wl2, Wr2)


def _tc_final(part, deg2, r2, b2):
  n, dout = r2.shape

  def body(p_ref, d_ref, r2_ref, b2_ref, o_ref):
    deg = jnp.maximum(d_ref[0, :n] + d_ref[1, :n], 1.0)
    o = (p_ref[0, :n] + p_ref[1, :n]) / deg + b2_ref[...] + r2_ref[...]
    m = jnp.max(o, axis=-1, keepdims=True)
    e = jnp.exp(o - m)
    lse = jnp.log(jnp.sum(e, axis=-1, keepdims=True)) + m
    o_ref[...] = o - lse

  return pl.pallas_call(
      body,
      out_shape=jax.ShapeDtypeStruct((n, dout), jnp.float32),
  )(part, deg2, r2, b2.reshape(1, -1))


def _edge_chunks(edge_index, ch, npad):
  e = edge_index.shape[1]
  nchunk = -(-e // (NW * ch))
  e_pad = NW * ch * nchunk
  src_r = jnp.pad(edge_index[0], (0, e_pad - e)).reshape(NW, nchunk, ch)
  dst_r = jnp.pad(edge_index[1], (0, e_pad - e),
                  constant_values=npad - 1).reshape(NW, nchunk, ch)
  return src_r, dst_r, nchunk


def kernel(x, edge_index, Wl1, Wr1, b1, Wl2, Wr2, b2):
  n, d_in = x.shape
  npad = ((n + NW * 16 - 1) // (NW * 16)) * (NW * 16)
  if npad == n:
    npad += NW * 16

  src_r, dst_r, nchunk = _edge_chunks(edge_index, CH, npad)
  ones_h = jnp.ones((CH,), jnp.float32)

  q1, r1 = _tc_transform(x, Wl1, Wr1)
  part1, degp = _sc_aggregate(q1, src_r, dst_r, ones_h,
                              npad, d_in, nchunk, CH, 1, with_deg=True)
  deg2 = degp.reshape(NC, npad, 1)
  q2, r2 = _tc_mid(part1, deg2, r1, b1, Wl2, Wr2)

  (part2,) = _sc_aggregate(q2, src_r, dst_r, ones_h,
                           npad, Wl2.shape[1], nchunk, CH, 3,
                           with_deg=False)
  return _tc_final(part2, deg2, r2, b2)

# --- scband reference (transcript-rebuilt; emitter-appended) ---
"""Pipeline reference for scband-sage-47416438947868 (READ-ONLY COPY).

The authoritative reference and input builder live on the scoring server;
editing this copy changes nothing except your own understanding.
"""

import jax, jax.numpy as jnp
import numpy as np

N = 10000
E = 320000
D_IN = 128
D_HID = 128
D_OUT = 64


def setup_inputs(seed: int = 0) -> dict:
    key = jax.random.key(seed)
    ks = jax.random.split(key, 9)
    x = jax.random.normal(ks[0], (N, D_IN), dtype=jnp.float32)
    edge_index = jax.random.randint(ks[1], (2, E), 0, N, dtype=jnp.int32)
    Wl1 = jax.random.normal(ks[2], (D_IN, D_HID), dtype=jnp.float32) * (1.0 / np.sqrt(D_IN))
    Wr1 = jax.random.normal(ks[3], (D_IN, D_HID), dtype=jnp.float32) * (1.0 / np.sqrt(D_IN))
    b1 = jnp.zeros((D_HID,), dtype=jnp.float32)
    Wl2 = jax.random.normal(ks[4], (D_HID, D_OUT), dtype=jnp.float32) * (1.0 / np.sqrt(D_HID))
    Wr2 = jax.random.normal(ks[5], (D_HID, D_OUT), dtype=jnp.float32) * (1.0 / np.sqrt(D_HID))
    b2 = jnp.zeros((D_OUT,), dtype=jnp.float32)
    return {"x": x, "edge_index": edge_index, "Wl1": Wl1, "Wr1": Wr1, "b1": b1, "Wl2": Wl2, "Wr2": Wr2, "b2": b2}


def _sage_conv(x, edge_index, Wl, Wr, b):
    # GraphSAGE with mean aggregation: out = mean_{j in N(i)} x_j @ Wl + b + x_i @ Wr
    src = edge_index[0]
    dst = edge_index[1]
    msgs = x[src]  # gather neighbor features
    agg = jax.ops.segment_sum(msgs, dst, num_segments=N)  # scatter-add by dst
    deg = jax.ops.segment_sum(jnp.ones((edge_index.shape[1],), dtype=x.dtype), dst, num_segments=N)
    mean = agg / jnp.maximum(deg, 1.0)[:, None]
    return mean @ Wl + b + x @ Wr


def reference(x, edge_index, Wl1, Wr1, b1, Wl2, Wr2, b2):
    # layer 1 (dropout is a no-op in eval mode)
    h = _sage_conv(x, edge_index, Wl1, Wr1, b1)
    h = jax.nn.relu(h)
    # layer 2 (final)
    out = _sage_conv(h, edge_index, Wl2, Wr2, b2)
    return jax.nn.log_softmax(out, axis=-1)

if __name__ == "__main__":
    import jax
    _d = setup_inputs()
    print(jax.jit(kernel)(*tuple(_d.values())))

</pallas_src>

<mosaic_0001>
#map = affine_map<(d0, d1) -> (0, 0)>
#map1 = affine_map<(d0, d1) -> (0, 0, 0)>
#map2 = affine_map<(d0, d1) -> (0)>
module attributes {stable_mosaic.version = 14 : i64} {
  func.func @agg_deg(%arg0: i32, %arg1: i32, %arg2: memref<10000x128xf32, #tpu.memory_space<hbm>>, %arg3: memref<32x80x125xi32, #tpu.memory_space<hbm>>, %arg4: memref<32x80x125xi32, #tpu.memory_space<hbm>>, %arg5: memref<125xf32, #tpu.memory_space<hbm>>, %arg6: memref<2x10240x128xf32, #tpu.memory_space<hbm>>, %arg7: memref<2x10240xf32, #tpu.memory_space<hbm>>, %arg8: memref<80x125xi32, #tpu.memory_space<vmem>>, %arg9: memref<80x125xi32, #tpu.memory_space<vmem>>, %arg10: memref<1x125x128xf32, #tpu.memory_space<vmem>>, %arg11: memref<16x128xf32, #tpu.memory_space<vmem>>, %arg12: memref<10240x128xf32, #tpu.memory_space<vmem_shared>>, %arg13: memref<2x!tpu.dma_semaphore, #tpu.memory_space<semaphore_mem>>, %arg14: memref<2x!tpu.dma_semaphore, #tpu.memory_space<semaphore_mem>>, %arg15: memref<125xf32, #tpu.memory_space<vmem>>, %arg16: memref<640xf32, #tpu.memory_space<vmem>>, %arg17: memref<10240xf32, #tpu.memory_space<vmem_shared>>, %arg18: memref<!tpu.dma_semaphore, #tpu.memory_space<semaphore_mem>>) attributes {dimension_semantics = [#tpu.dimension_semantics<core_parallel>, #tpu.dimension_semantics<subcore_parallel>], iteration_bounds = array<i64: 2, 16>, scalar_prefetch = 0 : i64, scratch_operands = 11 : i64, tpu.core_type = #tpu.core_type<sc_vector_subcore>, window_params = [{transform_indices = #map}, {transform_indices = #map1}, {transform_indices = #map1}, {transform_indices = #map2}, {transform_indices = #map1}, {transform_indices = #map}]} {
    %mul3A = arith.constant 2 : i32
    %mul3A_0 = arith.muli %arg1, %mul3A : i32
    %add3A = arith.addi %mul3A_0, %arg0 : i32
    "tpu.region"() ({
      %run_scoped3A = tpu.sem_alloc : memref<!tpu.dma_semaphore, #tpu.memory_space<semaphore_mem>>
      %dma_start3A = arith.constant 0 : i32
      %dma_start3A_945 = arith.constant 0 : i32
      %dma_start3A_946 = tpu.memref_slice %arg3[%add3A, %dma_start3A, %dma_start3A_945] : memref<32x80x125xi32, #tpu.memory_space<hbm>> -> memref<1x80x125xi32, #tpu.memory_space<hbm>>
      %dma_start3A_947 = tpu.memref_squeeze %dma_start3A_946 : memref<1x80x125xi32, #tpu.memory_space<hbm>> -> memref<80x125xi32, #tpu.memory_space<hbm>>
      %dma_start3A_948 = arith.constant 0 : i32
      %dma_start3A_949 = arith.constant 0 : i32
      %dma_start3A_950 = tpu.memref_slice %arg3[%add3A, %dma_start3A_948, %dma_start3A_949] : memref<32x80x125xi32, #tpu.memory_space<hbm>> -> memref<1x80x125xi32, #tpu.memory_space<hbm>>
      %dma_start3A_951 = tpu.memref_squeeze %dma_start3A_950 : memref<1x80x125xi32, #tpu.memory_space<hbm>> -> memref<80x125xi32, #tpu.memory_space<hbm>>
      tpu.enqueue_dma source(%dma_start3A_951 : memref<80x125xi32, #tpu.memory_space<hbm>>) target(%arg8 : memref<80x125xi32, #tpu.memory_space<vmem>>) target_semaphore(%run_scoped3A : memref<!tpu.dma_semaphore, #tpu.memory_space<semaphore_mem>>)
      %dma_wait3A = arith.constant 0 : i32
      %dma_wait3A_952 = arith.constant 0 : i32
      %dma_wait3A_953 = tpu.memref_slice %arg3[%add3A, %dma_wait3A, %dma_wait3A_952] : memref<32x80x125xi32, #tpu.memory_space<hbm>> -> memref<1x80x125xi32, #tpu.memory_space<hbm>>
      %dma_wait3A_954 = tpu.memref_squeeze %dma_wait3A_953 : memref<1x80x125xi32, #tpu.memory_space<hbm>> -> memref<80x125xi32, #tpu.memory_space<hbm>>
      %dma_wait3A_955 = arith.constant 0 : i32
      %dma_wait3A_956 = arith.constant 0 : i32
      %dma_wait3A_957 = tpu.memref_slice %arg3[%add3A, %dma_wait3A_955, %dma_wait3A_956] : memref<32x80x125xi32, #tpu.memory_space<hbm>> -> memref<1x80x125xi32, #tpu.memory_space<hbm>>
      %dma_wait3A_958 = tpu.memref_squeeze %dma_wait3A_957 : memref<1x80x125xi32, #tpu.memory_space<hbm>> -> memref<80x125xi32, #tpu.memory_space<hbm>>
      tpu.wait_dma2 semaphore(%run_scoped3A : memref<!tpu.dma_semaphore, #tpu.memory_space<semaphore_mem>>) src(%dma_wait3A_958 : memref<80x125xi32, #tpu.memory_space<hbm>>) dst(%arg8 : memref<80x125xi32, #tpu.memory_space<vmem>>)
      tpu.yield
    }) : () -> ()
    "tpu.region"() ({
      %run_scoped3A = tpu.sem_alloc : memref<!tpu.dma_semaphore, #tpu.memory_space<semaphore_mem>>
      %dma_start3A = arith.constant 0 : i32
      %dma_start3A_945 = arith.constant 0 : i32
      %dma_start3A_946 = tpu.memref_slice %arg4[%add3A, %dma_start3A, %dma_start3A_945] : memref<32x80x125xi32, #tpu.memory_space<hbm>> -> memref<1x80x125xi32, #tpu.memory_space<hbm>>
      %dma_start3A_947 = tpu.memref_squeeze %dma_start3A_946 : memref<1x80x125xi32, #tpu.memory_space<hbm>> -> memref<80x125xi32, #tpu.memory_space<hbm>>
      %dma_start3A_948 = arith.constant 0 : i32
      %dma_start3A_949 = arith.constant 0 : i32
      %dma_start3A_950 = tpu.memref_slice %arg4[%add3A, %dma_start3A_948, %dma_start3A_949] : memref<32x80x125xi32, #tpu.memory_space<hbm>> -> memref<1x80x125xi32, #tpu.memory_space<hbm>>
      %dma_start3A_951 = tpu.memref_squeeze %dma_start3A_950 : memref<1x80x125xi32, #tpu.memory_space<hbm>> -> memref<80x125xi32, #tpu.memory_space<hbm>>
      tpu.enqueue_dma source(%dma_start3A_951 : memref<80x125xi32, #tpu.memory_space<hbm>>) target(%arg9 : memref<80x125xi32, #tpu.memory_space<vmem>>) target_semaphore(%run_scoped3A : memref<!tpu.dma_semaphore, #tpu.memory_space<semaphore_mem>>)
      %dma_wait3A = arith.constant 0 : i32
      %dma_wait3A_952 = arith.constant 0 : i32
      %dma_wait3A_953 = tpu.memref_slice %arg4[%add3A, %dma_wait3A, %dma_wait3A_952] : memref<32x80x125xi32, #tpu.memory_space<hbm>> -> memref<1x80x125xi32, #tpu.memory_space<hbm>>
      %dma_wait3A_954 = tpu.memref_squeeze %dma_wait3A_953 : memref<1x80x125xi32, #tpu.memory_space<hbm>> -> memref<80x125xi32, #tpu.memory_space<hbm>>
      %dma_wait3A_955 = arith.constant 0 : i32
      %dma_wait3A_956 = arith.constant 0 : i32
      %dma_wait3A_957 = tpu.memref_slice %arg4[%add3A, %dma_wait3A_955, %dma_wait3A_956] : memref<32x80x125xi32, #tpu.memory_space<hbm>> -> memref<1x80x125xi32, #tpu.memory_space<hbm>>
      %dma_wait3A_958 = tpu.memref_squeeze %dma_wait3A_957 : memref<1x80x125xi32, #tpu.memory_space<hbm>> -> memref<80x125xi32, #tpu.memory_space<hbm>>
      tpu.wait_dma2 semaphore(%run_scoped3A : memref<!tpu.dma_semaphore, #tpu.memory_space<semaphore_mem>>) src(%dma_wait3A_958 : memref<80x125xi32, #tpu.memory_space<hbm>>) dst(%arg9 : memref<80x125xi32, #tpu.memory_space<vmem>>)
      tpu.yield
    }) : () -> ()
    %broadcast_in_dim3A = arith.constant 0.000000e+00 : f32
    %broadcast_in_dim3A_1 = vector.broadcast %broadcast_in_dim3A : f32 to vector<16xf32>
    %swap3A = arith.constant 0 : i32
    %swap3A_2 = arith.index_cast %swap3A : i32 to index
    %swap3A_3 = arith.constant 0 : index
    %swap3A_4 = tpu.vector_load %arg11[%swap3A_2, %swap3A_3] {strides = array<i32>} : memref<16x128xf32, #tpu.memory_space<vmem>>, vector<1x16xf32>,
    %swap3A_5 = vector.shape_cast %swap3A_4 : vector<1x16xf32> to vector<16xf32>
    %swap3A_6 = vector.shape_cast %broadcast_in_dim3A_1 : vector<16xf32> to vector<1x16xf32>
    tpu.vector_store %arg11[%swap3A_2, %swap3A_3], %swap3A_6 {strides = array<i32>} : memref<16x128xf32, #tpu.memory_space<vmem>>, vector<1x16xf32>,
    %swap3A_7 = arith.constant 0 : i32
    %swap3A_8 = arith.index_cast %swap3A_7 : i32 to index
    %swap3A_9 = arith.constant 16 : index
    %swap3A_10 = tpu.vector_load %arg11[%swap3A_8, %swap3A_9] {strides = array<i32>} : memref<16x128xf32, #tpu.memory_space<vmem>>, vector<1x16xf32>,
    %swap3A_11 = vector.shape_cast %swap3A_10 : vector<1x16xf32> to vector<16xf32>
    %swap3A_12 = vector.shape_cast %broadcast_in_dim3A_1 : vector<16xf32> to vector<1x16xf32>
    tpu.vector_store %arg11[%swap3A_8, %swap3A_9], %swap3A_12 {strides = array<i32>} : memref<16x128xf32, #tpu.memory_space<vmem>>, vector<1x16xf32>,
    %swap3A_13 = arith.constant 0 : i32
    %swap3A_14 = arith.index_cast %swap3A_13 : i32 to index
    %swap3A_15 = arith.constant 32 : index
    %swap3A_16 = tpu.vector_load %arg11[%swap3A_14, %swap3A_15] {strides = array<i32>} : memref<16x128xf32, #tpu.memory_space<vmem>>, vector<1x16xf32>,
    %swap3A_17 = vector.shape_cast %swap3A_16 : vector<1x16xf32> to vector<16xf32>
    %swap3A_18 = vector.shape_cast %broadcast_in_dim3A_1 : vector<16xf32> to vector<1x16xf32>
    tpu.vector_store %arg11[%swap3A_14, %swap3A_15], %swap3A_18 {strides = array<i32>} : memref<16x128xf32, #tpu.memory_space<vmem>>, vector<1x16xf32>,
    %swap3A_19 = arith.constant 0 : i32
    %swap3A_20 = arith.index_cast %swap3A_19 : i32 to index
    %swap3A_21 = arith.constant 48 : index
    %swap3A_22 = tpu.vector_load %arg11[%swap3A_20, %swap3A_21] {strides = array<i32>} : memref<16x128xf32, #tpu.memory_space<vmem>>, vector<1x16xf32>,
    %swap3A_23 = vector.shape_cast %swap3A_22 : vector<1x16xf32> to vector<16xf32>
    %swap3A_24 = vector.shape_cast %broadcast_in_dim3A_1 : vector<16xf32> to vector<1x16xf32>
    tpu.vector_store %arg11[%swap3A_20, %swap3A_21], %swap3A_24 {strides = array<i32>} : memref<16x128xf32, #tpu.memory_space<vmem>>, vector<1x16xf32>,
    %swap3A_25 = arith.constant 0 : i32
    %swap3A_26 = arith.index_cast %swap3A_25 : i32 to index
    %swap3A_27 = arith.constant 64 : index
    %swap3A_28 = tpu.vector_load %arg11[%swap3A_26, %swap3A_27] {strides = array<i32>} : memref<16x128xf32, #tpu.memory_space<vmem>>, vector<1x16xf32>,
    %swap3A_29 = vector.shape_cast %swap3A_28 : vector<1x16xf32> to vector<16xf32>
    %swap3A_30 = vector.shape_cast %broadcast_in_dim3A_1 : vector<16xf32> to vector<1x16xf32>
    tpu.vector_store %arg11[%swap3A_26, %swap3A_27], %swap3A_30 {strides = array<i32>} : memref<16x128xf32, #tpu.memory_space<vmem>>, vector<1x16xf32>,
    %swap3A_31 = arith.constant 0 : i32
    %swap3A_32 = arith.index_cast %swap3A_31 : i32 to index
    %swap3A_33 = arith.constant 80 : index
    %swap3A_34 = tpu.vector_load %arg11[%swap3A_32, %swap3A_33] {strides = array<i32>} : memref<16x128xf32, #tpu.memory_space<vmem>>, vector<1x16xf32>,
    %swap3A_35 = vector.shape_cast %swap3A_34 : vector<1x16xf32> to vector<16xf32>
    %swap3A_36 = vector.shape_cast %broadcast_in_dim3A_1 : vector<16xf32> to vector<1x16xf32>
    tpu.vector_store %arg11[%swap3A_32, %swap3A_33], %swap3A_36 {strides = array<i32>} : memref<16x128xf32, #tpu.memory_space<vmem>>, vector<1x16xf32>,
    %swap3A_37 = arith.constant 0 : i32
    %swap3A_38 = arith.index_cast %swap3A_37 : i32 to index
    %swap3A_39 = arith.constant 96 : index
    %swap3A_40 = tpu.vector_load %arg11[%swap3A_38, %swap3A_39] {strides = array<i32>} : memref<16x128xf32, #tpu.memory_space<vmem>>, vector<1x16xf32>,
    %swap3A_41 = vector.shape_cast %swap3A_40 : vector<1x16xf32> to vector<16xf32>
    %swap3A_42 = vector.shape_cast %broadcast_in_dim3A_1 : vector<16xf32> to vector<1x16xf32>
    tpu.vector_store %arg11[%swap3A_38, %swap3A_39], %swap3A_42 {strides = array<i32>} : memref<16x128xf32, #tpu.memory_space<vmem>>, vector<1x16xf32>,
    %swap3A_43 = arith.constant 0 : i32
    %swap3A_44 = arith.index_cast %swap3A_43 : i32 to index
    %swap3A_45 = arith.constant 112 : index
    %swap3A_46 = tpu.vector_load %arg11[%swap3A_44, %swap3A_45] {strides = array<i32>} : memref<16x128xf32, #tpu.memory_space<vmem>>, vector<1x16xf32>,
    %swap3A_47 = vector.shape_cast %swap3A_46 : vector<1x16xf32> to vector<16xf32>
    %swap3A_48 = vector.shape_cast %broadcast_in_dim3A_1 : vector<16xf32> to vector<1x16xf32>
    tpu.vector_store %arg11[%swap3A_44, %swap3A_45], %swap3A_48 {strides = array<i32>} : memref<16x128xf32, #tpu.memory_space<vmem>>, vector<1x16xf32>,
    %swap3A_49 = arith.constant 1 : i32
    %swap3A_50 = arith.index_cast %swap3A_49 : i32 to index
    %swap3A_51 = arith.constant 0 : index
    %swap3A_52 = tpu.vector_load %arg11[%swap3A_50, %swap3A_51] {strides = array<i32>} : memref<16x128xf32, #tpu.memory_space<vmem>>, vector<1x16xf32>,
    %swap3A_53 = vector.shape_cast %swap3A_52 : vector<1x16xf32> to vector<16xf32>
    %swap3A_54 = vector.shape_cast %broadcast_in_dim3A_1 : vector<16xf32> to vector<1x16xf32>
    tpu.vector_store %arg11[%swap3A_50, %swap3A_51], %swap3A_54 {strides = array<i32>} : memref<16x128xf32, #tpu.memory_space<vmem>>, vector<1x16xf32>,
    %swap3A_55 = arith.constant 1 : i32
    %swap3A_56 = arith.index_cast %swap3A_55 : i32 to index
    %swap3A_57 = arith.constant 16 : index
    %swap3A_58 = tpu.vector_load %arg11[%swap3A_56, %swap3A_57] {strides = array<i32>} : memref<16x128xf32, #tpu.memory_space<vmem>>, vector<1x16xf32>,
    %swap3A_59 = vector.shape_cast %swap3A_58 : vector<1x16xf32> to vector<16xf32>
    %swap3A_60 = vector.shape_cast %broadcast_in_dim3A_1 : vector<16xf32> to vector<1x16xf32>
    tpu.vector_store %arg11[%swap3A_56, %swap3A_57], %swap3A_60 {strides = array<i32>} : memref<16x128xf32, #tpu.memory_space<vmem>>, vector<1x16xf32>,
    %swap3A_61 = arith.constant 1 : i32
    %swap3A_62 = arith.index_cast %swap3A_61 : i32 to index
    %swap3A_63 = arith.constant 32 : index
    %swap3A_64 = tpu.vector_load %arg11[%swap3A_62, %swap3A_63] {strides = array<i32>} : memref<16x128xf32, #tpu.memory_space<vmem>>, vector<1x16xf32>,
    %swap3A_65 = vector.shape_cast %swap3A_64 : vector<1x16xf32> to vector<16xf32>
    %swap3A_66 = vector.shape_cast %broadcast_in_dim3A_1 : vector<16xf32> to vector<1x16xf32>
    tpu.vector_store %arg11[%swap3A_62, %swap3A_63], %swap3A_66 {strides = array<i32>} : memref<16x128xf32, #tpu.memory_space<vmem>>, vector<1x16xf32>,
    %swap3A_67 = arith.constant 1 : i32
    %swap3A_68 = arith.index_cast %swap3A_67 : i32 to index
    %swap3A_69 = arith.constant 48 : index
    %swap3A_70 = tpu.vector_load %arg11[%swap3A_68, %swap3A_69] {strides = array<i32>} : memref<16x128xf32, #tpu.memory_space<vmem>>, vector<1x16xf32>,
    %swap3A_71 = vector.shape_cast %swap3A_70 : vector<1x16xf32> to vector<16xf32>
    %swap3A_72 = vector.shape_cast %broadcast_in_dim3A_1 : vector<16xf32> to vector<1x16xf32>
    tpu.vector_store %arg11[%swap3A_68, %swap3A_69], %swap3A_72 {strides = array<i32>} : memref<16x128xf32, #tpu.memory_space<vmem>>, vector<1x16xf32>,
    %swap3A_73 = arith.constant 1 : i32
    %swap3A_74 = arith.index_cast %swap3A_73 : i32 to index
    %swap3A_75 = arith.constant 64 : index
    %swap3A_76 = tpu.vector_load %arg11[%swap3A_74, %swap3A_75] {strides = array<i32>} : memref<16x128xf32, #tpu.memory_space<vmem>>, vector<1x16xf32>,
    %swap3A_77 = vector.shape_cast %swap3A_76 : vector<1x16xf32> to vector<16xf32>
    %swap3A_78 = vector.shape_cast %broadcast_in_dim3A_1 : vector<16xf32> to vector<1x16xf32>
    tpu.vector_store %arg11[%swap3A_74, %swap3A_75], %swap3A_78 {strides = array<i32>} : memref<16x128xf32, #tpu.memory_space<vmem>>, vector<1x16xf32>,
    %swap3A_79 = arith.constant 1 : i32
    %swap3A_80 = arith.index_cast %swap3A_79 : i32 to index
    %swap3A_81 = arith.constant 80 : index
    %swap3A_82 = tpu.vector_load %arg11[%swap3A_80, %swap3A_81] {strides = array<i32>} : memref<16x128xf32, #tpu.memory_space<vmem>>, vector<1x16xf32>,
    %swap3A_83 = vector.shape_cast %swap3A_82 : vector<1x16xf32> to vector<16xf32>
    %swap3A_84 = vector.shape_cast %broadcast_in_dim3A_1 : vector<16xf32> to vector<1x16xf32>
    tpu.vector_store %arg11[%swap3A_80, %swap3A_81], %swap3A_84 {strides = array<i32>} : memref<16x128xf32, #tpu.memory_space<vmem>>, vector<1x16xf32>,
    %swap3A_85 = arith.constant 1 : i32
    %swap3A_86 = arith.index_cast %swap3A_85 : i32 to index
    %swap3A_87 = arith.constant 96 : index
    %swap3A_88 = tpu.vector_load %arg11[%swap3A_86, %swap3A_87] {strides = array<i32>} : memref<16x128xf32, #tpu.memory_space<vmem>>, vector<1x16xf32>,
    %swap3A_89 = vector.shape_cast %swap3A_88 : vector<1x16xf32> to vector<16xf32>
    %swap3A_90 = vector.shape_cast %broadcast_in_dim3A_1 : vector<16xf32> to vector<1x16xf32>
    tpu.vector_store %arg11[%swap3A_86, %swap3A_87], %swap3A_90 {strides = array<i32>} : memref<16x128xf32, #tpu.memory_space<vmem>>, vector<1x16xf32>,
    %swap3A_91 = arith.constant 1 : i32
    %swap3A_92 = arith.index_cast %swap3A_91 : i32 to index
    %swap3A_93 = arith.constant 112 : index
    %swap3A_94 = tpu.vector_load %arg11[%swap3A_92, %swap3A_93] {strides = array<i32>} : memref<16x128xf32, #tpu.memory_space<vmem>>, vector<1x16xf32>,
    %swap3A_95 = vector.shape_cast %swap3A_94 : vector<1x16xf32> to vector<16xf32>
    %swap3A_96 = vector.shape_cast %broadcast_in_dim3A_1 : vector<16xf32> to vector<1x16xf32>
    tpu.vector_store %arg11[%swap3A_92, %swap3A_93], %swap3A_96 {strides = array<i32>} : memref<16x128xf32, #tpu.memory_space<vmem>>, vector<1x16xf32>,
    %swap3A_97 = arith.constant 2 : i32
    %swap3A_98 = arith.index_cast %swap3A_97 : i32 to index
    %swap3A_99 = arith.constant 0 : index
    %swap3A_100 = tpu.vector_load %arg11[%swap3A_98, %swap3A_99] {strides = array<i32>} : memref<16x128xf32, #tpu.memory_space<vmem>>, vector<1x16xf32>,
    %swap3A_101 = vector.shape_cast %swap3A_100 : vector<1x16xf32> to vector<16xf32>
    %swap3A_102 = vector.shape_cast %broadcast_in_dim3A_1 : vector<16xf32> to vector<1x16xf32>
    tpu.vector_store %arg11[%swap3A_98, %swap3A_99], %swap3A_102 {strides = array<i32>} : memref<16x128xf32, #tpu.memory_space<vmem>>, vector<1x16xf32>,
    %swap3A_103 = arith.constant 2 : i32
    %swap3A_104 = arith.index_cast %swap3A_103 : i32 to index
    %swap3A_105 = arith.constant 16 : index
    %swap3A_106 = tpu.vector_load %arg11[%swap3A_104, %swap3A_105] {strides = array<i32>} : memref<16x128xf32, #tpu.memory_space<vmem>>, vector<1x16xf32>,
    %swap3A_107 = vector.shape_cast %swap3A_106 : vector<1x16xf32> to vector<16xf32>
    %swap3A_108 = vector.shape_cast %broadcast_in_dim3A_1 : vector<16xf32> to vector<1x16xf32>
    tpu.vector_store %arg11[%swap3A_104, %swap3A_105], %swap3A_108 {strides = array<i32>} : memref<16x128xf32, #tpu.memory_space<vmem>>, vector<1x16xf32>,
    %swap3A_109 = arith.constant 2 : i32
    %swap3A_110 = arith.index_cast %swap3A_109 : i32 to index
    %swap3A_111 = arith.constant 32 : index
    %swap3A_112 = tpu.vector_load %arg11[%swap3A_110, %swap3A_111] {strides = array<i32>} : memref<16x128xf32, #tpu.memory_space<vmem>>, vector<1x16xf32>,
    %swap3A_113 = vector.shape_cast %swap3A_112 : vector<1x16xf32> to vector<16xf32>
    %swap3A_114 = vector.shape_cast %broadcast_in_dim3A_1 : vector<16xf32> to vector<1x16xf32>
    tpu.vector_store %arg11[%swap3A_110, %swap3A_111], %swap3A_114 {strides = array<i32>} : memref<16x128xf32, #tpu.memory_space<vmem>>, vector<1x16xf32>,
    %swap3A_115 = arith.constant 2 : i32
    %swap3A_116 = arith.index_cast %swap3A_115 : i32 to index
    %swap3A_117 = arith.constant 48 : index
    %swap3A_118 = tpu.vector_load %arg11[%swap3A_116, %swap3A_117] {strides = array<i32>} : memref<16x128xf32, #tpu.memory_space<vmem>>, vector<1x16xf32>,
    %swap3A_119 = vector.shape_cast %swap3A_118 : vector<1x16xf32> to vector<16xf32>
    %swap3A_120 = vector.shape_cast %broadcast_in_dim3A_1 : vector<16xf32> to vector<1x16xf32>
    tpu.vector_store %arg11[%swap3A_116, %swap3A_117], %swap3A_120 {strides = array<i32>} : memref<16x128xf32, #tpu.memory_space<vmem>>, vector<1x16xf32>,
    %swap3A_121 = arith.constant 2 : i32
    %swap3A_122 = arith.index_cast %swap3A_121 : i32 to index
    %swap3A_123 = arith.constant 64 : index
    %swap3A_124 = tpu.vector_load %arg11[%swap3A_122, %swap3A_123] {strides = array<i32>} : memref<16x128xf32, #tpu.memory_space<vmem>>, vector<1x16xf32>,
    %swap3A_125 = vector.shape_cast %swap3A_124 : vector<1x16xf32> to vector<16xf32>
    %swap3A_126 = vector.shape_cast %broadcast_in_dim3A_1 : vector<16xf32> to vector<1x16xf32>
    tpu.vector_store %arg11[%swap3A_122, %swap3A_123], %swap3A_126 {strides = array<i32>} : memref<16x128xf32, #tpu.memory_space<vmem>>, vector<1x16xf32>,
    %swap3A_127 = arith.constant 2 : i32
    %swap3A_128 = arith.index_cast %swap3A_127 : i32 to index
    %swap3A_129 = arith.constant 80 : index
    %swap3A_130 = tpu.vector_load %arg11[%swap3A_128, %swap3A_129] {strides = array<i32>} : memref<16x128xf32, #tpu.memory_space<vmem>>, vector<1x16xf32>,
    %swap3A_131 = vector.shape_cast %swap3A_130 : vector<1x16xf32> to vector<16xf32>
    %swap3A_132 = vector.shape_cast %broadcast_in_dim3A_1 : vector<16xf32> to vector<1x16xf32>
    tpu.vector_store %arg11[%swap3A_128, %swap3A_129], %swap3A_132 {strides = array<i32>} : memref<16x128xf32, #tpu.memory_space<vmem>>, vector<1x16xf32>,
    %swap3A_133 = arith.constant 2 : i32
    %swap3A_134 = arith.index_cast %swap3A_133 : i32 to index
    %swap3A_135 = arith.constant 96 : index
    %swap3A_136 = tpu.vector_load %arg11[%swap3A_134, %swap3A_135] {strides = array<i32>} : memref<16x128xf32, #tpu.memory_space<vmem>>, vector<1x16xf32>,
    %swap3A_137 = vector.shape_cast %swap3A_136 : vector<1x16xf32> to vector<16xf32>
    %swap3A_138 = vector.shape_cast %broadcast_in_dim3A_1 : vector<16xf32> to vector<1x16xf32>
    tpu.vector_store %arg11[%swap3A_134, %swap3A_135], %swap3A_138 {strides = array<i32>} : memref<16x128xf32, #tpu.memory_space<vmem>>, vector<1x16xf32>,
    %swap3A_139 = arith.constant 2 : i32
    %swap3A_140 = arith.index_cast %swap3A_139 : i32 to index
    %swap3A_141 = arith.constant 112 : index
    %swap3A_142 = tpu.vector_load %arg11[%swap3A_140, %swap3A_141] {strides = array<i32>} : memref<16x128xf32, #tpu.memory_space<vmem>>, vector<1x16xf32>,
    %swap3A_143 = vector.shape_cast %swap3A_142 : vector<1x16xf32> to vector<16xf32>
    %swap3A_144 = vector.shape_cast %broadcast_in_dim3A_1 : vector<16xf32> to vector<1x16xf32>
    tpu.vector_store %arg11[%swap3A_140, %swap3A_141], %swap3A_144 {strides = array<i32>} : memref<16x128xf32, #tpu.memory_space<vmem>>, vector<1x16xf32>,
    %swap3A_145 = arith.constant 3 : i32
    %swap3A_146 = arith.index_cast %swap3A_145 : i32 to index
    %swap3A_147 = arith.constant 0 : index
    %swap3A_148 = tpu.vector_load %arg11[%swap3A_146, %swap3A_147] {strides = array<i32>} : memref<16x128xf32, #tpu.memory_space<vmem>>, vector<1x16xf32>,
    %swap3A_149 = vector.shape_cast %swap3A_148 : vector<1x16xf32> to vector<16xf32>
    %swap3A_150 = vector.shape_cast %broadcast_in_dim3A_1 : vector<16xf32> to vector<1x16xf32>
    tpu.vector_store %arg11[%swap3A_146, %swap3A_147], %swap3A_150 {strides = array<i32>} : memref<16x128xf32, #tpu.memory_space<vmem>>, vector<1x16xf32>,
    %swap3A_151 = arith.constant 3 : i32
    %swap3A_152 = arith.index_cast %swap3A_151 : i32 to index
    %swap3A_153 = arith.constant 16 : index
    %swap3A_154 = tpu.vector_load %arg11[%swap3A_152, %swap3A_153] {strides = array<i32>} : memref<16x128xf32, #tpu.memory_space<vmem>>, vector<1x16xf32>,
    %swap3A_155 = vector.shape_cast %swap3A_154 : vector<1x16xf32> to vector<16xf32>
    %swap3A_156 = vector.shape_cast %broadcast_in_dim3A_1 : vector<16xf32> to vector<1x16xf32>
    tpu.vector_store %arg11[%swap3A_152, %swap3A_153], %swap3A_156 {strides = array<i32>} : memref<16x128xf32, #tpu.memory_space<vmem>>, vector<1x16xf32>,
    %swap3A_157 = arith.constant 3 : i32
    %swap3A_158 = arith.index_cast %swap3A_157 : i32 to index
    %swap3A_159 = arith.constant 32 : index
    %swap3A_160 = tpu.vector_load %arg11[%swap3A_158, %swap3A_159] {strides = array<i32>} : memref<16x128xf32, #tpu.memory_space<vmem>>, vector<1x16xf32>,
    %swap3A_161 = vector.shape_cast %swap3A_160 : vector<1x16xf32> to vector<16xf32>
    %swap3A_162 = vector.shape_cast %broadcast_in_dim3A_1 : vector<16xf32> to vector<1x16xf32>
    tpu.vector_store %arg11[%swap3A_158, %swap3A_159], %swap3A_162 {strides = array<i32>} : memref<16x128xf32, #tpu.memory_space<vmem>>, vector<1x16xf32>,
    %swap3A_163 = arith.constant 3 : i32
    %swap3A_164 = arith.index_cast %swap3A_163 : i32 to index
    %swap3A_165 = arith.constant 48 : index
    %swap3A_166 = tpu.vector_load %arg11[%swap3A_164, %swap3A_165] {strides = array<i32>} : memref<16x128xf32, #tpu.memory_space<vmem>>, vector<1x16xf32>,
    %swap3A_167 = vector.shape_cast %swap3A_166 : vector<1x16xf32> to vector<16xf32>
    %swap3A_168 = vector.shape_cast %broadcast_in_dim3A_1 : vector<16xf32> to vector<1x16xf32>
    tpu.vector_store %arg11[%swap3A_164, %swap3A_165], %swap3A_168 {strides = array<i32>} : memref<16x128xf32, #tpu.memory_space<vmem>>, vector<1x16xf32>,
    %swap3A_169 = arith.constant 3 : i32
    %swap3A_170 = arith.index_cast %swap3A_169 : i32 to index
    %swap3A_171 = arith.constant 64 : index
    %swap3A_172 = tpu.vector_load %arg11[%swap3A_170, %swap3A_171] {strides = array<i32>} : memref<16x128xf32, #tpu.memory_space<vmem>>, vector<1x16xf32>,
    %swap3A_173 = vector.shape_cast %swap3A_172 : vector<1x16xf32> to vector<16xf32>
    %swap3A_174 = vector.shape_cast %broadcast_in_dim3A_1 : vector<16xf32> to vector<1x16xf32>
    tpu.vector_store %arg11[%swap3A_170, %swap3A_171], %swap3A_174 {strides = array<i32>} : memref<16x128xf32, #tpu.memory_space<vmem>>, vector<1x16xf32>,
    %swap3A_175 = arith.constant 3 : i32
    %swap3A_176 = arith.index_cast %swap3A_175 : i32 to index
    %swap3A_177 = arith.constant 80 : index
    %swap3A_178 = tpu.vector_load %arg11[%swap3A_176, %swap3A_177] {strides = array<i32>} : memref<16x128xf32, #tpu.memory_space<vmem>>, vector<1x16xf32>,
    %swap3A_179 = vector.shape_cast %swap3A_178 : vector<1x16xf32> to vector<16xf32>
    %swap3A_180 = vector.shape_cast %broadcast_in_dim3A_1 : vector<16xf32> to vector<1x16xf32>
    tpu.vector_store %arg11[%swap3A_176, %swap3A_177], %swap3A_180 {strides = array<i32>} : memref<16x128xf32, #tpu.memory_space<vmem>>, vector<1x16xf32>,
    %swap3A_181 = arith.constant 3 : i32
    %swap3A_182 = arith.index_cast %swap3A_181 : i32 to index
    %swap3A_183 = arith.constant 96 : index
    %swap3A_184 = tpu.vector_load %arg11[%swap3A_182, %swap3A_183] {strides = array<i32>} : memref<16x128xf32, #tpu.memory_space<vmem>>, vector<1x16xf32>,
    %swap3A_185 = vector.shape_cast %swap3A_184 : vector<1x16xf32> to vector<16xf32>
    %swap3A_186 = vector.shape_cast %broadcast_in_dim3A_1 : vector<16xf32> to vector<1x16xf32>
    tpu.vector_store %arg11[%swap3A_182, %swap3A_183], %swap3A_186 {strides = array<i32>} : memref<16x128xf32, #tpu.memory_space<vmem>>, vector<1x16xf32>,
    %swap3A_187 = arith.constant 3 : i32
    %swap3A_188 = arith.index_cast %swap3A_187 : i32 to index
    %swap3A_189 = arith.constant 112 : index
    %swap3A_190 = tpu.vector_load %arg11[%swap3A_188, %swap3A_189] {strides = array<i32>} : memref<16x128xf32, #tpu.memory_space<vmem>>, vector<1x16xf32>,
    %swap3A_191 = vector.shape_cast %swap3A_190 : vector<1x16xf32> to vector<16xf32>
    %swap3A_192 = vector.shape_cast %broadcast_in_dim3A_1 : vector<16xf32> to vector<1x16xf32>
    tpu.vector_store %arg11[%swap3A_188, %swap3A_189], %swap3A_192 {strides = array<i32>} : memref<16x128xf32, #tpu.memory_space<vmem>>, vector<1x16xf32>,
    %swap3A_193 = arith.constant 4 : i32
    %swap3A_194 = arith.index_cast %swap3A_193 : i32 to index
    %swap3A_195 = arith.constant 0 : index
    %swap3A_196 = tpu.vector_load %arg11[%swap3A_194, %swap3A_195] {strides = array<i32>} : memref<16x128xf32, #tpu.memory_space<vmem>>, vector<1x16xf32>,
    %swap3A_197 = vector.shape_cast %swap3A_196 : vector<1x16xf32> to vector<16xf32>
    %swap3A_198 = vector.shape_cast %broadcast_in_dim3A_1 : vector<16xf32> to vector<1x16xf32>
    tpu.vector_store %arg11[%swap3A_194, %swap3A_195], %swap3A_198 {strides = array<i32>} : memref<16x128xf32, #tpu.memory_space<vmem>>, vector<1x16xf32>,
    %swap3A_199 = arith.constant 4 : i32
    %swap3A_200 = arith.index_cast %swap3A_199 : i32 to index
    %swap3A_201 = arith.constant 16 : index
    %swap3A_202 = tpu.vector_load %arg11[%swap3A_200, %swap3A_201] {strides = array<i32>} : memref<16x128xf32, #tpu.memory_space<vmem>>, vector<1x16xf32>,
    %swap3A_203 = vector.shape_cast %swap3A_202 : vector<1x16xf32> to vector<16xf32>
    %swap3A_204 = vector.shape_cast %broadcast_in_dim3A_1 : vector<16xf32> to vector<1x16xf32>
    tpu.vector_store %arg11[%swap3A_200, %swap3A_201], %swap3A_204 {strides = array<i32>} : memref<16x128xf32, #tpu.memory_space<vmem>>, vector<1x16xf32>,
    %swap3A_205 = arith.constant 4 : i32
    %swap3A_206 = arith.index_cast %swap3A_205 : i32 to index
    %swap3A_207 = arith.constant 32 : index
    %swap3A_208 = tpu.vector_load %arg11[%swap3A_206, %swap3A_207] {strides = array<i32>} : memref<16x128xf32, #tpu.memory_space<vmem>>, vector<1x16xf32>,
    %swap3A_209 = vector.shape_cast %swap3A_208 : vector<1x16xf32> to vector<16xf32>
    %swap3A_210 = vector.shape_cast %broadcast_in_dim3A_1 : vector<16xf32> to vector<1x16xf32>
    tpu.vector_store %arg11[%swap3A_206, %swap3A_207], %swap3A_210 {strides = array<i32>} : memref<16x128xf32, #tpu.memory_space<vmem>>, vector<1x16xf32>,
    %swap3A_211 = arith.constant 4 : i32
    %swap3A_212 = arith.index_cast %swap3A_211 : i32 to index
    %swap3A_213 = arith.constant 48 : index
    %swap3A_214 = tpu.vector_load %arg11[%swap3A_212, %swap3A_213] {strides = array<i32>} : memref<16x128xf32, #tpu.memory_space<vmem>>, vector<1x16xf32>,
    %swap3A_215 = vector.shape_cast %swap3A_214 : vector<1x16xf32> to vector<16xf32>
    %swap3A_216 = vector.shape_cast %broadcast_in_dim3A_1 : vector<16xf32> to vector<1x16xf32>
    tpu.vector_store %arg11[%swap3A_212, %swap3A_213], %swap3A_216 {strides = array<i32>} : memref<16x128xf32, #tpu.memory_space<vmem>>, vector<1x16xf32>,
    %swap3A_217 = arith.constant 4 : i32
    %swap3A_218 = arith.index_cast %swap3A_217 : i32 to index
    %swap3A_219 = arith.constant 64 : index
    %swap3A_220 = tpu.vector_load %arg11[%swap3A_218, %swap3A_219] {strides = array<i32>} : memref<16x128xf32, #tpu.memory_space<vmem>>, vector<1x16xf32>,
    %swap3A_221 = vector.shape_cast %swap3A_220 : vector<1x16xf32> to vector<16xf32>
    %swap3A_222 = vector.shape_cast %broadcast_in_dim3A_1 : vector<16xf32> to vector<1x16xf32>
    tpu.vector_store %arg11[%swap3A_218, %swap3A_219], %swap3A_222 {strides = array<i32>} : memref<16x128xf32, #tpu.memory_space<vmem>>, vector<1x16xf32>,
    %swap3A_223 = arith.constant 4 : i32
    %swap3A_224 = arith.index_cast %swap3A_223 : i32 to index
    %swap3A_225 = arith.constant 80 : index
    %swap3A_226 = tpu.vector_load %arg11[%swap3A_224, %swap3A_225] {strides = array<i32>} : memref<16x128xf32, #tpu.memory_space<vmem>>, vector<1x16xf32>,
    %swap3A_227 = vector.shape_cast %swap3A_226 : vector<1x16xf32> to vector<16xf32>
    %swap3A_228 = vector.shape_cast %broadcast_in_dim3A_1 : vector<16xf32> to vector<1x16xf32>
    tpu.vector_store %arg11[%swap3A_224, %swap3A_225], %swap3A_228 {strides = array<i32>} : memref<16x128xf32, #tpu.memory_space<vmem>>, vector<1x16xf32>,
    %swap3A_229 = arith.constant 4 : i32
    %swap3A_230 = arith.index_cast %swap3A_229 : i32 to index
    %swap3A_231 = arith.constant 96 : index
    %swap3A_232 = tpu.vector_load %arg11[%swap3A_230, %swap3A_231] {strides = array<i32>} : memref<16x128xf32, #tpu.memory_space<vmem>>, vector<1x16xf32>,
    %swap3A_233 = vector.shape_cast %swap3A_232 : vector<1x16xf32> to vector<16xf32>
    %swap3A_234 = vector.shape_cast %broadcast_in_dim3A_1 : vector<16xf32> to vector<1x16xf32>
    tpu.vector_store %arg11[%swap3A_230, %swap3A_231], %swap3A_234 {strides = array<i32>} : memref<16x128xf32, #tpu.memory_space<vmem>>, vector<1x16xf32>,
    %swap3A_235 = arith.constant 4 : i32
    %swap3A_236 = arith.index_cast %swap3A_235 : i32 to index
    %swap3A_237 = arith.constant 112 : index
    %swap3A_238 = tpu.vector_load %arg11[%swap3A_236, %swap3A_237] {strides = array<i32>} : memref<16x128xf32, #tpu.memory_space<vmem>>, vector<1x16xf32>,
    %swap3A_239 = vector.shape_cast %swap3A_238 : vector<1x16xf32> to vector<16xf32>
    %swap3A_240 = vector.shape_cast %broadcast_in_dim3A_1 : vector<16xf32> to vector<1x16xf32>
    tpu.vector_store %arg11[%swap3A_236, %swap3A_237], %swap3A_240 {strides = array<i32>} : memref<16x128xf32, #tpu.memory_space<vmem>>, vector<1x16xf32>,
    %swap3A_241 = arith.constant 5 : i32
    %swap3A_242 = arith.index_cast %swap3A_241 : i32 to index
    %swap3A_243 = arith.constant 0 : index
    %swap3A_244 = tpu.vector_load %arg11[%swap3A_242, %swap3A_243] {strides = array<i32>} : memref<16x128xf32, #tpu.memory_space<vmem>>, vector<1x16xf32>,
    %swap3A_245 = vector.shape_cast %swap3A_244 : vector<1x16xf32> to vector<16xf32>
    %swap3A_246 = vector.shape_cast %broadcast_in_dim3A_1 : vector<16xf32> to vector<1x16xf32>
    tpu.vector_store %arg11[%swap3A_242, %swap3A_243], %swap3A_246 {strides = array<i32>} : memref<16x128xf32, #tpu.memory_space<vmem>>, vector<1x16xf32>,
    %swap3A_247 = arith.constant 5 : i32
    %swap3A_248 = arith.index_cast %swap3A_247 : i32 to index
    %swap3A_249 = arith.constant 16 : index
    %swap3A_250 = tpu.vector_load %arg11[%swap3A_248, %swap3A_249] {strides = array<i32>} : memref<16x128xf32, #tpu.memory_space<vmem>>, vector<1x16xf32>,
    %swap3A_251 = vector.shape_cast %swap3A_250 : vector<1x16xf32> to vector<16xf32>
    %swap3A_252 = vector.shape_cast %broadcast_in_dim3A_1 : vector<16xf32> to vector<1x16xf32>
    tpu.vector_store %arg11[%swap3A_248, %swap3A_249], %swap3A_252 {strides = array<i32>} : memref<16x128xf32, #tpu.memory_space<vmem>>, vector<1x16xf32>,
    %swap3A_253 = arith.constant 5 : i32
    %swap3A_254 = arith.index_cast %swap3A_253 : i32 to index
    %swap3A_255 = arith.constant 32 : index
    %swap3A_256 = tpu.vector_load %arg11[%swap3A_254, %swap3A_255] {strides = array<i32>} : memref<16x128xf32, #tpu.memory_space<vmem>>, vector<1x16xf32>,
    %swap3A_257 = vector.shape_cast %swap3A_256 : vector<1x16xf32> to vector<16xf32>
    %swap3A_258 = vector.shape_cast %broadcast_in_dim3A_1 : vector<16xf32> to vector<1x16xf32>
    tpu.vector_store %arg11[%swap3A_254, %swap3A_255], %swap3A_258 {strides = array<i32>} : memref<16x128xf32, #tpu.memory_space<vmem>>, vector<1x16xf32>,
    %swap3A_259 = arith.constant 5 : i32
    %swap3A_260 = arith.index_cast %swap3A_259 : i32 to index
    %swap3A_261 = arith.constant 48 : index
    %swap3A_262 = tpu.vector_load %arg11[%swap3A_260, %swap3A_261] {strides = array<i32>} : memref<16x128xf32, #tpu.memory_space<vmem>>, vector<1x16xf32>,
    %swap3A_263 = vector.shape_cast %swap3A_262 : vector<1x16xf32> to vector<16xf32>
    %swap3A_264 = vector.shape_cast %broadcast_in_dim3A_1 : vector<16xf32> to vector<1x16xf32>
    tpu.vector_store %arg11[%swap3A_260, %swap3A_261], %swap3A_264 {strides = array<i32>} : memref<16x128xf32, #tpu.memory_space<vmem>>, vector<1x16xf32>,
    %swap3A_265 = arith.constant 5 : i32
    %swap3A_266 = arith.index_cast %swap3A_265 : i32 to index
    %swap3A_267 = arith.constant 64 : index
    %swap3A_268 = tpu.vector_load %arg11[%swap3A_266, %swap3A_267] {strides = array<i32>} : memref<16x128xf32, #tpu.memory_space<vmem>>, vector<1x16xf32>,
    %swap3A_269 = vector.shape_cast %swap3A_268 : vector<1x16xf32> to vector<16xf32>
    %swap3A_270 = vector.shape_cast %broadcast_in_dim3A_1 : vector<16xf32> to vector<1x16xf32>
    tpu.vector_store %arg11[%swap3A_266, %swap3A_267], %swap3A_270 {strides = array<i32>} : memref<16x128xf32, #tpu.memory_space<vmem>>, vector<1x16xf32>,
    %swap3A_271 = arith.constant 5 : i32
    %swap3A_272 = arith.index_cast %swap3A_271 : i32 to index
    %swap3A_273 = arith.constant 80 : index
    %swap3A_274 = tpu.vector_load %arg11[%swap3A_272, %swap3A_273] {strides = array<i32>} : memref<16x128xf32, #tpu.memory_space<vmem>>, vector<1x16xf32>,
    %swap3A_275 = vector.shape_cast %swap3A_274 : vector<1x16xf32> to vector<16xf32>
    %swap3A_276 = vector.shape_cast %broadcast_in_dim3A_1 : vector<16xf32> to vector<1x16xf32>
    tpu.vector_store %arg11[%swap3A_272, %swap3A_273], %swap3A_276 {strides = array<i32>} : memref<16x128xf32, #tpu.memory_space<vmem>>, vector<1x16xf32>,
    %swap3A_277 = arith.constant 5 : i32
    %swap3A_278 = arith.index_cast %swap3A_277 : i32 to index
    %swap3A_279 = arith.constant 96 : index
    %swap3A_280 = tpu.vector_load %arg11[%swap3A_278, %swap3A_279] {strides = array<i32>} : memref<16x128xf32, #tpu.memory_space<vmem>>, vector<1x16xf32>,
    %swap3A_281 = vector.shape_cast %swap3A_280 : vector<1x16xf32> to vector<16xf32>
    %swap3A_282 = vector.shape_cast %broadcast_in_dim3A_1 : vector<16xf32> to vector<1x16xf32>
    tpu.vector_store %arg11[%swap3A_278, %swap3A_279], %swap3A_282 {strides = array<i32>} : memref<16x128xf32, #tpu.memory_space<vmem>>, vector<1x16xf32>,
    %swap3A_283 = arith.constant 5 : i32
    %swap3A_284 = arith.index_cast %swap3A_283 : i32 to index
    %swap3A_285 = arith.constant 112 : index
    %swap3A_286 = tpu.vector_load %arg11[%swap3A_284, %swap3A_285] {strides = array<i32>} : memref<16x128xf32, #tpu.memory_space<vmem>>, vector<1x16xf32>,
    %swap3A_287 = vector.shape_cast %swap3A_286 : vector<1x16xf32> to vector<16xf32>
    %swap3A_288 = vector.shape_cast %broadcast_in_dim3A_1 : vector<16xf32> to vector<1x16xf32>
    tpu.vector_store %arg11[%swap3A_284, %swap3A_285], %swap3A_288 {strides = array<i32>} : memref<16x128xf32, #tpu.memory_space<vmem>>, vector<1x16xf32>,
    %swap3A_289 = arith.constant 6 : i32
    %swap3A_290 = arith.index_cast %swap3A_289 : i32 to index
    %swap3A_291 = arith.constant 0 : index
    %swap3A_292 = tpu.vector_load %arg11[%swap3A_290, %swap3A_291] {strides = array<i32>} : memref<16x128xf32, #tpu.memory_space<vmem>>, vector<1x16xf32>,
    %swap3A_293 = vector.shape_cast %swap3A_292 : vector<1x16xf32> to vector<16xf32>
    %swap3A_294 = vector.shape_cast %broadcast_in_dim3A_1 : vector<16xf32> to vector<1x16xf32>
    tpu.vector_store %arg11[%swap3A_290, %swap3A_291], %swap3A_294 {strides = array<i32>} : memref<16x128xf32, #tpu.memory_space<vmem>>, vector<1x16xf32>,
    %swap3A_295 = arith.constant 6 : i32
    %swap3A_296 = arith.index_cast %swap3A_295 : i32 to index
    %swap3A_297 = arith.constant 16 : index
    %swap3A_298 = tpu.vector_load %arg11[%swap3A_296, %swap3A_297] {strides = array<i32>} : memref<16x128xf32, #tpu.memory_space<vmem>>, vector<1x16xf32>,
    %swap3A_299 = vector.shape_cast %swap3A_298 : vector<1x16xf32> to vector<16xf32>
    %swap3A_300 = vector.shape_cast %broadcast_in_dim3A_1 : vector<16xf32> to vector<1x16xf32>
    tpu.vector_store %arg11[%swap3A_296, %swap3A_297], %swap3A_300 {strides = array<i32>} : memref<16x128xf32, #tpu.memory_space<vmem>>, vector<1x16xf32>,
    %swap3A_301 = arith.constant 6 : i32
    %swap3A_302 = arith.index_cast %swap3A_301 : i32 to index
    %swap3A_303 = arith.constant 32 : index
    %swap3A_304 = tpu.vector_load %arg11[%swap3A_302, %swap3A_303] {strides = array<i32>} : memref<16x128xf32, #tpu.memory_space<vmem>>, vector<1x16xf32>,
    %swap3A_305 = vector.shape_cast %swap3A_304 : vector<1x16xf32> to vector<16xf32>
    %swap3A_306 = vector.shape_cast %broadcast_in_dim3A_1 : vector<16xf32> to vector<1x16xf32>
    tpu.vector_store %arg11[%swap3A_302, %swap3A_303], %swap3A_306 {strides = array<i32>} : memref<16x128xf32, #tpu.memory_space<vmem>>, vector<1x16xf32>,
    %swap3A_307 = arith.constant 6 : i32
    %swap3A_308 = arith.index_cast %swap3A_307 : i32 to index
    %swap3A_309 = arith.constant 48 : index
    %swap3A_310 = tpu.vector_load %arg11[%swap3A_308, %swap3A_309] {strides = array<i32>} : memref<16x128xf32, #tpu.memory_space<vmem>>, vector<1x16xf32>,
    %swap3A_311 = vector.shape_cast %swap3A_310 : vector<1x16xf32> to vector<16xf32>
    %swap3A_312 = vector.shape_cast %broadcast_in_dim3A_1 : vector<16xf32> to vector<1x16xf32>
    tpu.vector_store %arg11[%swap3A_308, %swap3A_309], %swap3A_312 {strides = array<i32>} : memref<16x128xf32, #tpu.memory_space<vmem>>, vector<1x16xf32>,
    %swap3A_313 = arith.constant 6 : i32
    %swap3A_314 = arith.index_cast %swap3A_313 : i32 to index
    %swap3A_315 = arith.constant 64 : index
    %swap3A_316 = tpu.vector_load %arg11[%swap3A_314, %swap3A_315] {strides = array<i32>} : memref<16x128xf32, #tpu.memory_space<vmem>>, vector<1x16xf32>,
    %swap3A_317 = vector.shape_cast %swap3A_316 : vector<1x16xf32> to vector<16xf32>
    %swap3A_318 = vector.shape_cast %broadcast_in_dim3A_1 : vector<16xf32> to vector<1x16xf32>
    tpu.vector_store %arg11[%swap3A_314, %swap3A_315], %swap3A_318 {strides = array<i32>} : memref<16x128xf32, #tpu.memory_space<vmem>>, vector<1x16xf32>,
    %swap3A_319 = arith.constant 6 : i32
    %swap3A_320 = arith.index_cast %swap3A_319 : i32 to index
    %swap3A_321 = arith.constant 80 : index
    %swap3A_322 = tpu.vector_load %arg11[%swap3A_320, %swap3A_321] {strides = array<i32>} : memref<16x128xf32, #tpu.memory_space<vmem>>, vector<1x16xf32>,
    %swap3A_323 = vector.shape_cast %swap3A_322 : vector<1x16xf32> to vector<16xf32>
    %swap3A_324 = vector.shape_cast %broadcast_in_dim3A_1 : vector<16xf32> to vector<1x16xf32>
    tpu.vector_store %arg11[%swap3A_320, %swap3A_321], %swap3A_324 {strides = array<i32>} : memref<16x128xf32, #tpu.memory_space<vmem>>, vector<1x16xf32>,
    %swap3A_325 = arith.constant 6 : i32
    %swap3A_326 = arith.index_cast %swap3A_325 : i32 to index
    %swap3A_327 = arith.constant 96 : index
    %swap3A_328 = tpu.vector_load %arg11[%swap3A_326, %swap3A_327] {strides = array<i32>} : memref<16x128xf32, #tpu.memory_space<vmem>>, vector<1x16xf32>,
    %swap3A_329 = vector.shape_cast %swap3A_328 : vector<1x16xf32> to vector<16xf32>
    %swap3A_330 = vector.shape_cast %broadcast_in_dim3A_1 : vector<16xf32> to vector<1x16xf32>
    tpu.vector_store %arg11[%swap3A_326, %swap3A_327], %swap3A_330 {strides = array<i32>} : memref<16x128xf32, #tpu.memory_space<vmem>>, vector<1x16xf32>,
    %swap3A_331 = arith.constant 6 : i32
    %swap3A_332 = arith.index_cast %swap3A_331 : i32 to index
    %swap3A_333 = arith.constant 112 : index
    %swap3A_334 = tpu.vector_load %arg11[%swap3A_332, %swap3A_333] {strides = array<i32>} : memref<16x128xf32, #tpu.memory_space<vmem>>, vector<1x16xf32>,
    %swap3A_335 = vector.shape_cast %swap3A_334 : vector<1x16xf32> to vector<16xf32>
    %swap3A_336 = vector.shape_cast %broadcast_in_dim3A_1 : vector<16xf32> to vector<1x16xf32>
    tpu.vector_store %arg11[%swap3A_332, %swap3A_333], %swap3A_336 {strides = array<i32>} : memref<16x128xf32, #tpu.memory_space<vmem>>, vector<1x16xf32>,
    %swap3A_337 = arith.constant 7 : i32
    %swap3A_338 = arith.index_cast %swap3A_337 : i32 to index
    %swap3A_339 = arith.constant 0 : index
    %swap3A_340 = tpu.vector_load %arg11[%swap3A_338, %swap3A_339] {strides = array<i32>} : memref<16x128xf32, #tpu.memory_space<vmem>>, vector<1x16xf32>,
    %swap3A_341 = vector.shape_cast %swap3A_340 : vector<1x16xf32> to vector<16xf32>
    %swap3A_342 = vector.shape_cast %broadcast_in_dim3A_1 : vector<16xf32> to vector<1x16xf32>
    tpu.vector_store %arg11[%swap3A_338, %swap3A_339], %swap3A_342 {strides = array<i32>} : memref<16x128xf32, #tpu.memory_space<vmem>>, vector<1x16xf32>,
    %swap3A_343 = arith.constant 7 : i32
    %swap3A_344 = arith.index_cast %swap3A_343 : i32 to index
    %swap3A_345 = arith.constant 16 : index
    %swap3A_346 = tpu.vector_load %arg11[%swap3A_344, %swap3A_345] {strides = array<i32>} : memref<16x128xf32, #tpu.memory_space<vmem>>, vector<1x16xf32>,
    %swap3A_347 = vector.shape_cast %swap3A_346 : vector<1x16xf32> to vector<16xf32>
    %swap3A_348 = vector.shape_cast %broadcast_in_dim3A_1 : vector<16xf32> to vector<1x16xf32>
    tpu.vector_store %arg11[%swap3A_344, %swap3A_345], %swap3A_348 {strides = array<i32>} : memref<16x128xf32, #tpu.memory_space<vmem>>, vector<1x16xf32>,
    %swap3A_349 = arith.constant 7 : i32
    %swap3A_350 = arith.index_cast %swap3A_349 : i32 to index
    %swap3A_351 = arith.constant 32 : index
    %swap3A_352 = tpu.vector_load %arg11[%swap3A_350, %swap3A_351] {strides = array<i32>} : memref<16x128xf32, #tpu.memory_space<vmem>>, vector<1x16xf32>,
    %swap3A_353 = vector.shape_cast %swap3A_352 : vector<1x16xf32> to vector<16xf32>
    %swap3A_354 = vector.shape_cast %broadcast_in_dim3A_1 : vector<16xf32> to vector<1x16xf32>
    tpu.vector_store %arg11[%swap3A_350, %swap3A_351], %swap3A_354 {strides = array<i32>} : memref<16x128xf32, #tpu.memory_space<vmem>>, vector<1x16xf32>,
    %swap3A_355 = arith.constant 7 : i32
    %swap3A_356 = arith.index_cast %swap3A_355 : i32 to index
    %swap3A_357 = arith.constant 48 : index
    %swap3A_358 = tpu.vector_load %arg11[%swap3A_356, %swap3A_357] {strides = array<i32>} : memref<16x128xf32, #tpu.memory_space<vmem>>, vector<1x16xf32>,
    %swap3A_359 = vector.shape_cast %swap3A_358 : vector<1x16xf32> to vector<16xf32>
    %swap3A_360 = vector.shape_cast %broadcast_in_dim3A_1 : vector<16xf32> to vector<1x16xf32>
    tpu.vector_store %arg11[%swap3A_356, %swap3A_357], %swap3A_360 {strides = array<i32>} : memref<16x128xf32, #tpu.memory_space<vmem>>, vector<1x16xf32>,
    %swap3A_361 = arith.constant 7 : i32
    %swap3A_362 = arith.index_cast %swap3A_361 : i32 to index
    %swap3A_363 = arith.constant 64 : index
    %swap3A_364 = tpu.vector_load %arg11[%swap3A_362, %swap3A_363] {strides = array<i32>} : memref<16x128xf32, #tpu.memory_space<vmem>>, vector<1x16xf32>,
    %swap3A_365 = vector.shape_cast %swap3A_364 : vector<1x16xf32> to vector<16xf32>
    %swap3A_366 = vector.shape_cast %broadcast_in_dim3A_1 : vector<16xf32> to vector<1x16xf32>
    tpu.vector_store %arg11[%swap3A_362, %swap3A_363], %swap3A_366 {strides = array<i32>} : memref<16x128xf32, #tpu.memory_space<vmem>>, vector<1x16xf32>,
    %swap3A_367 = arith.constant 7 : i32
    %swap3A_368 = arith.index_cast %swap3A_367 : i32 to index
    %swap3A_369 = arith.constant 80 : index
    %swap3A_370 = tpu.vector_load %arg11[%swap3A_368, %swap3A_369] {strides = array<i32>} : memref<16x128xf32, #tpu.memory_space<vmem>>, vector<1x16xf32>,
    %swap3A_371 = vector.shape_cast %swap3A_370 : vector<1x16xf32> to vector<16xf32>
    %swap3A_372 = vector.shape_cast %broadcast_in_dim3A_1 : vector<16xf32> to vector<1x16xf32>
    tpu.vector_store %arg11[%swap3A_368, %swap3A_369], %swap3A_372 {strides = array<i32>} : memref<16x128xf32, #tpu.memory_space<vmem>>, vector<1x16xf32>,
    %swap3A_373 = arith.constant 7 : i32
    %swap3A_374 = arith.index_cast %swap3A_373 : i32 to index
    %swap3A_375 = arith.constant 96 : index
    %swap3A_376 = tpu.vector_load %arg11[%swap3A_374, %swap3A_375] {strides = array<i32>} : memref<16x128xf32, #tpu.memory_space<vmem>>, vector<1x16xf32>,
    %swap3A_377 = vector.shape_cast %swap3A_376 : vector<1x16xf32> to vector<16xf32>
    %swap3A_378 = vector.shape_cast %broadcast_in_dim3A_1 : vector<16xf32> to vector<1x16xf32>
    tpu.vector_store %arg11[%swap3A_374, %swap3A_375], %swap3A_378 {strides = array<i32>} : memref<16x128xf32, #tpu.memory_space<vmem>>, vector<1x16xf32>,
    %swap3A_379 = arith.constant 7 : i32
    %swap3A_380 = arith.index_cast %swap3A_379 : i32 to index
    %swap3A_381 = arith.constant 112 : index
    %swap3A_382 = tpu.vector_load %arg11[%swap3A_380, %swap3A_381] {strides = array<i32>} : memref<16x128xf32, #tpu.memory_space<vmem>>, vector<1x16xf32>,
    %swap3A_383 = vector.shape_cast %swap3A_382 : vector<1x16xf32> to vector<16xf32>
    %swap3A_384 = vector.shape_cast %broadcast_in_dim3A_1 : vector<16xf32> to vector<1x16xf32>
    tpu.vector_store %arg11[%swap3A_380, %swap3A_381], %swap3A_384 {strides = array<i32>} : memref<16x128xf32, #tpu.memory_space<vmem>>, vector<1x16xf32>,
    %swap3A_385 = arith.constant 8 : i32
    %swap3A_386 = arith.index_cast %swap3A_385 : i32 to index
    %swap3A_387 = arith.constant 0 : index
    %swap3A_388 = tpu.vector_load %arg11[%swap3A_386, %swap3A_387] {strides = array<i32>} : memref<16x128xf32, #tpu.memory_space<vmem>>, vector<1x16xf32>,
    %swap3A_389 = vector.shape_cast %swap3A_388 : vector<1x16xf32> to vector<16xf32>
    %swap3A_390 = vector.shape_cast %broadcast_in_dim3A_1 : vector<16xf32> to vector<1x16xf32>
    tpu.vector_store %arg11[%swap3A_386, %swap3A_387], %swap3A_390 {strides = array<i32>} : memref<16x128xf32, #tpu.memory_space<vmem>>, vector<1x16xf32>,
    %swap3A_391 = arith.constant 8 : i32
    %swap3A_392 = arith.index_cast %swap3A_391 : i32 to index
    %swap3A_393 = arith.constant 16 : index
    %swap3A_394 = tpu.vector_load %arg11[%swap3A_392, %swap3A_393] {strides = array<i32>} : memref<16x128xf32, #tpu.memory_space<vmem>>, vector<1x16xf32>,
    %swap3A_395 = vector.shape_cast %swap3A_394 : vector<1x16xf32> to vector<16xf32>
    %swap3A_396 = vector.shape_cast %broadcast_in_dim3A_1 : vector<16xf32> to vector<1x16xf32>
    tpu.vector_store %arg11[%swap3A_392, %swap3A_393], %swap3A_396 {strides = array<i32>} : memref<16x128xf32, #tpu.memory_space<vmem>>, vector<1x16xf32>,
    %swap3A_397 = arith.constant 8 : i32
    %swap3A_398 = arith.index_cast %swap3A_397 : i32 to index
    %swap3A_399 = arith.constant 32 : index
    %swap3A_400 = tpu.vector_load %arg11[%swap3A_398, %swap3A_399] {strides = array<i32>} : memref<16x128xf32, #tpu.memory_space<vmem>>, vector<1x16xf32>,
    %swap3A_401 = vector.shape_cast %swap3A_400 : vector<1x16xf32> to vector<16xf32>
    %swap3A_402 = vector.shape_cast %broadcast_in_dim3A_1 : vector<16xf32> to vector<1x16xf32>
    tpu.vector_store %arg11[%swap3A_398, %swap3A_399], %swap3A_402 {strides = array<i32>} : memref<16x128xf32, #tpu.memory_space<vmem>>, vector<1x16xf32>,
    %swap3A_403 = arith.constant 8 : i32
    %swap3A_404 = arith.index_cast %swap3A_403 : i32 to index
    %swap3A_405 = arith.constant 48 : index
    %swap3A_406 = tpu.vector_load %arg11[%swap3A_404, %swap3A_405] {strides = array<i32>} : memref<16x128xf32, #tpu.memory_space<vmem>>, vector<1x16xf32>,
    %swap3A_407 = vector.shape_cast %swap3A_406 : vector<1x16xf32> to vector<16xf32>
    %swap3A_408 = vector.shape_cast %broadcast_in_dim3A_1 : vector<16xf32> to vector<1x16xf32>
    tpu.vector_store %arg11[%swap3A_404, %swap3A_405], %swap3A_408 {strides = array<i32>} : memref<16x128xf32, #tpu.memory_space<vmem>>, vector<1x16xf32>,
    %swap3A_409 = arith.constant 8 : i32
    %swap3A_410 = arith.index_cast %swap3A_409 : i32 to index
    %swap3A_411 = arith.constant 64 : index
    %swap3A_412 = tpu.vector_load %arg11[%swap3A_410, %swap3A_411] {strides = array<i32>} : memref<16x128xf32, #tpu.memory_space<vmem>>, vector<1x16xf32>,
    %swap3A_413 = vector.shape_cast %swap3A_412 : vector<1x16xf32> to vector<16xf32>
    %swap3A_414 = vector.shape_cast %broadcast_in_dim3A_1 : vector<16xf32> to vector<1x16xf32>
    tpu.vector_store %arg11[%swap3A_410, %swap3A_411], %swap3A_414 {strides = array<i32>} : memref<16x128xf32, #tpu.memory_space<vmem>>, vector<1x16xf32>,
    %swap3A_415 = arith.constant 8 : i32
    %swap3A_416 = arith.index_cast %swap3A_415 : i32 to index
    %swap3A_417 = arith.constant 80 : index
    %swap3A_418 = tpu.vector_load %arg11[%swap3A_416, %swap3A_417] {strides = array<i32>} : memref<16x128xf32, #tpu.memory_space<vmem>>, vector<1x16xf32>,
    %swap3A_419 = vector.shape_cast %swap3A_418 : vector<1x16xf32> to vector<16xf32>
    %swap3A_420 = vector.shape_cast %broadcast_in_dim3A_1 : vector<16xf32> to vector<1x16xf32>
    tpu.vector_store %arg11[%swap3A_416, %swap3A_417], %swap3A_420 {strides = array<i32>} : memref<16x128xf32, #tpu.memory_space<vmem>>, vector<1x16xf32>,
    %swap3A_421 = arith.constant 8 : i32
    %swap3A_422 = arith.index_cast %swap3A_421 : i32 to index
    %swap3A_423 = arith.constant 96 : index
    %swap3A_424 = tpu.vector_load %arg11[%swap3A_422, %swap3A_423] {strides = array<i32>} : memref<16x128xf32, #tpu.memory_space<vmem>>, vector<1x16xf32>,
    %swap3A_425 = vector.shape_cast %swap3A_424 : vector<1x16xf32> to vector<16xf32>
    %swap3A_426 = vector.shape_cast %broadcast_in_dim3A_1 : vector<16xf32> to vector<1x16xf32>
    tpu.vector_store %arg11[%swap3A_422, %swap3A_423], %swap3A_426 {strides = array<i32>} : memref<16x128xf32, #tpu.memory_space<vmem>>, vector<1x16xf32>,
    %swap3A_427 = arith.constant 8 : i32
    %swap3A_428 = arith.index_cast %swap3A_427 : i32 to index
    %swap3A_429 = arith.constant 112 : index
    %swap3A_430 = tpu.vector_load %arg11[%swap3A_428, %swap3A_429] {strides = array<i32>} : memref<16x128xf32, #tpu.memory_space<vmem>>, vector<1x16xf32>,
    %swap3A_431 = vector.shape_cast %swap3A_430 : vector<1x16xf32> to vector<16xf32>
    %swap3A_432 = vector.shape_cast %broadcast_in_dim3A_1 : vector<16xf32> to vector<1x16xf32>
    tpu.vector_store %arg11[%swap3A_428, %swap3A_429], %swap3A_432 {strides = array<i32>} : memref<16x128xf32, #tpu.memory_space<vmem>>, vector<1x16xf32>,
    %swap3A_433 = arith.constant 9 : i32
    %swap3A_434 = arith.index_cast %swap3A_433 : i32 to index
    %swap3A_435 = arith.constant 0 : index
    %swap3A_436 = tpu.vector_load %arg11[%swap3A_434, %swap3A_435] {strides = array<i32>} : memref<16x128xf32, #tpu.memory_space<vmem>>, vector<1x16xf32>,
    %swap3A_437 = vector.shape_cast %swap3A_436 : vector<1x16xf32> to vector<16xf32>
    %swap3A_438 = vector.shape_cast %broadcast_in_dim3A_1 : vector<16xf32> to vector<1x16xf32>
    tpu.vector_store %arg11[%swap3A_434, %swap3A_435], %swap3A_438 {strides = array<i32>} : memref<16x128xf32, #tpu.memory_space<vmem>>, vector<1x16xf32>,
    %swap3A_439 = arith.constant 9 : i32
    %swap3A_440 = arith.index_cast %swap3A_439 : i32 to index
    %swap3A_441 = arith.constant 16 : index
    %swap3A_442 = tpu.vector_load %arg11[%swap3A_440, %swap3A_441] {strides = array<i32>} : memref<16x128xf32, #tpu.memory_space<vmem>>, vector<1x16xf32>,
    %swap3A_443 = vector.shape_cast %swap3A_442 : vector<1x16xf32> to vector<16xf32>
    %swap3A_444 = vector.shape_cast %broadcast_in_dim3A_1 : vector<16xf32> to vector<1x16xf32>
    tpu.vector_store %arg11[%swap3A_440, %swap3A_441], %swap3A_444 {strides = array<i32>} : memref<16x128xf32, #tpu.memory_space<vmem>>, vector<1x16xf32>,
    %swap3A_445 = arith.constant 9 : i32
    %swap3A_446 = arith.index_cast %swap3A_445 : i32 to index
    %swap3A_447 = arith.constant 32 : index
    %swap3A_448 = tpu.vector_load %arg11[%swap3A_446, %swap3A_447] {strides = array<i32>} : memref<16x128xf32, #tpu.memory_space<vmem>>, vector<1x16xf32>,
    %swap3A_449 = vector.shape_cast %swap3A_448 : vector<1x16xf32> to vector<16xf32>
    %swap3A_450 = vector.shape_cast %broadcast_in_dim3A_1 : vector<16xf32> to vector<1x16xf32>
    tpu.vector_store %arg11[%swap3A_446, %swap3A_447], %swap3A_450 {strides = array<i32>} : memref<16x128xf32, #tpu.memory_space<vmem>>, vector<1x16xf32>,
    %swap3A_451 = arith.constant 9 : i32
    %swap3A_452 = arith.index_cast %swap3A_451 : i32 to index
    %swap3A_453 = arith.constant 48 : index
    %swap3A_454 = tpu.vector_load %arg11[%swap3A_452, %swap3A_453] {strides = array<i32>} : memref<16x128xf32, #tpu.memory_space<vmem>>, vector<1x16xf32>,
    %swap3A_455 = vector.shape_cast %swap3A_454 : vector<1x16xf32> to vector<16xf32>
    %swap3A_456 = vector.shape_cast %broadcast_in_dim3A_1 : vector<16xf32> to vector<1x16xf32>
    tpu.vector_store %arg11[%swap3A_452, %swap3A_453], %swap3A_456 {strides = array<i32>} : memref<16x128xf32, #tpu.memory_space<vmem>>, vector<1x16xf32>,
    %swap3A_457 = arith.constant 9 : i32
    %swap3A_458 = arith.index_cast %swap3A_457 : i32 to index
    %swap3A_459 = arith.constant 64 : index
    %swap3A_460 = tpu.vector_load %arg11[%swap3A_458, %swap3A_459] {strides = array<i32>} : memref<16x128xf32, #tpu.memory_space<vmem>>, vector<1x16xf32>,
    %swap3A_461 = vector.shape_cast %swap3A_460 : vector<1x16xf32> to vector<16xf32>
    %swap3A_462 = vector.shape_cast %broadcast_in_dim3A_1 : vector<16xf32> to vector<1x16xf32>
    tpu.vector_store %arg11[%swap3A_458, %swap3A_459], %swap3A_462 {strides = array<i32>} : memref<16x128xf32, #tpu.memory_space<vmem>>, vector<1x16xf32>,
    %swap3A_463 = arith.constant 9 : i32
    %swap3A_464 = arith.index_cast %swap3A_463 : i32 to index
    %swap3A_465 = arith.constant 80 : index
    %swap3A_466 = tpu.vector_load %arg11[%swap3A_464, %swap3A_465] {strides = array<i32>} : memref<16x128xf32, #tpu.memory_space<vmem>>, vector<1x16xf32>,
    %swap3A_467 = vector.shape_cast %swap3A_466 : vector<1x16xf32> to vector<16xf32>
    %swap3A_468 = vector.shape_cast %broadcast_in_dim3A_1 : vector<16xf32> to vector<1x16xf32>
    tpu.vector_store %arg11[%swap3A_464, %swap3A_465], %swap3A_468 {strides = array<i32>} : memref<16x128xf32, #tpu.memory_space<vmem>>, vector<1x16xf32>,
    %swap3A_469 = arith.constant 9 : i32
    %swap3A_470 = arith.index_cast %swap3A_469 : i32 to index
    %swap3A_471 = arith.constant 96 : index
    %swap3A_472 = tpu.vector_load %arg11[%swap3A_470, %swap3A_471] {strides = array<i32>} : memref<16x128xf32, #tpu.memory_space<vmem>>, vector<1x16xf32>,
    %swap3A_473 = vector.shape_cast %swap3A_472 : vector<1x16xf32> to vector<16xf32>
    %swap3A_474 = vector.shape_cast %broadcast_in_dim3A_1 : vector<16xf32> to vector<1x16xf32>
    tpu.vector_store %arg11[%swap3A_470, %swap3A_471], %swap3A_474 {strides = array<i32>} : memref<16x128xf32, #tpu.memory_space<vmem>>, vector<1x16xf32>,
    %swap3A_475 = arith.constant 9 : i32
    %swap3A_476 = arith.index_cast %swap3A_475 : i32 to index
    %swap3A_477 = arith.constant 112 : index
    %swap3A_478 = tpu.vector_load %arg11[%swap3A_476, %swap3A_477] {strides = array<i32>} : memref<16x128xf32, #tpu.memory_space<vmem>>, vector<1x16xf32>,
    %swap3A_479 = vector.shape_cast %swap3A_478 : vector<1x16xf32> to vector<16xf32>
    %swap3A_480 = vector.shape_cast %broadcast_in_dim3A_1 : vector<16xf32> to vector<1x16xf32>
    tpu.vector_store %arg11[%swap3A_476, %swap3A_477], %swap3A_480 {strides = array<i32>} : memref<16x128xf32, #tpu.memory_space<vmem>>, vector<1x16xf32>,
    %swap3A_481 = arith.constant 10 : i32
    %swap3A_482 = arith.index_cast %swap3A_481 : i32 to index
    %swap3A_483 = arith.constant 0 : index
    %swap3A_484 = tpu.vector_load %arg11[%swap3A_482, %swap3A_483] {strides = array<i32>} : memref<16x128xf32, #tpu.memory_space<vmem>>, vector<1x16xf32>,
    %swap3A_485 = vector.shape_cast %swap3A_484 : vector<1x16xf32> to vector<16xf32>
    %swap3A_486 = vector.shape_cast %broadcast_in_dim3A_1 : vector<16xf32> to vector<1x16xf32>
    tpu.vector_store %arg11[%swap3A_482, %swap3A_483], %swap3A_486 {strides = array<i32>} : memref<16x128xf32, #tpu.memory_space<vmem>>, vector<1x16xf32>,
    %swap3A_487 = arith.constant 10 : i32
    %swap3A_488 = arith.index_cast %swap3A_487 : i32 to index
    %swap3A_489 = arith.constant 16 : index
    %swap3A_490 = tpu.vector_load %arg11[%swap3A_488, %swap3A_489] {strides = array<i32>} : memref<16x128xf32, #tpu.memory_space<vmem>>, vector<1x16xf32>,
    %swap3A_491 = vector.shape_cast %swap3A_490 : vector<1x16xf32> to vector<16xf32>
    %swap3A_492 = vector.shape_cast %broadcast_in_dim3A_1 : vector<16xf32> to vector<1x16xf32>
    tpu.vector_store %arg11[%swap3A_488, %swap3A_489], %swap3A_492 {strides = array<i32>} : memref<16x128xf32, #tpu.memory_space<vmem>>, vector<1x16xf32>,
    %swap3A_493 = arith.constant 10 : i32
    %swap3A_494 = arith.index_cast %swap3A_493 : i32 to index
    %swap3A_495 = arith.constant 32 : index
    %swap3A_496 = tpu.vector_load %arg11[%swap3A_494, %swap3A_495] {strides = array<i32>} : memref<16x128xf32, #tpu.memory_space<vmem>>, vector<1x16xf32>,
    %swap3A_497 = vector.shape_cast %swap3A_496 : vector<1x16xf32> to vector<16xf32>
    %swap3A_498 = vector.shape_cast %broadcast_in_dim3A_1 : vector<16xf32> to vector<1x16xf32>
    tpu.vector_store %arg11[%swap3A_494, %swap3A_495], %swap3A_498 {strides = array<i32>} : memref<16x128xf32, #tpu.memory_space<vmem>>, vector<1x16xf32>,
    %swap3A_499 = arith.constant 10 : i32
    %swap3A_500 = arith.index_cast %swap3A_499 : i32 to index
    %swap3A_501 = arith.constant 48 : index
    %swap3A_502 = tpu.vector_load %arg11[%swap3A_500, %swap3A_501] {strides = array<i32>} : memref<16x128xf32, #tpu.memory_space<vmem>>, vector<1x16xf32>,
    %swap3A_503 = vector.shape_cast %swap3A_502 : vector<1x16xf32> to vector<16xf32>
    %swap3A_504 = vector.shape_cast %broadcast_in_dim3A_1 : vector<16xf32> to vector<1x16xf32>
    tpu.vector_store %arg11[%swap3A_500, %swap3A_501], %swap3A_504 {strides = array<i32>} : memref<16x128xf32, #tpu.memory_space<vmem>>, vector<1x16xf32>,
    %swap3A_505 = arith.constant 10 : i32
    %swap3A_506 = arith.index_cast %swap3A_505 : i32 to index
    %swap3A_507 = arith.constant 64 : index
    %swap3A_508 = tpu.vector_load %arg11[%swap3A_506, %swap3A_507] {strides = array<i32>} : memref<16x128xf32, #tpu.memory_space<vmem>>, vector<1x16xf32>,
    %swap3A_509 = vector.shape_cast %swap3A_508 : vector<1x16xf32> to vector<16xf32>
    %swap3A_510 = vector.shape_cast %broadcast_in_dim3A_1 : vector<16xf32> to vector<1x16xf32>
    tpu.vector_store %arg11[%swap3A_506, %swap3A_507], %swap3A_510 {strides = array<i32>} : memref<16x128xf32, #tpu.memory_space<vmem>>, vector<1x16xf32>,
    %swap3A_511 = arith.constant 10 : i32
    %swap3A_512 = arith.index_cast %swap3A_511 : i32 to index
    %swap3A_513 = arith.constant 80 : index
    %swap3A_514 = tpu.vector_load %arg11[%swap3A_512, %swap3A_513] {strides = array<i32>} : memref<16x128xf32, #tpu.memory_space<vmem>>, vector<1x16xf32>,
    %swap3A_515 = vector.shape_cast %swap3A_514 : vector<1x16xf32> to vector<16xf32>
    %swap3A_516 = vector.shape_cast %broadcast_in_dim3A_1 : vector<16xf32> to vector<1x16xf32>
    tpu.vector_store %arg11[%swap3A_512, %swap3A_513], %swap3A_516 {strides = array<i32>} : memref<16x128xf32, #tpu.memory_space<vmem>>, vector<1x16xf32>,
    %swap3A_517 = arith.constant 10 : i32
    %swap3A_518 = arith.index_cast %swap3A_517 : i32 to index
    %swap3A_519 = arith.constant 96 : index
    %swap3A_520 = tpu.vector_load %arg11[%swap3A_518, %swap3A_519] {strides = array<i32>} : memref<16x128xf32, #tpu.memory_space<vmem>>, vector<1x16xf32>,
    %swap3A_521 = vector.shape_cast %swap3A_520 : vector<1x16xf32> to vector<16xf32>
    %swap3A_522 = vector.shape_cast %broadcast_in_dim3A_1 : vector<16xf32> to vector<1x16xf32>
    tpu.vector_store %arg11[%swap3A_518, %swap3A_519], %swap3A_522 {strides = array<i32>} : memref<16x128xf32, #tpu.memory_space<vmem>>, vector<1x16xf32>,
    %swap3A_523 = arith.constant 10 : i32
    %swap3A_524 = arith.index_cast %swap3A_523 : i32 to index
    %swap3A_525 = arith.constant 112 : index
    %swap3A_526 = tpu.vector_load %arg11[%swap3A_524, %swap3A_525] {strides = array<i32>} : memref<16x128xf32, #tpu.memory_space<vmem>>, vector<1x16xf32>,
    %swap3A_527 = vector.shape_cast %swap3A_526 : vector<1x16xf32> to vector<16xf32>
    %swap3A_528 = vector.shape_cast %broadcast_in_dim3A_1 : vector<16xf32> to vector<1x16xf32>
    tpu.vector_store %arg11[%swap3A_524, %swap3A_525], %swap3A_528 {strides = array<i32>} : memref<16x128xf32, #tpu.memory_space<vmem>>, vector<1x16xf32>,
    %swap3A_529 = arith.constant 11 : i32
    %swap3A_530 = arith.index_cast %swap3A_529 : i32 to index
    %swap3A_531 = arith.constant 0 : index
    %swap3A_532 = tpu.vector_load %arg11[%swap3A_530, %swap3A_531] {strides = array<i32>} : memref<16x128xf32, #tpu.memory_space<vmem>>, vector<1x16xf32>,
    %swap3A_533 = vector.shape_cast %swap3A_532 : vector<1x16xf32> to vector<16xf32>
    %swap3A_534 = vector.shape_cast %broadcast_in_dim3A_1 : vector<16xf32> to vector<1x16xf32>
    tpu.vector_store %arg11[%swap3A_530, %swap3A_531], %swap3A_534 {strides = array<i32>} : memref<16x128xf32, #tpu.memory_space<vmem>>, vector<1x16xf32>,
    %swap3A_535 = arith.constant 11 : i32
    %swap3A_536 = arith.index_cast %swap3A_535 : i32 to index
    %swap3A_537 = arith.constant 16 : index
    %swap3A_538 = tpu.vector_load %arg11[%swap3A_536, %swap3A_537] {strides = array<i32>} : memref<16x128xf32, #tpu.memory_space<vmem>>, vector<1x16xf32>,
    %swap3A_539 = vector.shape_cast %swap3A_538 : vector<1x16xf32> to vector<16xf32>
    %swap3A_540 = vector.shape_cast %broadcast_in_dim3A_1 : vector<16xf32> to vector<1x16xf32>
    tpu.vector_store %arg11[%swap3A_536, %swap3A_537], %swap3A_540 {strides = array<i32>} : memref<16x128xf32, #tpu.memory_space<vmem>>, vector<1x16xf32>,
    %swap3A_541 = arith.constant 11 : i32
    %swap3A_542 = arith.index_cast %swap3A_541 : i32 to index
    %swap3A_543 = arith.constant 32 : index
    %swap3A_544 = tpu.vector_load %arg11[%swap3A_542, %swap3A_543] {strides = array<i32>} : memref<16x128xf32, #tpu.memory_space<vmem>>, vector<1x16xf32>,
    %swap3A_545 = vector.shape_cast %swap3A_544 : vector<1x16xf32> to vector<16xf32>
    %swap3A_546 = vector.shape_cast %broadcast_in_dim3A_1 : vector<16xf32> to vector<1x16xf32>
    tpu.vector_store %arg11[%swap3A_542, %swap3A_543], %swap3A_546 {strides = array<i32>} : memref<16x128xf32, #tpu.memory_space<vmem>>, vector<1x16xf32>,
    %swap3A_547 = arith.constant 11 : i32
    %swap3A_548 = arith.index_cast %swap3A_547 : i32 to index
    %swap3A_549 = arith.constant 48 : index
    %swap3A_550 = tpu.vector_load %arg11[%swap3A_548, %swap3A_549] {strides = array<i32>} : memref<16x128xf32, #tpu.memory_space<vmem>>, vector<1x16xf32>,
    %swap3A_551 = vector.shape_cast %swap3A_550 : vector<1x16xf32> to vector<16xf32>
    %swap3A_552 = vector.shape_cast %broadcast_in_dim3A_1 : vector<16xf32> to vector<1x16xf32>
    tpu.vector_store %arg11[%swap3A_548, %swap3A_549], %swap3A_552 {strides = array<i32>} : memref<16x128xf32, #tpu.memory_space<vmem>>, vector<1x16xf32>,
    %swap3A_553 = arith.constant 11 : i32
    %swap3A_554 = arith.index_cast %swap3A_553 : i32 to index
    %swap3A_555 = arith.constant 64 : index
    %swap3A_556 = tpu.vector_load %arg11[%swap3A_554, %swap3A_555] {strides = array<i32>} : memref<16x128xf32, #tpu.memory_space<vmem>>, vector<1x16xf32>,
    %swap3A_557 = vector.shape_cast %swap3A_556 : vector<1x16xf32> to vector<16xf32>
    %swap3A_558 = vector.shape_cast %broadcast_in_dim3A_1 : vector<16xf32> to vector<1x16xf32>
    tpu.vector_store %arg11[%swap3A_554, %swap3A_555], %swap3A_558 {strides = array<i32>} : memref<16x128xf32, #tpu.memory_space<vmem>>, vector<1x16xf32>,
    %swap3A_559 = arith.constant 11 : i32
    %swap3A_560 = arith.index_cast %swap3A_559 : i32 to index
    %swap3A_561 = arith.constant 80 : index
    %swap3A_562 = tpu.vector_load %arg11[%swap3A_560, %swap3A_561] {strides = array<i32>} : memref<16x128xf32, #tpu.memory_space<vmem>>, vector<1x16xf32>,
    %swap3A_563 = vector.shape_cast %swap3A_562 : vector<1x16xf32> to vector<16xf32>
    %swap3A_564 = vector.shape_cast %broadcast_in_dim3A_1 : vector<16xf32> to vector<1x16xf32>
    tpu.vector_store %arg11[%swap3A_560, %swap3A_561], %swap3A_564 {strides = array<i32>} : memref<16x128xf32, #tpu.memory_space<vmem>>, vector<1x16xf32>,
    %swap3A_565 = arith.constant 11 : i32
    %swap3A_566 = arith.index_cast %swap3A_565 : i32 to index
    %swap3A_567 = arith.constant 96 : index
    %swap3A_568 = tpu.vector_load %arg11[%swap3A_566, %swap3A_567] {strides = array<i32>} : memref<16x128xf32, #tpu.memory_space<vmem>>, vector<1x16xf32>,
    %swap3A_569 = vector.shape_cast %swap3A_568 : vector<1x16xf32> to vector<16xf32>
    %swap3A_570 = vector.shape_cast %broadcast_in_dim3A_1 : vector<16xf32> to vector<1x16xf32>
    tpu.vector_store %arg11[%swap3A_566, %swap3A_567], %swap3A_570 {strides = array<i32>} : memref<16x128xf32, #tpu.memory_space<vmem>>, vector<1x16xf32>,
    %swap3A_571 = arith.constant 11 : i32
    %swap3A_572 = arith.index_cast %swap3A_571 : i32 to index
    %swap3A_573 = arith.constant 112 : index
    %swap3A_574 = tpu.vector_load %arg11[%swap3A_572, %swap3A_573] {strides = array<i32>} : memref<16x128xf32, #tpu.memory_space<vmem>>, vector<1x16xf32>,
    %swap3A_575 = vector.shape_cast %swap3A_574 : vector<1x16xf32> to vector<16xf32>
    %swap3A_576 = vector.shape_cast %broadcast_in_dim3A_1 : vector<16xf32> to vector<1x16xf32>
    tpu.vector_store %arg11[%swap3A_572, %swap3A_573], %swap3A_576 {strides = array<i32>} : memref<16x128xf32, #tpu.memory_space<vmem>>, vector<1x16xf32>,
    %swap3A_577 = arith.constant 12 : i32
    %swap3A_578 = arith.index_cast %swap3A_577 : i32 to index
    %swap3A_579 = arith.constant 0 : index
    %swap3A_580 = tpu.vector_load %arg11[%swap3A_578, %swap3A_579] {strides = array<i32>} : memref<16x128xf32, #tpu.memory_space<vmem>>, vector<1x16xf32>,
    %swap3A_581 = vector.shape_cast %swap3A_580 : vector<1x16xf32> to vector<16xf32>
    %swap3A_582 = vector.shape_cast %broadcast_in_dim3A_1 : vector<16xf32> to vector<1x16xf32>
    tpu.vector_store %arg11[%swap3A_578, %swap3A_579], %swap3A_582 {strides = array<i32>} : memref<16x128xf32, #tpu.memory_space<vmem>>, vector<1x16xf32>,
    %swap3A_583 = arith.constant 12 : i32
    %swap3A_584 = arith.index_cast %swap3A_583 : i32 to index
    %swap3A_585 = arith.constant 16 : index
    %swap3A_586 = tpu.vector_load %arg11[%swap3A_584, %swap3A_585] {strides = array<i32>} : memref<16x128xf32, #tpu.memory_space<vmem>>, vector<1x16xf32>,
    %swap3A_587 = vector.shape_cast %swap3A_586 : vector<1x16xf32> to vector<16xf32>
    %swap3A_588 = vector.shape_cast %broadcast_in_dim3A_1 : vector<16xf32> to vector<1x16xf32>
    tpu.vector_store %arg11[%swap3A_584, %swap3A_585], %swap3A_588 {strides = array<i32>} : memref<16x128xf32, #tpu.memory_space<vmem>>, vector<1x16xf32>,
    %swap3A_589 = arith.constant 12 : i32
    %swap3A_590 = arith.index_cast %swap3A_589 : i32 to index
    %swap3A_591 = arith.constant 32 : index
    %swap3A_592 = tpu.vector_load %arg11[%swap3A_590, %swap3A_591] {strides = array<i32>} : memref<16x128xf32, #tpu.memory_space<vmem>>, vector<1x16xf32>,
    %swap3A_593 = vector.shape_cast %swap3A_592 : vector<1x16xf32> to vector<16xf32>
    %swap3A_594 = vector.shape_cast %broadcast_in_dim3A_1 : vector<16xf32> to vector<1x16xf32>
    tpu.vector_store %arg11[%swap3A_590, %swap3A_591], %swap3A_594 {strides = array<i32>} : memref<16x128xf32, #tpu.memory_space<vmem>>, vector<1x16xf32>,
    %swap3A_595 = arith.constant 12 : i32
    %swap3A_596 = arith.index_cast %swap3A_595 : i32 to index
    %swap3A_597 = arith.constant 48 : index
    %swap3A_598 = tpu.vector_load %arg11[%swap3A_596, %swap3A_597] {strides = array<i32>} : memref<16x128xf32, #tpu.memory_space<vmem>>, vector<1x16xf32>,
    %swap3A_599 = vector.shape_cast %swap3A_598 : vector<1x16xf32> to vector<16xf32>
    %swap3A_600 = vector.shape_cast %broadcast_in_dim3A_1 : vector<16xf32> to vector<1x16xf32>
    tpu.vector_store %arg11[%swap3A_596, %swap3A_597], %swap3A_600 {strides = array<i32>} : memref<16x128xf32, #tpu.memory_space<vmem>>, vector<1x16xf32>,
    %swap3A_601 = arith.constant 12 : i32
    %swap3A_602 = arith.index_cast %swap3A_601 : i32 to index
    %swap3A_603 = arith.constant 64 : index
    %swap3A_604 = tpu.vector_load %arg11[%swap3A_602, %swap3A_603] {strides = array<i32>} : memref<16x128xf32, #tpu.memory_space<vmem>>, vector<1x16xf32>,
    %swap3A_605 = vector.shape_cast %swap3A_604 : vector<1x16xf32> to vector<16xf32>
    %swap3A_606 = vector.shape_cast %broadcast_in_dim3A_1 : vector<16xf32> to vector<1x16xf32>
    tpu.vector_store %arg11[%swap3A_602, %swap3A_603], %swap3A_606 {strides = array<i32>} : memref<16x128xf32, #tpu.memory_space<vmem>>, vector<1x16xf32>,
    %swap3A_607 = arith.constant 12 : i32
    %swap3A_608 = arith.index_cast %swap3A_607 : i32 to index
    %swap3A_609 = arith.constant 80 : index
    %swap3A_610 = tpu.vector_load %arg11[%swap3A_608, %swap3A_609] {strides = array<i32>} : memref<16x128xf32, #tpu.memory_space<vmem>>, vector<1x16xf32>,
    %swap3A_611 = vector.shape_cast %swap3A_610 : vector<1x16xf32> to vector<16xf32>
    %swap3A_612 = vector.shape_cast %broadcast_in_dim3A_1 : vector<16xf32> to vector<1x16xf32>
    tpu.vector_store %arg11[%swap3A_608, %swap3A_609], %swap3A_612 {strides = array<i32>} : memref<16x128xf32, #tpu.memory_space<vmem>>, vector<1x16xf32>,
    %swap3A_613 = arith.constant 12 : i32
    %swap3A_614 = arith.index_cast %swap3A_613 : i32 to index
    %swap3A_615 = arith.constant 96 : index
    %swap3A_616 = tpu.vector_load %arg11[%swap3A_614, %swap3A_615] {strides = array<i32>} : memref<16x128xf32, #tpu.memory_space<vmem>>, vector<1x16xf32>,
    %swap3A_617 = vector.shape_cast %swap3A_616 : vector<1x16xf32> to vector<16xf32>
    %swap3A_618 = vector.shape_cast %broadcast_in_dim3A_1 : vector<16xf32> to vector<1x16xf32>
    tpu.vector_store %arg11[%swap3A_614, %swap3A_615], %swap3A_618 {strides = array<i32>} : memref<16x128xf32, #tpu.memory_space<vmem>>, vector<1x16xf32>,
    %swap3A_619 = arith.constant 12 : i32
    %swap3A_620 = arith.index_cast %swap3A_619 : i32 to index
    %swap3A_621 = arith.constant 112 : index
    %swap3A_622 = tpu.vector_load %arg11[%swap3A_620, %swap3A_621] {strides = array<i32>} : memref<16x128xf32, #tpu.memory_space<vmem>>, vector<1x16xf32>,
    %swap3A_623 = vector.shape_cast %swap3A_622 : vector<1x16xf32> to vector<16xf32>
    %swap3A_624 = vector.shape_cast %broadcast_in_dim3A_1 : vector<16xf32> to vector<1x16xf32>
    tpu.vector_store %arg11[%swap3A_620, %swap3A_621], %swap3A_624 {strides = array<i32>} : memref<16x128xf32, #tpu.memory_space<vmem>>, vector<1x16xf32>,
    %swap3A_625 = arith.constant 13 : i32
    %swap3A_626 = arith.index_cast %swap3A_625 : i32 to index
    %swap3A_627 = arith.constant 0 : index
    %swap3A_628 = tpu.vector_load %arg11[%swap3A_626, %swap3A_627] {strides = array<i32>} : memref<16x128xf32, #tpu.memory_space<vmem>>, vector<1x16xf32>,
    %swap3A_629 = vector.shape_cast %swap3A_628 : vector<1x16xf32> to vector<16xf32>
    %swap3A_630 = vector.shape_cast %broadcast_in_dim3A_1 : vector<16xf32> to vector<1x16xf32>
    tpu.vector_store %arg11[%swap3A_626, %swap3A_627], %swap3A_630 {strides = array<i32>} : memref<16x128xf32, #tpu.memory_space<vmem>>, vector<1x16xf32>,
    %swap3A_631 = arith.constant 13 : i32
    %swap3A_632 = arith.index_cast %swap3A_631 : i32 to index
    %swap3A_633 = arith.constant 16 : index
    %swap3A_634 = tpu.vector_load %arg11[%swap3A_632, %swap3A_633] {strides = array<i32>} : memref<16x128xf32, #tpu.memory_space<vmem>>, vector<1x16xf32>,
    %swap3A_635 = vector.shape_cast %swap3A_634 : vector<1x16xf32> to vector<16xf32>
    %swap3A_636 = vector.shape_cast %broadcast_in_dim3A_1 : vector<16xf32> to vector<1x16xf32>
    tpu.vector_store %arg11[%swap3A_632, %swap3A_633], %swap3A_636 {strides = array<i32>} : memref<16x128xf32, #tpu.memory_space<vmem>>, vector<1x16xf32>,
    %swap3A_637 = arith.constant 13 : i32
    %swap3A_638 = arith.index_cast %swap3A_637 : i32 to index
    %swap3A_639 = arith.constant 32 : index
    %swap3A_640 = tpu.vector_load %arg11[%swap3A_638, %swap3A_639] {strides = array<i32>} : memref<16x128xf32, #tpu.memory_space<vmem>>, vector<1x16xf32>,
    %swap3A_641 = vector.shape_cast %swap3A_640 : vector<1x16xf32> to vector<16xf32>
    %swap3A_642 = vector.shape_cast %broadcast_in_dim3A_1 : vector<16xf32> to vector<1x16xf32>
    tpu.vector_store %arg11[%swap3A_638, %swap3A_639], %swap3A_642 {strides = array<i32>} : memref<16x128xf32, #tpu.memory_space<vmem>>, vector<1x16xf32>,
    %swap3A_643 = arith.constant 13 : i32
    %swap3A_644 = arith.index_cast %swap3A_643 : i32 to index
    %swap3A_645 = arith.constant 48 : index
    %swap3A_646 = tpu.vector_load %arg11[%swap3A_644, %swap3A_645] {strides = array<i32>} : memref<16x128xf32, #tpu.memory_space<vmem>>, vector<1x16xf32>,
    %swap3A_647 = vector.shape_cast %swap3A_646 : vector<1x16xf32> to vector<16xf32>
    %swap3A_648 = vector.shape_cast %broadcast_in_dim3A_1 : vector<16xf32> to vector<1x16xf32>
    tpu.vector_store %arg11[%swap3A_644, %swap3A_645], %swap3A_648 {strides = array<i32>} : memref<16x128xf32, #tpu.memory_space<vmem>>, vector<1x16xf32>,
    %swap3A_649 = arith.constant 13 : i32
    %swap3A_650 = arith.index_cast %swap3A_649 : i32 to index
    %swap3A_651 = arith.constant 64 : index
    %swap3A_652 = tpu.vector_load %arg11[%swap3A_650, %swap3A_651] {strides = array<i32>} : memref<16x128xf32, #tpu.memory_space<vmem>>, vector<1x16xf32>,
    %swap3A_653 = vector.shape_cast %swap3A_652 : vector<1x16xf32> to vector<16xf32>
    %swap3A_654 = vector.shape_cast %broadcast_in_dim3A_1 : vector<16xf32> to vector<1x16xf32>
    tpu.vector_store %arg11[%swap3A_650, %swap3A_651], %swap3A_654 {strides = array<i32>} : memref<16x128xf32, #tpu.memory_space<vmem>>, vector<1x16xf32>,
    %swap3A_655 = arith.constant 13 : i32
    %swap3A_656 = arith.index_cast %swap3A_655 : i32 to index
    %swap3A_657 = arith.constant 80 : index
    %swap3A_658 = tpu.vector_load %arg11[%swap3A_656, %swap3A_657] {strides = array<i32>} : memref<16x128xf32, #tpu.memory_space<vmem>>, vector<1x16xf32>,
    %swap3A_659 = vector.shape_cast %swap3A_658 : vector<1x16xf32> to vector<16xf32>
    %swap3A_660 = vector.shape_cast %broadcast_in_dim3A_1 : vector<16xf32> to vector<1x16xf32>
    tpu.vector_store %arg11[%swap3A_656, %swap3A_657], %swap3A_660 {strides = array<i32>} : memref<16x128xf32, #tpu.memory_space<vmem>>, vector<1x16xf32>,
    %swap3A_661 = arith.constant 13 : i32
    %swap3A_662 = arith.index_cast %swap3A_661 : i32 to index
    %swap3A_663 = arith.constant 96 : index
    %swap3A_664 = tpu.vector_load %arg11[%swap3A_662, %swap3A_663] {strides = array<i32>} : memref<16x128xf32, #tpu.memory_space<vmem>>, vector<1x16xf32>,
    %swap3A_665 = vector.shape_cast %swap3A_664 : vector<1x16xf32> to vector<16xf32>
    %swap3A_666 = vector.shape_cast %broadcast_in_dim3A_1 : vector<16xf32> to vector<1x16xf32>
    tpu.vector_store %arg11[%swap3A_662, %swap3A_663], %swap3A_666 {strides = array<i32>} : memref<16x128xf32, #tpu.memory_space<vmem>>, vector<1x16xf32>,
    %swap3A_667 = arith.constant 13 : i32
    %swap3A_668 = arith.index_cast %swap3A_667 : i32 to index
    %swap3A_669 = arith.constant 112 : index
    %swap3A_670 = tpu.vector_load %arg11[%swap3A_668, %swap3A_669] {strides = array<i32>} : memref<16x128xf32, #tpu.memory_space<vmem>>, vector<1x16xf32>,
    %swap3A_671 = vector.shape_cast %swap3A_670 : vector<1x16xf32> to vector<16xf32>
    %swap3A_672 = vector.shape_cast %broadcast_in_dim3A_1 : vector<16xf32> to vector<1x16xf32>
    tpu.vector_store %arg11[%swap3A_668, %swap3A_669], %swap3A_672 {strides = array<i32>} : memref<16x128xf32, #tpu.memory_space<vmem>>, vector<1x16xf32>,
    %swap3A_673 = arith.constant 14 : i32
    %swap3A_674 = arith.index_cast %swap3A_673 : i32 to index
    %swap3A_675 = arith.constant 0 : index
    %swap3A_676 = tpu.vector_load %arg11[%swap3A_674, %swap3A_675] {strides = array<i32>} : memref<16x128xf32, #tpu.memory_space<vmem>>, vector<1x16xf32>,
    %swap3A_677 = vector.shape_cast %swap3A_676 : vector<1x16xf32> to vector<16xf32>
    %swap3A_678 = vector.shape_cast %broadcast_in_dim3A_1 : vector<16xf32> to vector<1x16xf32>
    tpu.vector_store %arg11[%swap3A_674, %swap3A_675], %swap3A_678 {strides = array<i32>} : memref<16x128xf32, #tpu.memory_space<vmem>>, vector<1x16xf32>,
    %swap3A_679 = arith.constant 14 : i32
    %swap3A_680 = arith.index_cast %swap3A_679 : i32 to index
    %swap3A_681 = arith.constant 16 : index
    %swap3A_682 = tpu.vector_load %arg11[%swap3A_680, %swap3A_681] {strides = array<i32>} : memref<16x128xf32, #tpu.memory_space<vmem>>, vector<1x16xf32>,
    %swap3A_683 = vector.shape_cast %swap3A_682 : vector<1x16xf32> to vector<16xf32>
    %swap3A_684 = vector.shape_cast %broadcast_in_dim3A_1 : vector<16xf32> to vector<1x16xf32>
    tpu.vector_store %arg11[%swap3A_680, %swap3A_681], %swap3A_684 {strides = array<i32>} : memref<16x128xf32, #tpu.memory_space<vmem>>, vector<1x16xf32>,
    %swap3A_685 = arith.constant 14 : i32
    %swap3A_686 = arith.index_cast %swap3A_685 : i32 to index
    %swap3A_687 = arith.constant 32 : index
    %swap3A_688 = tpu.vector_load %arg11[%swap3A_686, %swap3A_687] {strides = array<i32>} : memref<16x128xf32, #tpu.memory_space<vmem>>, vector<1x16xf32>,
    %swap3A_689 = vector.shape_cast %swap3A_688 : vector<1x16xf32> to vector<16xf32>
    %swap3A_690 = vector.shape_cast %broadcast_in_dim3A_1 : vector<16xf32> to vector<1x16xf32>
    tpu.vector_store %arg11[%swap3A_686, %swap3A_687], %swap3A_690 {strides = array<i32>} : memref<16x128xf32, #tpu.memory_space<vmem>>, vector<1x16xf32>,
    %swap3A_691 = arith.constant 14 : i32
    %swap3A_692 = arith.index_cast %swap3A_691 : i32 to index
    %swap3A_693 = arith.constant 48 : index
    %swap3A_694 = tpu.vector_load %arg11[%swap3A_692, %swap3A_693] {strides = array<i32>} : memref<16x128xf32, #tpu.memory_space<vmem>>, vector<1x16xf32>,
    %swap3A_695 = vector.shape_cast %swap3A_694 : vector<1x16xf32> to vector<16xf32>
    %swap3A_696 = vector.shape_cast %broadcast_in_dim3A_1 : vector<16xf32> to vector<1x16xf32>
    tpu.vector_store %arg11[%swap3A_692, %swap3A_693], %swap3A_696 {strides = array<i32>} : memref<16x128xf32, #tpu.memory_space<vmem>>, vector<1x16xf32>,
    %swap3A_697 = arith.constant 14 : i32
    %swap3A_698 = arith.index_cast %swap3A_697 : i32 to index
    %swap3A_699 = arith.constant 64 : index
    %swap3A_700 = tpu.vector_load %arg11[%swap3A_698, %swap3A_699] {strides = array<i32>} : memref<16x128xf32, #tpu.memory_space<vmem>>, vector<1x16xf32>,
    %swap3A_701 = vector.shape_cast %swap3A_700 : vector<1x16xf32> to vector<16xf32>
    %swap3A_702 = vector.shape_cast %broadcast_in_dim3A_1 : vector<16xf32> to vector<1x16xf32>
    tpu.vector_store %arg11[%swap3A_698, %swap3A_699], %swap3A_702 {strides = array<i32>} : memref<16x128xf32, #tpu.memory_space<vmem>>, vector<1x16xf32>,
    %swap3A_703 = arith.constant 14 : i32
    %swap3A_704 = arith.index_cast %swap3A_703 : i32 to index
    %swap3A_705 = arith.constant 80 : index
    %swap3A_706 = tpu.vector_load %arg11[%swap3A_704, %swap3A_705] {strides = array<i32>} : memref<16x128xf32, #tpu.memory_space<vmem>>, vector<1x16xf32>,
    %swap3A_707 = vector.shape_cast %swap3A_706 : vector<1x16xf32> to vector<16xf32>
    %swap3A_708 = vector.shape_cast %broadcast_in_dim3A_1 : vector<16xf32> to vector<1x16xf32>
    tpu.vector_store %arg11[%swap3A_704, %swap3A_705], %swap3A_708 {strides = array<i32>} : memref<16x128xf32, #tpu.memory_space<vmem>>, vector<1x16xf32>,
    %swap3A_709 = arith.constant 14 : i32
    %swap3A_710 = arith.index_cast %swap3A_709 : i32 to index
    %swap3A_711 = arith.constant 96 : index
    %swap3A_712 = tpu.vector_load %arg11[%swap3A_710, %swap3A_711] {strides = array<i32>} : memref<16x128xf32, #tpu.memory_space<vmem>>, vector<1x16xf32>,
    %swap3A_713 = vector.shape_cast %swap3A_712 : vector<1x16xf32> to vector<16xf32>
    %swap3A_714 = vector.shape_cast %broadcast_in_dim3A_1 : vector<16xf32> to vector<1x16xf32>
    tpu.vector_store %arg11[%swap3A_710, %swap3A_711], %swap3A_714 {strides = array<i32>} : memref<16x128xf32, #tpu.memory_space<vmem>>, vector<1x16xf32>,
    %swap3A_715 = arith.constant 14 : i32
    %swap3A_716 = arith.index_cast %swap3A_715 : i32 to index
    %swap3A_717 = arith.constant 112 : index
    %swap3A_718 = tpu.vector_load %arg11[%swap3A_716, %swap3A_717] {strides = array<i32>} : memref<16x128xf32, #tpu.memory_space<vmem>>, vector<1x16xf32>,
    %swap3A_719 = vector.shape_cast %swap3A_718 : vector<1x16xf32> to vector<16xf32>
    %swap3A_720 = vector.shape_cast %broadcast_in_dim3A_1 : vector<16xf32> to vector<1x16xf32>
    tpu.vector_store %arg11[%swap3A_716, %swap3A_717], %swap3A_720 {strides = array<i32>} : memref<16x128xf32, #tpu.memory_space<vmem>>, vector<1x16xf32>,
    %swap3A_721 = arith.constant 15 : i32
    %swap3A_722 = arith.index_cast %swap3A_721 : i32 to index
    %swap3A_723 = arith.constant 0 : index
    %swap3A_724 = tpu.vector_load %arg11[%swap3A_722, %swap3A_723] {strides = array<i32>} : memref<16x128xf32, #tpu.memory_space<vmem>>, vector<1x16xf32>,
    %swap3A_725 = vector.shape_cast %swap3A_724 : vector<1x16xf32> to vector<16xf32>
    %swap3A_726 = vector.shape_cast %broadcast_in_dim3A_1 : vector<16xf32> to vector<1x16xf32>
    tpu.vector_store %arg11[%swap3A_722, %swap3A_723], %swap3A_726 {strides = array<i32>} : memref<16x128xf32, #tpu.memory_space<vmem>>, vector<1x16xf32>,
    %swap3A_727 = arith.constant 15 : i32
    %swap3A_728 = arith.index_cast %swap3A_727 : i32 to index
    %swap3A_729 = arith.constant 16 : index
    %swap3A_730 = tpu.vector_load %arg11[%swap3A_728, %swap3A_729] {strides = array<i32>} : memref<16x128xf32, #tpu.memory_space<vmem>>, vector<1x16xf32>,
    %swap3A_731 = vector.shape_cast %swap3A_730 : vector<1x16xf32> to vector<16xf32>
    %swap3A_732 = vector.shape_cast %broadcast_in_dim3A_1 : vector<16xf32> to vector<1x16xf32>
    tpu.vector_store %arg11[%swap3A_728, %swap3A_729], %swap3A_732 {strides = array<i32>} : memref<16x128xf32, #tpu.memory_space<vmem>>, vector<1x16xf32>,
    %swap3A_733 = arith.constant 15 : i32
    %swap3A_734 = arith.index_cast %swap3A_733 : i32 to index
    %swap3A_735 = arith.constant 32 : index
    %swap3A_736 = tpu.vector_load %arg11[%swap3A_734, %swap3A_735] {strides = array<i32>} : memref<16x128xf32, #tpu.memory_space<vmem>>, vector<1x16xf32>,
    %swap3A_737 = vector.shape_cast %swap3A_736 : vector<1x16xf32> to vector<16xf32>
    %swap3A_738 = vector.shape_cast %broadcast_in_dim3A_1 : vector<16xf32> to vector<1x16xf32>
    tpu.vector_store %arg11[%swap3A_734, %swap3A_735], %swap3A_738 {strides = array<i32>} : memref<16x128xf32, #tpu.memory_space<vmem>>, vector<1x16xf32>,
    %swap3A_739 = arith.constant 15 : i32
    %swap3A_740 = arith.index_cast %swap3A_739 : i32 to index
    %swap3A_741 = arith.constant 48 : index
    %swap3A_742 = tpu.vector_load %arg11[%swap3A_740, %swap3A_741] {strides = array<i32>} : memref<16x128xf32, #tpu.memory_space<vmem>>, vector<1x16xf32>,
    %swap3A_743 = vector.shape_cast %swap3A_742 : vector<1x16xf32> to vector<16xf32>
    %swap3A_744 = vector.shape_cast %broadcast_in_dim3A_1 : vector<16xf32> to vector<1x16xf32>
    tpu.vector_store %arg11[%swap3A_740, %swap3A_741], %swap3A_744 {strides = array<i32>} : memref<16x128xf32, #tpu.memory_space<vmem>>, vector<1x16xf32>,
    %swap3A_745 = arith.constant 15 : i32
    %swap3A_746 = arith.index_cast %swap3A_745 : i32 to index
    %swap3A_747 = arith.constant 64 : index
    %swap3A_748 = tpu.vector_load %arg11[%swap3A_746, %swap3A_747] {strides = array<i32>} : memref<16x128xf32, #tpu.memory_space<vmem>>, vector<1x16xf32>,
    %swap3A_749 = vector.shape_cast %swap3A_748 : vector<1x16xf32> to vector<16xf32>
    %swap3A_750 = vector.shape_cast %broadcast_in_dim3A_1 : vector<16xf32> to vector<1x16xf32>
    tpu.vector_store %arg11[%swap3A_746, %swap3A_747], %swap3A_750 {strides = array<i32>} : memref<16x128xf32, #tpu.memory_space<vmem>>, vector<1x16xf32>,
    %swap3A_751 = arith.constant 15 : i32
    %swap3A_752 = arith.index_cast %swap3A_751 : i32 to index
    %swap3A_753 = arith.constant 80 : index
    %swap3A_754 = tpu.vector_load %arg11[%swap3A_752, %swap3A_753] {strides = array<i32>} : memref<16x128xf32, #tpu.memory_space<vmem>>, vector<1x16xf32>,
    %swap3A_755 = vector.shape_cast %swap3A_754 : vector<1x16xf32> to vector<16xf32>
    %swap3A_756 = vector.shape_cast %broadcast_in_dim3A_1 : vector<16xf32> to vector<1x16xf32>
    tpu.vector_store %arg11[%swap3A_752, %swap3A_753], %swap3A_756 {strides = array<i32>} : memref<16x128xf32, #tpu.memory_space<vmem>>, vector<1x16xf32>,
    %swap3A_757 = arith.constant 15 : i32
    %swap3A_758 = arith.index_cast %swap3A_757 : i32 to index
    %swap3A_759 = arith.constant 96 : index
    %swap3A_760 = tpu.vector_load %arg11[%swap3A_758, %swap3A_759] {strides = array<i32>} : memref<16x128xf32, #tpu.memory_space<vmem>>, vector<1x16xf32>,
    %swap3A_761 = vector.shape_cast %swap3A_760 : vector<1x16xf32> to vector<16xf32>
    %swap3A_762 = vector.shape_cast %broadcast_in_dim3A_1 : vector<16xf32> to vector<1x16xf32>
    tpu.vector_store %arg11[%swap3A_758, %swap3A_759], %swap3A_762 {strides = array<i32>} : memref<16x128xf32, #tpu.memory_space<vmem>>, vector<1x16xf32>,
    %swap3A_763 = arith.constant 15 : i32
    %swap3A_764 = arith.index_cast %swap3A_763 : i32 to index
    %swap3A_765 = arith.constant 112 : index
    %swap3A_766 = tpu.vector_load %arg11[%swap3A_764, %swap3A_765] {strides = array<i32>} : memref<16x128xf32, #tpu.memory_space<vmem>>, vector<1x16xf32>,
    %swap3A_767 = vector.shape_cast %swap3A_766 : vector<1x16xf32> to vector<16xf32>
    %swap3A_768 = vector.shape_cast %broadcast_in_dim3A_1 : vector<16xf32> to vector<1x16xf32>
    tpu.vector_store %arg11[%swap3A_764, %swap3A_765], %swap3A_768 {strides = array<i32>} : memref<16x128xf32, #tpu.memory_space<vmem>>, vector<1x16xf32>,
    %mul3A_769 = arith.constant 640 : i32
    %mul3A_770 = arith.muli %arg1, %mul3A_769 : i32
    %scan3A = arith.constant 0 : i32
    %scan3A_771 = arith.constant 0 : i32
    %scan3A_772 = arith.constant 40 : i32
    %scan3A_773 = arith.addi %scan3A_771, %scan3A_772 : i32
    %scan3A_774 = arith.constant 1 : i32
    %scan3A_775 = scf.for %scan3A_945 = %scan3A_771 to %scan3A_773 step %scan3A_774 iter_args(%scan3A_946 = %scan3A) -> (i32)  : i32 {
      %mul3A_947 = arith.constant 16 : i32
      %mul3A_948 = arith.muli %scan3A_945, %mul3A_947 : i32
      %add3A_949 = arith.addi %mul3A_770, %mul3A_948 : i32
      "tpu.region"() ({
        %run_scoped3A = tpu.sem_alloc : memref<!tpu.dma_semaphore, #tpu.memory_space<semaphore_mem>>
        %dma_start3A = arith.constant 0 : i32
        %dma_start3A_951 = tpu.memref_slice %arg12[%add3A_949, %dma_start3A] : memref<10240x128xf32, #tpu.memory_space<vmem_shared>> -> memref<16x128xf32, #tpu.memory_space<vmem_shared>>
        %dma_start3A_952 = arith.constant 0 : i32
        %dma_start3A_953 = tpu.memref_slice %arg12[%add3A_949, %dma_start3A_952] : memref<10240x128xf32, #tpu.memory_space<vmem_shared>> -> memref<16x128xf32, #tpu.memory_space<vmem_shared>>
        tpu.enqueue_dma source(%arg11 : memref<16x128xf32, #tpu.memory_space<vmem>>) target(%dma_start3A_953 : memref<16x128xf32, #tpu.memory_space<vmem_shared>>) target_semaphore(%run_scoped3A : memref<!tpu.dma_semaphore, #tpu.memory_space<semaphore_mem>>)
        %dma_wait3A = arith.constant 0 : i32
        %dma_wait3A_954 = tpu.memref_slice %arg12[%add3A_949, %dma_wait3A] : memref<10240x128xf32, #tpu.memory_space<vmem_shared>> -> memref<16x128xf32, #tpu.memory_space<vmem_shared>>
        %dma_wait3A_955 = arith.constant 0 : i32
        %dma_wait3A_956 = tpu.memref_slice %arg12[%add3A_949, %dma_wait3A_955] : memref<10240x128xf32, #tpu.memory_space<vmem_shared>> -> memref<16x128xf32, #tpu.memory_space<vmem_shared>>
        tpu.wait_dma2 semaphore(%run_scoped3A : memref<!tpu.dma_semaphore, #tpu.memory_space<semaphore_mem>>) src(%arg11 : memref<16x128xf32, #tpu.memory_space<vmem>>) dst(%dma_wait3A_956 : memref<16x128xf32, #tpu.memory_space<vmem_shared>>)
        tpu.yield
      }) : () -> ()
      %scan3A_950 = arith.constant 0 : i32
      scf.yield %scan3A_950 : i32
    }
    %scan3A_776 = arith.constant 40 : i32
    "tpu.region"() ({
      %run_scoped3A = tpu.sem_alloc : memref<!tpu.dma_semaphore, #tpu.memory_space<semaphore_mem>>
      tpu.enqueue_dma source(%arg5 : memref<125xf32, #tpu.memory_space<hbm>>) target(%arg15 : memref<125xf32, #tpu.memory_space<vmem>>) target_semaphore(%run_scoped3A : memref<!tpu.dma_semaphore, #tpu.memory_space<semaphore_mem>>)
      tpu.wait_dma2 semaphore(%run_scoped3A : memref<!tpu.dma_semaphore, #tpu.memory_space<semaphore_mem>>) src(%arg5 : memref<125xf32, #tpu.memory_space<hbm>>) dst(%arg15 : memref<125xf32, #tpu.memory_space<vmem>>)
      tpu.yield
    }) : () -> ()
    %swap3A_777 = arith.constant 0 : index
    %swap3A_778 = tpu.vector_load %arg16[%swap3A_777] {strides = array<i32>} : memref<640xf32, #tpu.memory_space<vmem>>, vector<16xf32>,
    %swap3A_779 = vector.shape_cast %swap3A_778 : vector<16xf32> to vector<16xf32>
    %swap3A_780 = vector.shape_cast %broadcast_in_dim3A_1 : vector<16xf32> to vector<16xf32>
    tpu.vector_store %arg16[%swap3A_777], %swap3A_780 {strides = array<i32>} : memref<640xf32, #tpu.memory_space<vmem>>, vector<16xf32>,
    %swap3A_781 = arith.constant 16 : index
    %swap3A_782 = tpu.vector_load %arg16[%swap3A_781] {strides = array<i32>} : memref<640xf32, #tpu.memory_space<vmem>>, vector<16xf32>,
    %swap3A_783 = vector.shape_cast %swap3A_782 : vector<16xf32> to vector<16xf32>
    %swap3A_784 = vector.shape_cast %broadcast_in_dim3A_1 : vector<16xf32> to vector<16xf32>
    tpu.vector_store %arg16[%swap3A_781], %swap3A_784 {strides = array<i32>} : memref<640xf32, #tpu.memory_space<vmem>>, vector<16xf32>,
    %swap3A_785 = arith.constant 32 : index
    %swap3A_786 = tpu.vector_load %arg16[%swap3A_785] {strides = array<i32>} : memref<640xf32, #tpu.memory_space<vmem>>, vector<16xf32>,
    %swap3A_787 = vector.shape_cast %swap3A_786 : vector<16xf32> to vector<16xf32>
    %swap3A_788 = vector.shape_cast %broadcast_in_dim3A_1 : vector<16xf32> to vector<16xf32>
    tpu.vector_store %arg16[%swap3A_785], %swap3A_788 {strides = array<i32>} : memref<640xf32, #tpu.memory_space<vmem>>, vector<16xf32>,
    %swap3A_789 = arith.constant 48 : index
    %swap3A_790 = tpu.vector_load %arg16[%swap3A_789] {strides = array<i32>} : memref<640xf32, #tpu.memory_space<vmem>>, vector<16xf32>,
    %swap3A_791 = vector.shape_cast %swap3A_790 : vector<16xf32> to vector<16xf32>
    %swap3A_792 = vector.shape_cast %broadcast_in_dim3A_1 : vector<16xf32> to vector<16xf32>
    tpu.vector_store %arg16[%swap3A_789], %swap3A_792 {strides = array<i32>} : memref<640xf32, #tpu.memory_space<vmem>>, vector<16xf32>,
    %swap3A_793 = arith.constant 64 : index
    %swap3A_794 = tpu.vector_load %arg16[%swap3A_793] {strides = array<i32>} : memref<640xf32, #tpu.memory_space<vmem>>, vector<16xf32>,
    %swap3A_795 = vector.shape_cast %swap3A_794 : vector<16xf32> to vector<16xf32>
    %swap3A_796 = vector.shape_cast %broadcast_in_dim3A_1 : vector<16xf32> to vector<16xf32>
    tpu.vector_store %arg16[%swap3A_793], %swap3A_796 {strides = array<i32>} : memref<640xf32, #tpu.memory_space<vmem>>, vector<16xf32>,
    %swap3A_797 = arith.constant 80 : index
    %swap3A_798 = tpu.vector_load %arg16[%swap3A_797] {strides = array<i32>} : memref<640xf32, #tpu.memory_space<vmem>>, vector<16xf32>,
    %swap3A_799 = vector.shape_cast %swap3A_798 : vector<16xf32> to vector<16xf32>
    %swap3A_800 = vector.shape_cast %broadcast_in_dim3A_1 : vector<16xf32> to vector<16xf32>
    tpu.vector_store %arg16[%swap3A_797], %swap3A_800 {strides = array<i32>} : memref<640xf32, #tpu.memory_space<vmem>>, vector<16xf32>,
    %swap3A_801 = arith.constant 96 : index
    %swap3A_802 = tpu.vector_load %arg16[%swap3A_801] {strides = array<i32>} : memref<640xf32, #tpu.memory_space<vmem>>, vector<16xf32>,
    %swap3A_803 = vector.shape_cast %swap3A_802 : vector<16xf32> to vector<16xf32>
    %swap3A_804 = vector.shape_cast %broadcast_in_dim3A_1 : vector<16xf32> to vector<16xf32>
    tpu.vector_store %arg16[%swap3A_801], %swap3A_804 {strides = array<i32>} : memref<640xf32, #tpu.memory_space<vmem>>, vector<16xf32>,
    %swap3A_805 = arith.constant 112 : index
    %swap3A_806 = tpu.vector_load %arg16[%swap3A_805] {strides = array<i32>} : memref<640xf32, #tpu.memory_space<vmem>>, vector<16xf32>,
    %swap3A_807 = vector.shape_cast %swap3A_806 : vector<16xf32> to vector<16xf32>
    %swap3A_808 = vector.shape_cast %broadcast_in_dim3A_1 : vector<16xf32> to vector<16xf32>
    tpu.vector_store %arg16[%swap3A_805], %swap3A_808 {strides = array<i32>} : memref<640xf32, #tpu.memory_space<vmem>>, vector<16xf32>,
    %swap3A_809 = arith.constant 128 : index
    %swap3A_810 = tpu.vector_load %arg16[%swap3A_809] {strides = array<i32>} : memref<640xf32, #tpu.memory_space<vmem>>, vector<16xf32>,
    %swap3A_811 = vector.shape_cast %swap3A_810 : vector<16xf32> to vector<16xf32>
    %swap3A_812 = vector.shape_cast %broadcast_in_dim3A_1 : vector<16xf32> to vector<16xf32>
    tpu.vector_store %arg16[%swap3A_809], %swap3A_812 {strides = array<i32>} : memref<640xf32, #tpu.memory_space<vmem>>, vector<16xf32>,
    %swap3A_813 = arith.constant 144 : index
    %swap3A_814 = tpu.vector_load %arg16[%swap3A_813] {strides = array<i32>} : memref<640xf32, #tpu.memory_space<vmem>>, vector<16xf32>,
    %swap3A_815 = vector.shape_cast %swap3A_814 : vector<16xf32> to vector<16xf32>
    %swap3A_816 = vector.shape_cast %broadcast_in_dim3A_1 : vector<16xf32> to vector<16xf32>
    tpu.vector_store %arg16[%swap3A_813], %swap3A_816 {strides = array<i32>} : memref<640xf32, #tpu.memory_space<vmem>>, vector<16xf32>,
    %swap3A_817 = arith.constant 160 : index
    %swap3A_818 = tpu.vector_load %arg16[%swap3A_817] {strides = array<i32>} : memref<640xf32, #tpu.memory_space<vmem>>, vector<16xf32>,
    %swap3A_819 = vector.shape_cast %swap3A_818 : vector<16xf32> to vector<16xf32>
    %swap3A_820 = vector.shape_cast %broadcast_in_dim3A_1 : vector<16xf32> to vector<16xf32>
    tpu.vector_store %arg16[%swap3A_817], %swap3A_820 {strides = array<i32>} : memref<640xf32, #tpu.memory_space<vmem>>, vector<16xf32>,
    %swap3A_821 = arith.constant 176 : index
    %swap3A_822 = tpu.vector_load %arg16[%swap3A_821] {strides = array<i32>} : memref<640xf32, #tpu.memory_space<vmem>>, vector<16xf32>,
    %swap3A_823 = vector.shape_cast %swap3A_822 : vector<16xf32> to vector<16xf32>
    %swap3A_824 = vector.shape_cast %broadcast_in_dim3A_1 : vector<16xf32> to vector<16xf32>
    tpu.vector_store %arg16[%swap3A_821], %swap3A_824 {strides = array<i32>} : memref<640xf32, #tpu.memory_space<vmem>>, vector<16xf32>,
    %swap3A_825 = arith.constant 192 : index
    %swap3A_826 = tpu.vector_load %arg16[%swap3A_825] {strides = array<i32>} : memref<640xf32, #tpu.memory_space<vmem>>, vector<16xf32>,
    %swap3A_827 = vector.shape_cast %swap3A_826 : vector<16xf32> to vector<16xf32>
    %swap3A_828 = vector.shape_cast %broadcast_in_dim3A_1 : vector<16xf32> to vector<16xf32>
    tpu.vector_store %arg16[%swap3A_825], %swap3A_828 {strides = array<i32>} : memref<640xf32, #tpu.memory_space<vmem>>, vector<16xf32>,
    %swap3A_829 = arith.constant 208 : index
    %swap3A_830 = tpu.vector_load %arg16[%swap3A_829] {strides = array<i32>} : memref<640xf32, #tpu.memory_space<vmem>>, vector<16xf32>,
    %swap3A_831 = vector.shape_cast %swap3A_830 : vector<16xf32> to vector<16xf32>
    %swap3A_832 = vector.shape_cast %broadcast_in_dim3A_1 : vector<16xf32> to vector<16xf32>
    tpu.vector_store %arg16[%swap3A_829], %swap3A_832 {strides = array<i32>} : memref<640xf32, #tpu.memory_space<vmem>>, vector<16xf32>,
    %swap3A_833 = arith.constant 224 : index
    %swap3A_834 = tpu.vector_load %arg16[%swap3A_833] {strides = array<i32>} : memref<640xf32, #tpu.memory_space<vmem>>, vector<16xf32>,
    %swap3A_835 = vector.shape_cast %swap3A_834 : vector<16xf32> to vector<16xf32>
    %swap3A_836 = vector.shape_cast %broadcast_in_dim3A_1 : vector<16xf32> to vector<16xf32>
    tpu.vector_store %arg16[%swap3A_833], %swap3A_836 {strides = array<i32>} : memref<640xf32, #tpu.memory_space<vmem>>, vector<16xf32>,
    %swap3A_837 = arith.constant 240 : index
    %swap3A_838 = tpu.vector_load %arg16[%swap3A_837] {strides = array<i32>} : memref<640xf32, #tpu.memory_space<vmem>>, vector<16xf32>,
    %swap3A_839 = vector.shape_cast %swap3A_838 : vector<16xf32> to vector<16xf32>
    %swap3A_840 = vector.shape_cast %broadcast_in_dim3A_1 : vector<16xf32> to vector<16xf32>
    tpu.vector_store %arg16[%swap3A_837], %swap3A_840 {strides = array<i32>} : memref<640xf32, #tpu.memory_space<vmem>>, vector<16xf32>,
    %swap3A_841 = arith.constant 256 : index
    %swap3A_842 = tpu.vector_load %arg16[%swap3A_841] {strides = array<i32>} : memref<640xf32, #tpu.memory_space<vmem>>, vector<16xf32>,
    %swap3A_843 = vector.shape_cast %swap3A_842 : vector<16xf32> to vector<16xf32>
    %swap3A_844 = vector.shape_cast %broadcast_in_dim3A_1 : vector<16xf32> to vector<16xf32>
    tpu.vector_store %arg16[%swap3A_841], %swap3A_844 {strides = array<i32>} : memref<640xf32, #tpu.memory_space<vmem>>, vector<16xf32>,
    %swap3A_845 = arith.constant 272 : index
    %swap3A_846 = tpu.vector_load %arg16[%swap3A_845] {strides = array<i32>} : memref<640xf32, #tpu.memory_space<vmem>>, vector<16xf32>,
    %swap3A_847 = vector.shape_cast %swap3A_846 : vector<16xf32> to vector<16xf32>
    %swap3A_848 = vector.shape_cast %broadcast_in_dim3A_1 : vector<16xf32> to vector<16xf32>
    tpu.vector_store %arg16[%swap3A_845], %swap3A_848 {strides = array<i32>} : memref<640xf32, #tpu.memory_space<vmem>>, vector<16xf32>,
    %swap3A_849 = arith.constant 288 : index
    %swap3A_850 = tpu.vector_load %arg16[%swap3A_849] {strides = array<i32>} : memref<640xf32, #tpu.memory_space<vmem>>, vector<16xf32>,
    %swap3A_851 = vector.shape_cast %swap3A_850 : vector<16xf32> to vector<16xf32>
    %swap3A_852 = vector.shape_cast %broadcast_in_dim3A_1 : vector<16xf32> to vector<16xf32>
    tpu.vector_store %arg16[%swap3A_849], %swap3A_852 {strides = array<i32>} : memref<640xf32, #tpu.memory_space<vmem>>, vector<16xf32>,
    %swap3A_853 = arith.constant 304 : index
    %swap3A_854 = tpu.vector_load %arg16[%swap3A_853] {strides = array<i32>} : memref<640xf32, #tpu.memory_space<vmem>>, vector<16xf32>,
    %swap3A_855 = vector.shape_cast %swap3A_854 : vector<16xf32> to vector<16xf32>
    %swap3A_856 = vector.shape_cast %broadcast_in_dim3A_1 : vector<16xf32> to vector<16xf32>
    tpu.vector_store %arg16[%swap3A_853], %swap3A_856 {strides = array<i32>} : memref<640xf32, #tpu.memory_space<vmem>>, vector<16xf32>,
    %swap3A_857 = arith.constant 320 : index
    %swap3A_858 = tpu.vector_load %arg16[%swap3A_857] {strides = array<i32>} : memref<640xf32, #tpu.memory_space<vmem>>, vector<16xf32>,
    %swap3A_859 = vector.shape_cast %swap3A_858 : vector<16xf32> to vector<16xf32>
    %swap3A_860 = vector.shape_cast %broadcast_in_dim3A_1 : vector<16xf32> to vector<16xf32>
    tpu.vector_store %arg16[%swap3A_857], %swap3A_860 {strides = array<i32>} : memref<640xf32, #tpu.memory_space<vmem>>, vector<16xf32>,
    %swap3A_861 = arith.constant 336 : index
    %swap3A_862 = tpu.vector_load %arg16[%swap3A_861] {strides = array<i32>} : memref<640xf32, #tpu.memory_space<vmem>>, vector<16xf32>,
    %swap3A_863 = vector.shape_cast %swap3A_862 : vector<16xf32> to vector<16xf32>
    %swap3A_864 = vector.shape_cast %broadcast_in_dim3A_1 : vector<16xf32> to vector<16xf32>
    tpu.vector_store %arg16[%swap3A_861], %swap3A_864 {strides = array<i32>} : memref<640xf32, #tpu.memory_space<vmem>>, vector<16xf32>,
    %swap3A_865 = arith.constant 352 : index
    %swap3A_866 = tpu.vector_load %arg16[%swap3A_865] {strides = array<i32>} : memref<640xf32, #tpu.memory_space<vmem>>, vector<16xf32>,
    %swap3A_867 = vector.shape_cast %swap3A_866 : vector<16xf32> to vector<16xf32>
    %swap3A_868 = vector.shape_cast %broadcast_in_dim3A_1 : vector<16xf32> to vector<16xf32>
    tpu.vector_store %arg16[%swap3A_865], %swap3A_868 {strides = array<i32>} : memref<640xf32, #tpu.memory_space<vmem>>, vector<16xf32>,
    %swap3A_869 = arith.constant 368 : index
    %swap3A_870 = tpu.vector_load %arg16[%swap3A_869] {strides = array<i32>} : memref<640xf32, #tpu.memory_space<vmem>>, vector<16xf32>,
    %swap3A_871 = vector.shape_cast %swap3A_870 : vector<16xf32> to vector<16xf32>
    %swap3A_872 = vector.shape_cast %broadcast_in_dim3A_1 : vector<16xf32> to vector<16xf32>
    tpu.vector_store %arg16[%swap3A_869], %swap3A_872 {strides = array<i32>} : memref<640xf32, #tpu.memory_space<vmem>>, vector<16xf32>,
    %swap3A_873 = arith.constant 384 : index
    %swap3A_874 = tpu.vector_load %arg16[%swap3A_873] {strides = array<i32>} : memref<640xf32, #tpu.memory_space<vmem>>, vector<16xf32>,
    %swap3A_875 = vector.shape_cast %swap3A_874 : vector<16xf32> to vector<16xf32>
    %swap3A_876 = vector.shape_cast %broadcast_in_dim3A_1 : vector<16xf32> to vector<16xf32>
    tpu.vector_store %arg16[%swap3A_873], %swap3A_876 {strides = array<i32>} : memref<640xf32, #tpu.memory_space<vmem>>, vector<16xf32>,
    %swap3A_877 = arith.constant 400 : index
    %swap3A_878 = tpu.vector_load %arg16[%swap3A_877] {strides = array<i32>} : memref<640xf32, #tpu.memory_space<vmem>>, vector<16xf32>,
    %swap3A_879 = vector.shape_cast %swap3A_878 : vector<16xf32> to vector<16xf32>
    %swap3A_880 = vector.shape_cast %broadcast_in_dim3A_1 : vector<16xf32> to vector<16xf32>
    tpu.vector_store %arg16[%swap3A_877], %swap3A_880 {strides = array<i32>} : memref<640xf32, #tpu.memory_space<vmem>>, vector<16xf32>,
    %swap3A_881 = arith.constant 416 : index
    %swap3A_882 = tpu.vector_load %arg16[%swap3A_881] {strides = array<i32>} : memref<640xf32, #tpu.memory_space<vmem>>, vector<16xf32>,
    %swap3A_883 = vector.shape_cast %swap3A_882 : vector<16xf32> to vector<16xf32>
    %swap3A_884 = vector.shape_cast %broadcast_in_dim3A_1 : vector<16xf32> to vector<16xf32>
    tpu.vector_store %arg16[%swap3A_881], %swap3A_884 {strides = array<i32>} : memref<640xf32, #tpu.memory_space<vmem>>, vector<16xf32>,
    %swap3A_885 = arith.constant 432 : index
    %swap3A_886 = tpu.vector_load %arg16[%swap3A_885] {strides = array<i32>} : memref<640xf32, #tpu.memory_space<vmem>>, vector<16xf32>,
    %swap3A_887 = vector.shape_cast %swap3A_886 : vector<16xf32> to vector<16xf32>
    %swap3A_888 = vector.shape_cast %broadcast_in_dim3A_1 : vector<16xf32> to vector<16xf32>
    tpu.vector_store %arg16[%swap3A_885], %swap3A_888 {strides = array<i32>} : memref<640xf32, #tpu.memory_space<vmem>>, vector<16xf32>,
    %swap3A_889 = arith.constant 448 : index
    %swap3A_890 = tpu.vector_load %arg16[%swap3A_889] {strides = array<i32>} : memref<640xf32, #tpu.memory_space<vmem>>, vector<16xf32>,
    %swap3A_891 = vector.shape_cast %swap3A_890 : vector<16xf32> to vector<16xf32>
    %swap3A_892 = vector.shape_cast %broadcast_in_dim3A_1 : vector<16xf32> to vector<16xf32>
    tpu.vector_store %arg16[%swap3A_889], %swap3A_892 {strides = array<i32>} : memref<640xf32, #tpu.memory_space<vmem>>, vector<16xf32>,
    %swap3A_893 = arith.constant 464 : index
    %swap3A_894 = tpu.vector_load %arg16[%swap3A_893] {strides = array<i32>} : memref<640xf32, #tpu.memory_space<vmem>>, vector<16xf32>,
    %swap3A_895 = vector.shape_cast %swap3A_894 : vector<16xf32> to vector<16xf32>
    %swap3A_896 = vector.shape_cast %broadcast_in_dim3A_1 : vector<16xf32> to vector<16xf32>
    tpu.vector_store %arg16[%swap3A_893], %swap3A_896 {strides = array<i32>} : memref<640xf32, #tpu.memory_space<vmem>>, vector<16xf32>,
    %swap3A_897 = arith.constant 480 : index
    %swap3A_898 = tpu.vector_load %arg16[%swap3A_897] {strides = array<i32>} : memref<640xf32, #tpu.memory_space<vmem>>, vector<16xf32>,
    %swap3A_899 = vector.shape_cast %swap3A_898 : vector<16xf32> to vector<16xf32>
    %swap3A_900 = vector.shape_cast %broadcast_in_dim3A_1 : vector<16xf32> to vector<16xf32>
    tpu.vector_store %arg16[%swap3A_897], %swap3A_900 {strides = array<i32>} : memref<640xf32, #tpu.memory_space<vmem>>, vector<16xf32>,
    %swap3A_901 = arith.constant 496 : index
    %swap3A_902 = tpu.vector_load %arg16[%swap3A_901] {strides = array<i32>} : memref<640xf32, #tpu.memory_space<vmem>>, vector<16xf32>,
    %swap3A_903 = vector.shape_cast %swap3A_902 : vector<16xf32> to vector<16xf32>
    %swap3A_904 = vector.shape_cast %broadcast_in_dim3A_1 : vector<16xf32> to vector<16xf32>
    tpu.vector_store %arg16[%swap3A_901], %swap3A_904 {strides = array<i32>} : memref<640xf32, #tpu.memory_space<vmem>>, vector<16xf32>,
    %swap3A_905 = arith.constant 512 : index
    %swap3A_906 = tpu.vector_load %arg16[%swap3A_905] {strides = array<i32>} : memref<640xf32, #tpu.memory_space<vmem>>, vector<16xf32>,
    %swap3A_907 = vector.shape_cast %swap3A_906 : vector<16xf32> to vector<16xf32>
    %swap3A_908 = vector.shape_cast %broadcast_in_dim3A_1 : vector<16xf32> to vector<16xf32>
    tpu.vector_store %arg16[%swap3A_905], %swap3A_908 {strides = array<i32>} : memref<640xf32, #tpu.memory_space<vmem>>, vector<16xf32>,
    %swap3A_909 = arith.constant 528 : index
    %swap3A_910 = tpu.vector_load %arg16[%swap3A_909] {strides = array<i32>} : memref<640xf32, #tpu.memory_space<vmem>>, vector<16xf32>,
    %swap3A_911 = vector.shape_cast %swap3A_910 : vector<16xf32> to vector<16xf32>
    %swap3A_912 = vector.shape_cast %broadcast_in_dim3A_1 : vector<16xf32> to vector<16xf32>
    tpu.vector_store %arg16[%swap3A_909], %swap3A_912 {strides = array<i32>} : memref<640xf32, #tpu.memory_space<vmem>>, vector<16xf32>,
    %swap3A_913 = arith.constant 544 : index
    %swap3A_914 = tpu.vector_load %arg16[%swap3A_913] {strides = array<i32>} : memref<640xf32, #tpu.memory_space<vmem>>, vector<16xf32>,
    %swap3A_915 = vector.shape_cast %swap3A_914 : vector<16xf32> to vector<16xf32>
    %swap3A_916 = vector.shape_cast %broadcast_in_dim3A_1 : vector<16xf32> to vector<16xf32>
    tpu.vector_store %arg16[%swap3A_913], %swap3A_916 {strides = array<i32>} : memref<640xf32, #tpu.memory_space<vmem>>, vector<16xf32>,
    %swap3A_917 = arith.constant 560 : index
    %swap3A_918 = tpu.vector_load %arg16[%swap3A_917] {strides = array<i32>} : memref<640xf32, #tpu.memory_space<vmem>>, vector<16xf32>,
    %swap3A_919 = vector.shape_cast %swap3A_918 : vector<16xf32> to vector<16xf32>
    %swap3A_920 = vector.shape_cast %broadcast_in_dim3A_1 : vector<16xf32> to vector<16xf32>
    tpu.vector_store %arg16[%swap3A_917], %swap3A_920 {strides = array<i32>} : memref<640xf32, #tpu.memory_space<vmem>>, vector<16xf32>,
    %swap3A_921 = arith.constant 576 : index
    %swap3A_922 = tpu.vector_load %arg16[%swap3A_921] {strides = array<i32>} : memref<640xf32, #tpu.memory_space<vmem>>, vector<16xf32>,
    %swap3A_923 = vector.shape_cast %swap3A_922 : vector<16xf32> to vector<16xf32>
    %swap3A_924 = vector.shape_cast %broadcast_in_dim3A_1 : vector<16xf32> to vector<16xf32>
    tpu.vector_store %arg16[%swap3A_921], %swap3A_924 {strides = array<i32>} : memref<640xf32, #tpu.memory_space<vmem>>, vector<16xf32>,
    %swap3A_925 = arith.constant 592 : index
    %swap3A_926 = tpu.vector_load %arg16[%swap3A_925] {strides = array<i32>} : memref<640xf32, #tpu.memory_space<vmem>>, vector<16xf32>,
    %swap3A_927 = vector.shape_cast %swap3A_926 : vector<16xf32> to vector<16xf32>
    %swap3A_928 = vector.shape_cast %broadcast_in_dim3A_1 : vector<16xf32> to vector<16xf32>
    tpu.vector_store %arg16[%swap3A_925], %swap3A_928 {strides = array<i32>} : memref<640xf32, #tpu.memory_space<vmem>>, vector<16xf32>,
    %swap3A_929 = arith.constant 608 : index
    %swap3A_930 = tpu.vector_load %arg16[%swap3A_929] {strides = array<i32>} : memref<640xf32, #tpu.memory_space<vmem>>, vector<16xf32>,
    %swap3A_931 = vector.shape_cast %swap3A_930 : vector<16xf32> to vector<16xf32>
    %swap3A_932 = vector.shape_cast %broadcast_in_dim3A_1 : vector<16xf32> to vector<16xf32>
    tpu.vector_store %arg16[%swap3A_929], %swap3A_932 {strides = array<i32>} : memref<640xf32, #tpu.memory_space<vmem>>, vector<16xf32>,
    %swap3A_933 = arith.constant 624 : index
    %swap3A_934 = tpu.vector_load %arg16[%swap3A_933] {strides = array<i32>} : memref<640xf32, #tpu.memory_space<vmem>>, vector<16xf32>,
    %swap3A_935 = vector.shape_cast %swap3A_934 : vector<16xf32> to vector<16xf32>
    %swap3A_936 = vector.shape_cast %broadcast_in_dim3A_1 : vector<16xf32> to vector<16xf32>
    tpu.vector_store %arg16[%swap3A_933], %swap3A_936 {strides = array<i32>} : memref<640xf32, #tpu.memory_space<vmem>>, vector<16xf32>,
    "tpu.region"() ({
      %run_scoped3A = tpu.sem_alloc : memref<!tpu.dma_semaphore, #tpu.memory_space<semaphore_mem>>
      %dma_start3A = tpu.memref_slice %arg17[%mul3A_770] : memref<10240xf32, #tpu.memory_space<vmem_shared>> -> memref<640xf32, #tpu.memory_space<vmem_shared>>
      %dma_start3A_945 = tpu.memref_slice %arg17[%mul3A_770] : memref<10240xf32, #tpu.memory_space<vmem_shared>> -> memref<640xf32, #tpu.memory_space<vmem_shared>>
      tpu.enqueue_dma source(%arg16 : memref<640xf32, #tpu.memory_space<vmem>>) target(%dma_start3A_945 : memref<640xf32, #tpu.memory_space<vmem_shared>>) target_semaphore(%run_scoped3A : memref<!tpu.dma_semaphore, #tpu.memory_space<semaphore_mem>>)
      %dma_wait3A = tpu.memref_slice %arg17[%mul3A_770] : memref<10240xf32, #tpu.memory_space<vmem_shared>> -> memref<640xf32, #tpu.memory_space<vmem_shared>>
      %dma_wait3A_946 = tpu.memref_slice %arg17[%mul3A_770] : memref<10240xf32, #tpu.memory_space<vmem_shared>> -> memref<640xf32, #tpu.memory_space<vmem_shared>>
      tpu.wait_dma2 semaphore(%run_scoped3A : memref<!tpu.dma_semaphore, #tpu.memory_space<semaphore_mem>>) src(%arg16 : memref<640xf32, #tpu.memory_space<vmem>>) dst(%dma_wait3A_946 : memref<640xf32, #tpu.memory_space<vmem_shared>>)
      tpu.yield
    }) : () -> ()
    %barrier3A = arith.constant 0 : index
    tpu.barrier barrier_id(%barrier3A)
    %scan3A_937 = arith.constant 0 : i32
    %scan3A_938 = arith.constant 0 : i32
    %scan3A_939 = arith.constant 80 : i32
    %scan3A_940 = arith.addi %scan3A_938, %scan3A_939 : i32
    %scan3A_941 = arith.constant 1 : i32
    %scan3A_942 = scf.for %scan3A_945 = %scan3A_938 to %scan3A_940 step %scan3A_941 iter_args(%scan3A_946 = %scan3A_937) -> (i32)  : i32 {
      %dma_start3A = arith.constant 0 : i32
      %dma_start3A_947 = arith.constant 0 : i32
      %dma_start3A_948 = arith.constant 0 : i32
      %dma_start3A_949 = arith.constant 0 : i32
      %dma_start3A_950 = tpu.memref_slice %arg10[%dma_start3A, %dma_start3A_948, %dma_start3A_949] : memref<1x125x128xf32, #tpu.memory_space<vmem>> -> memref<1x125x128xf32, #tpu.memory_space<vmem>>
      %dma_start3A_951 = tpu.memref_squeeze %dma_start3A_950 : memref<1x125x128xf32, #tpu.memory_space<vmem>> -> memref<125x128xf32, #tpu.memory_space<vmem>>
      %dma_start3A_952 = arith.constant 0 : i32
      %dma_start3A_953 = tpu.memref_slice %arg8[%scan3A_945, %dma_start3A_952] : memref<80x125xi32, #tpu.memory_space<vmem>> -> memref<1x125xi32, #tpu.memory_space<vmem>>
      %dma_start3A_954 = tpu.memref_squeeze %dma_start3A_953 : memref<1x125xi32, #tpu.memory_space<vmem>> -> memref<125xi32, #tpu.memory_space<vmem>>
      %dma_start3A_955 = arith.constant 0 : i32
      %dma_start3A_956 = arith.constant 0 : i32
      %dma_start3A_957 = tpu.memref_slice %arg2[%dma_start3A_955, %dma_start3A_956] : memref<10000x128xf32, #tpu.memory_space<hbm>> -> memref<10000x128xf32, #tpu.memory_space<hbm>>
      %dma_start3A_958 = tpu.memref_slice %arg13[%dma_start3A_947] : memref<2x!tpu.dma_semaphore, #tpu.memory_space<semaphore_mem>> -> memref<1x!tpu.dma_semaphore, #tpu.memory_space<semaphore_mem>>
      %dma_start3A_959 = tpu.memref_squeeze %dma_start3A_958 : memref<1x!tpu.dma_semaphore, #tpu.memory_space<semaphore_mem>> -> memref<!tpu.dma_semaphore, #tpu.memory_space<semaphore_mem>>
      tpu.enqueue_indirect_dma source(%dma_start3A_957 : memref<10000x128xf32, #tpu.memory_space<hbm>>) target(%dma_start3A_951 : memref<125x128xf32, #tpu.memory_space<vmem>>) offsets(%dma_start3A_954 : memref<125xi32, #tpu.memory_space<vmem>>) semaphore(%dma_start3A_959 : memref<!tpu.dma_semaphore, #tpu.memory_space<semaphore_mem>>)
      %dma_wait3A = arith.constant 0 : i32
      %dma_wait3A_960 = arith.constant 0 : i32
      %dma_wait3A_961 = arith.constant 0 : i32
      %dma_wait3A_962 = arith.constant 0 : i32
      %dma_wait3A_963 = tpu.memref_slice %arg10[%dma_wait3A, %dma_wait3A_961, %dma_wait3A_962] : memref<1x125x128xf32, #tpu.memory_space<vmem>> -> memref<1x125x128xf32, #tpu.memory_space<vmem>>
      %dma_wait3A_964 = tpu.memref_squeeze %dma_wait3A_963 : memref<1x125x128xf32, #tpu.memory_space<vmem>> -> memref<125x128xf32, #tpu.memory_space<vmem>>
      %dma_wait3A_965 = arith.constant 0 : i32
      %dma_wait3A_966 = tpu.memref_slice %arg8[%scan3A_945, %dma_wait3A_965] : memref<80x125xi32, #tpu.memory_space<vmem>> -> memref<1x125xi32, #tpu.memory_space<vmem>>
      %dma_wait3A_967 = tpu.memref_squeeze %dma_wait3A_966 : memref<1x125xi32, #tpu.memory_space<vmem>> -> memref<125xi32, #tpu.memory_space<vmem>>
      %dma_wait3A_968 = arith.constant 0 : i32
      %dma_wait3A_969 = arith.constant 0 : i32
      %dma_wait3A_970 = tpu.memref_slice %arg2[%dma_wait3A_968, %dma_wait3A_969] : memref<10000x128xf32, #tpu.memory_space<hbm>> -> memref<10000x128xf32, #tpu.memory_space<hbm>>
      %dma_wait3A_971 = tpu.memref_slice %arg13[%dma_wait3A_960] : memref<2x!tpu.dma_semaphore, #tpu.memory_space<semaphore_mem>> -> memref<1x!tpu.dma_semaphore, #tpu.memory_space<semaphore_mem>>
      %dma_wait3A_972 = tpu.memref_squeeze %dma_wait3A_971 : memref<1x!tpu.dma_semaphore, #tpu.memory_space<semaphore_mem>> -> memref<!tpu.dma_semaphore, #tpu.memory_space<semaphore_mem>>
      tpu.wait_indirect_dma semaphore(%dma_wait3A_972 : memref<!tpu.dma_semaphore, #tpu.memory_space<semaphore_mem>>) src(%dma_wait3A_970 : memref<10000x128xf32, #tpu.memory_space<hbm>>) dst(%dma_wait3A_964 : memref<125x128xf32, #tpu.memory_space<vmem>>)
      %run_scoped3A = arith.constant 0 : i32
      "tpu.region"() ({
        %run_scoped3A_974 = tpu.sem_alloc : memref<!tpu.dma_semaphore, #tpu.memory_space<semaphore_mem>>
        %dma_start3A_975 = arith.constant 0 : i32
        %dma_start3A_976 = arith.constant 0 : i32
        %dma_start3A_977 = tpu.memref_slice %arg10[%run_scoped3A, %dma_start3A_975, %dma_start3A_976] : memref<1x125x128xf32, #tpu.memory_space<vmem>> -> memref<1x125x128xf32, #tpu.memory_space<vmem>>
        %dma_start3A_978 = tpu.memref_squeeze %dma_start3A_977 : memref<1x125x128xf32, #tpu.memory_space<vmem>> -> memref<125x128xf32, #tpu.memory_space<vmem>>
        %dma_start3A_979 = arith.constant 0 : i32
        %dma_start3A_980 = tpu.memref_slice %arg9[%scan3A_945, %dma_start3A_979] : memref<80x125xi32, #tpu.memory_space<vmem>> -> memref<1x125xi32, #tpu.memory_space<vmem>>
        %dma_start3A_981 = tpu.memref_squeeze %dma_start3A_980 : memref<1x125xi32, #tpu.memory_space<vmem>> -> memref<125xi32, #tpu.memory_space<vmem>>
        %dma_start3A_982 = arith.constant 0 : i32
        %dma_start3A_983 = arith.constant 0 : i32
        %dma_start3A_984 = tpu.memref_slice %arg12[%dma_start3A_982, %dma_start3A_983] : memref<10240x128xf32, #tpu.memory_space<vmem_shared>> -> memref<10240x128xf32, #tpu.memory_space<vmem_shared>>
        tpu.enqueue_indirect_dma source(%dma_start3A_978 : memref<125x128xf32, #tpu.memory_space<vmem>>) target(%dma_start3A_984 : memref<10240x128xf32, #tpu.memory_space<vmem_shared>>) offsets(%dma_start3A_981 : memref<125xi32, #tpu.memory_space<vmem>>) semaphore(%run_scoped3A_974 : memref<!tpu.dma_semaphore, #tpu.memory_space<semaphore_mem>>) {add = true}
        %dma_wait3A_985 = arith.constant 0 : i32
        %dma_wait3A_986 = arith.constant 0 : i32
        %dma_wait3A_987 = tpu.memref_slice %arg10[%run_scoped3A, %dma_wait3A_985, %dma_wait3A_986] : memref<1x125x128xf32, #tpu.memory_space<vmem>> -> memref<1x125x128xf32, #tpu.memory_space<vmem>>
        %dma_wait3A_988 = tpu.memref_squeeze %dma_wait3A_987 : memref<1x125x128xf32, #tpu.memory_space<vmem>> -> memref<125x128xf32, #tpu.memory_space<vmem>>
        %dma_wait3A_989 = arith.constant 0 : i32
        %dma_wait3A_990 = tpu.memref_slice %arg9[%scan3A_945, %dma_wait3A_989] : memref<80x125xi32, #tpu.memory_space<vmem>> -> memref<1x125xi32, #tpu.memory_space<vmem>>
        %dma_wait3A_991 = tpu.memref_squeeze %dma_wait3A_990 : memref<1x125xi32, #tpu.memory_space<vmem>> -> memref<125xi32, #tpu.memory_space<vmem>>
        %dma_wait3A_992 = arith.constant 0 : i32
        %dma_wait3A_993 = arith.constant 0 : i32
        %dma_wait3A_994 = tpu.memref_slice %arg12[%dma_wait3A_992, %dma_wait3A_993] : memref<10240x128xf32, #tpu.memory_space<vmem_shared>> -> memref<10240x128xf32, #tpu.memory_space<vmem_shared>>
        tpu.wait_indirect_dma semaphore(%run_scoped3A_974 : memref<!tpu.dma_semaphore, #tpu.memory_space<semaphore_mem>>) src(%dma_wait3A_988 : memref<125x128xf32, #tpu.memory_space<vmem>>) dst(%dma_wait3A_994 : memref<10240x128xf32, #tpu.memory_space<vmem_shared>>)
        tpu.yield
      }) : () -> ()
      "tpu.region"() ({
        %run_scoped3A_974 = tpu.sem_alloc : memref<!tpu.dma_semaphore, #tpu.memory_space<semaphore_mem>>
        %dma_start3A_975 = arith.constant 0 : i32
        %dma_start3A_976 = tpu.memref_slice %arg9[%scan3A_945, %dma_start3A_975] : memref<80x125xi32, #tpu.memory_space<vmem>> -> memref<1x125xi32, #tpu.memory_space<vmem>>
        %dma_start3A_977 = tpu.memref_squeeze %dma_start3A_976 : memref<1x125xi32, #tpu.memory_space<vmem>> -> memref<125xi32, #tpu.memory_space<vmem>>
        %dma_start3A_978 = arith.constant 0 : i32
        %dma_start3A_979 = tpu.memref_slice %arg17[%dma_start3A_978] : memref<10240xf32, #tpu.memory_space<vmem_shared>> -> memref<10240xf32, #tpu.memory_space<vmem_shared>>
        tpu.enqueue_indirect_dma source(%arg15 : memref<125xf32, #tpu.memory_space<vmem>>) target(%dma_start3A_979 : memref<10240xf32, #tpu.memory_space<vmem_shared>>) offsets(%dma_start3A_977 : memref<125xi32, #tpu.memory_space<vmem>>) semaphore(%run_scoped3A_974 : memref<!tpu.dma_semaphore, #tpu.memory_space<semaphore_mem>>) {add = true}
        %dma_wait3A_980 = arith.constant 0 : i32
        %dma_wait3A_981 = tpu.memref_slice %arg9[%scan3A_945, %dma_wait3A_980] : memref<80x125xi32, #tpu.memory_space<vmem>> -> memref<1x125xi32, #tpu.memory_space<vmem>>
        %dma_wait3A_982 = tpu.memref_squeeze %dma_wait3A_981 : memref<1x125xi32, #tpu.memory_space<vmem>> -> memref<125xi32, #tpu.memory_space<vmem>>
        %dma_wait3A_983 = arith.constant 0 : i32
        %dma_wait3A_984 = tpu.memref_slice %arg17[%dma_wait3A_983] : memref<10240xf32, #tpu.memory_space<vmem_shared>> -> memref<10240xf32, #tpu.memory_space<vmem_shared>>
        tpu.wait_indirect_dma semaphore(%run_scoped3A_974 : memref<!tpu.dma_semaphore, #tpu.memory_space<semaphore_mem>>) src(%arg15 : memref<125xf32, #tpu.memory_space<vmem>>) dst(%dma_wait3A_984 : memref<10240xf32, #tpu.memory_space<vmem_shared>>)
        tpu.yield
      }) : () -> ()
      %scan3A_973 = arith.constant 0 : i32
      scf.yield %scan3A_973 : i32
    }
    %scan3A_943 = arith.constant 80 : i32
    %barrier3A_944 = arith.constant 0 : index
    tpu.barrier barrier_id(%barrier3A_944)
    "tpu.region"() ({
      %run_scoped3A = tpu.sem_alloc : memref<!tpu.dma_semaphore, #tpu.memory_space<semaphore_mem>>
      %dma_start3A = arith.constant 0 : i32
      %dma_start3A_945 = tpu.memref_slice %arg6[%arg0, %mul3A_770, %dma_start3A] : memref<2x10240x128xf32, #tpu.memory_space<hbm>> -> memref<1x640x128xf32, #tpu.memory_space<hbm>>
      %dma_start3A_946 = tpu.memref_squeeze %dma_start3A_945 : memref<1x640x128xf32, #tpu.memory_space<hbm>> -> memref<640x128xf32, #tpu.memory_space<hbm>>
      %dma_start3A_947 = arith.constant 0 : i32
      %dma_start3A_948 = tpu.memref_slice %arg12[%mul3A_770, %dma_start3A_947] : memref<10240x128xf32, #tpu.memory_space<vmem_shared>> -> memref<640x128xf32, #tpu.memory_space<vmem_shared>>
      tpu.enqueue_dma source(%dma_start3A_948 : memref<640x128xf32, #tpu.memory_space<vmem_shared>>) target(%dma_start3A_946 : memref<640x128xf32, #tpu.memory_space<hbm>>) target_semaphore(%run_scoped3A : memref<!tpu.dma_semaphore, #tpu.memory_space<semaphore_mem>>)
      %dma_wait3A = arith.constant 0 : i32
      %dma_wait3A_949 = tpu.memref_slice %arg6[%arg0, %mul3A_770, %dma_wait3A] : memref<2x10240x128xf32, #tpu.memory_space<hbm>> -> memref<1x640x128xf32, #tpu.memory_space<hbm>>
      %dma_wait3A_950 = tpu.memref_squeeze %dma_wait3A_949 : memref<1x640x128xf32, #tpu.memory_space<hbm>> -> memref<640x128xf32, #tpu.memory_space<hbm>>
      %dma_wait3A_951 = arith.constant 0 : i32
      %dma_wait3A_952 = tpu.memref_slice %arg12[%mul3A_770, %dma_wait3A_951] : memref<10240x128xf32, #tpu.memory_space<vmem_shared>> -> memref<640x128xf32, #tpu.memory_space<vmem_shared>>
      tpu.wait_dma2 semaphore(%run_scoped3A : memref<!tpu.dma_semaphore, #tpu.memory_space<semaphore_mem>>) src(%dma_wait3A_952 : memref<640x128xf32, #tpu.memory_space<vmem_shared>>) dst(%dma_wait3A_950 : memref<640x128xf32, #tpu.memory_space<hbm>>)
      tpu.yield
    }) : () -> ()
    "tpu.region"() ({
      %run_scoped3A = tpu.sem_alloc : memref<!tpu.dma_semaphore, #tpu.memory_space<semaphore_mem>>
      %dma_start3A = tpu.memref_slice %arg7[%arg0, %mul3A_770] : memref<2x10240xf32, #tpu.memory_space<hbm>> -> memref<1x640xf32, #tpu.memory_space<hbm>>
      %dma_start3A_945 = tpu.memref_squeeze %dma_start3A : memref<1x640xf32, #tpu.memory_space<hbm>> -> memref<640xf32, #tpu.memory_space<hbm>>
      %dma_start3A_946 = tpu.memref_slice %arg17[%mul3A_770] : memref<10240xf32, #tpu.memory_space<vmem_shared>> -> memref<640xf32, #tpu.memory_space<vmem_shared>>
      tpu.enqueue_dma source(%dma_start3A_946 : memref<640xf32, #tpu.memory_space<vmem_shared>>) target(%dma_start3A_945 : memref<640xf32, #tpu.memory_space<hbm>>) target_semaphore(%run_scoped3A : memref<!tpu.dma_semaphore, #tpu.memory_space<semaphore_mem>>)
      %dma_wait3A = tpu.memref_slice %arg7[%arg0, %mul3A_770] : memref<2x10240xf32, #tpu.memory_space<hbm>> -> memref<1x640xf32, #tpu.memory_space<hbm>>
      %dma_wait3A_947 = tpu.memref_squeeze %dma_wait3A : memref<1x640xf32, #tpu.memory_space<hbm>> -> memref<640xf32, #tpu.memory_space<hbm>>
      %dma_wait3A_948 = tpu.memref_slice %arg17[%mul3A_770] : memref<10240xf32, #tpu.memory_space<vmem_shared>> -> memref<640xf32, #tpu.memory_space<vmem_shared>>
      tpu.wait_dma2 semaphore(%run_scoped3A : memref<!tpu.dma_semaphore, #tpu.memory_space<semaphore_mem>>) src(%dma_wait3A_948 : memref<640xf32, #tpu.memory_space<vmem_shared>>) dst(%dma_wait3A_947 : memref<640xf32, #tpu.memory_space<hbm>>)
      tpu.yield
    }) : () -> ()
    return
  }
}

#map = affine_map<(d0, d1) -> (0, 0)>
#map1 = affine_map<(d0, d1) -> (0, 0, 0)>
#map2 = affine_map<(d0, d1) -> (0)>
module attributes {stable_mosaic.version = 14 : i64} {
  func.func @agg(%arg0: i32, %arg1: i32, %arg2: memref<10000x64xf32, #tpu.memory_space<hbm>>, %arg3: memref<32x80x125xi32, #tpu.memory_space<hbm>>, %arg4: memref<32x80x125xi32, #tpu.memory_space<hbm>>, %arg5: memref<125xf32, #tpu.memory_space<hbm>>, %arg6: memref<2x10240x64xf32, #tpu.memory_space<hbm>>, %arg7: memref<80x125xi32, #tpu.memory_space<vmem>>, %arg8: memref<80x125xi32, #tpu.memory_space<vmem>>, %arg9: memref<3x125x64xf32, #tpu.memory_space<vmem>>, %arg10: memref<16x64xf32, #tpu.memory_space<vmem>>, %arg11: memref<10240x64xf32, #tpu.memory_space<vmem_shared>>, %arg12: memref<3x!tpu.dma_semaphore, #tpu.memory_space<semaphore_mem>>, %arg13: memref<3x!tpu.dma_semaphore, #tpu.memory_space<semaphore_mem>>) attributes {dimension_semantics = [#tpu.dimension_semantics<core_parallel>, #tpu.dimension_semantics<subcore_parallel>], iteration_bounds = array<i64: 2, 16>, scalar_prefetch = 0 : i64, scratch_operands = 7 : i64, tpu.core_type = #tpu.core_type<sc_vector_subcore>, window_params = [{transform_indices = #map}, {transform_indices = #map1}, {transform_indices = #map1}, {transform_indices = #map2}, {transform_indices = #map1}]} {
    %mul3A = arith.constant 2 : i32
    %mul3A_0 = arith.muli %arg1, %mul3A : i32
    %add3A = arith.addi %mul3A_0, %arg0 : i32
    "tpu.region"() ({
      %run_scoped3A = tpu.sem_alloc : memref<!tpu.dma_semaphore, #tpu.memory_space<semaphore_mem>>
      %dma_start3A = arith.constant 0 : i32
      %dma_start3A_422 = arith.constant 0 : i32
      %dma_start3A_423 = tpu.memref_slice %arg3[%add3A, %dma_start3A, %dma_start3A_422] : memref<32x80x125xi32, #tpu.memory_space<hbm>> -> memref<1x80x125xi32, #tpu.memory_space<hbm>>
      %dma_start3A_424 = tpu.memref_squeeze %dma_start3A_423 : memref<1x80x125xi32, #tpu.memory_space<hbm>> -> memref<80x125xi32, #tpu.memory_space<hbm>>
      %dma_start3A_425 = arith.constant 0 : i32
      %dma_start3A_426 = arith.constant 0 : i32
      %dma_start3A_427 = tpu.memref_slice %arg3[%add3A, %dma_start3A_425, %dma_start3A_426] : memref<32x80x125xi32, #tpu.memory_space<hbm>> -> memref<1x80x125xi32, #tpu.memory_space<hbm>>
      %dma_start3A_428 = tpu.memref_squeeze %dma_start3A_427 : memref<1x80x125xi32, #tpu.memory_space<hbm>> -> memref<80x125xi32, #tpu.memory_space<hbm>>
      tpu.enqueue_dma source(%dma_start3A_428 : memref<80x125xi32, #tpu.memory_space<hbm>>) target(%arg7 : memref<80x125xi32, #tpu.memory_space<vmem>>) target_semaphore(%run_scoped3A : memref<!tpu.dma_semaphore, #tpu.memory_space<semaphore_mem>>)
      %dma_wait3A_429 = arith.constant 0 : i32
      %dma_wait3A_430 = arith.constant 0 : i32
      %dma_wait3A_431 = tpu.memref_slice %arg3[%add3A, %dma_wait3A_429, %dma_wait3A_430] : memref<32x80x125xi32, #tpu.memory_space<hbm>> -> memref<1x80x125xi32, #tpu.memory_space<hbm>>
      %dma_wait3A_432 = tpu.memref_squeeze %dma_wait3A_431 : memref<1x80x125xi32, #tpu.memory_space<hbm>> -> memref<80x125xi32, #tpu.memory_space<hbm>>
      %dma_wait3A_433 = arith.constant 0 : i32
      %dma_wait3A_434 = arith.constant 0 : i32
      %dma_wait3A_435 = tpu.memref_slice %arg3[%add3A, %dma_wait3A_433, %dma_wait3A_434] : memref<32x80x125xi32, #tpu.memory_space<hbm>> -> memref<1x80x125xi32, #tpu.memory_space<hbm>>
      %dma_wait3A_436 = tpu.memref_squeeze %dma_wait3A_435 : memref<1x80x125xi32, #tpu.memory_space<hbm>> -> memref<80x125xi32, #tpu.memory_space<hbm>>
      tpu.wait_dma2 semaphore(%run_scoped3A : memref<!tpu.dma_semaphore, #tpu.memory_space<semaphore_mem>>) src(%dma_wait3A_436 : memref<80x125xi32, #tpu.memory_space<hbm>>) dst(%arg7 : memref<80x125xi32, #tpu.memory_space<vmem>>)
      tpu.yield
    }) : () -> ()
    "tpu.region"() ({
      %run_scoped3A = tpu.sem_alloc : memref<!tpu.dma_semaphore, #tpu.memory_space<semaphore_mem>>
      %dma_start3A = arith.constant 0 : i32
      %dma_start3A_422 = arith.constant 0 : i32
      %dma_start3A_423 = tpu.memref_slice %arg4[%add3A, %dma_start3A, %dma_start3A_422] : memref<32x80x125xi32, #tpu.memory_space<hbm>> -> memref<1x80x125xi32, #tpu.memory_space<hbm>>
      %dma_start3A_424 = tpu.memref_squeeze %dma_start3A_423 : memref<1x80x125xi32, #tpu.memory_space<hbm>> -> memref<80x125xi32, #tpu.memory_space<hbm>>
      %dma_start3A_425 = arith.constant 0 : i32
      %dma_start3A_426 = arith.constant 0 : i32
      %dma_start3A_427 = tpu.memref_slice %arg4[%add3A, %dma_start3A_425, %dma_start3A_426] : memref<32x80x125xi32, #tpu.memory_space<hbm>> -> memref<1x80x125xi32, #tpu.memory_space<hbm>>
      %dma_start3A_428 = tpu.memref_squeeze %dma_start3A_427 : memref<1x80x125xi32, #tpu.memory_space<hbm>> -> memref<80x125xi32, #tpu.memory_space<hbm>>
      tpu.enqueue_dma source(%dma_start3A_428 : memref<80x125xi32, #tpu.memory_space<hbm>>) target(%arg8 : memref<80x125xi32, #tpu.memory_space<vmem>>) target_semaphore(%run_scoped3A : memref<!tpu.dma_semaphore, #tpu.memory_space<semaphore_mem>>)
      %dma_wait3A_429 = arith.constant 0 : i32
      %dma_wait3A_430 = arith.constant 0 : i32
      %dma_wait3A_431 = tpu.memref_slice %arg4[%add3A, %dma_wait3A_429, %dma_wait3A_430] : memref<32x80x125xi32, #tpu.memory_space<hbm>> -> memref<1x80x125xi32, #tpu.memory_space<hbm>>
      %dma_wait3A_432 = tpu.memref_squeeze %dma_wait3A_431 : memref<1x80x125xi32, #tpu.memory_space<hbm>> -> memref<80x125xi32, #tpu.memory_space<hbm>>
      %dma_wait3A_433 = arith.constant 0 : i32
      %dma_wait3A_434 = arith.constant 0 : i32
      %dma_wait3A_435 = tpu.memref_slice %arg4[%add3A, %dma_wait3A_433, %dma_wait3A_434] : memref<32x80x125xi32, #tpu.memory_space<hbm>> -> memref<1x80x125xi32, #tpu.memory_space<hbm>>
      %dma_wait3A_436 = tpu.memref_squeeze %dma_wait3A_435 : memref<1x80x125xi32, #tpu.memory_space<hbm>> -> memref<80x125xi32, #tpu.memory_space<hbm>>
      tpu.wait_dma2 semaphore(%run_scoped3A : memref<!tpu.dma_semaphore, #tpu.memory_space<semaphore_mem>>) src(%dma_wait3A_436 : memref<80x125xi32, #tpu.memory_space<hbm>>) dst(%arg8 : memref<80x125xi32, #tpu.memory_space<vmem>>)
      tpu.yield
    }) : () -> ()
    %broadcast_in_dim3A = arith.constant 0.000000e+00 : f32
    %broadcast_in_dim3A_1 = vector.broadcast %broadcast_in_dim3A : f32 to vector<16xf32>
    %swap3A = arith.constant 0 : i32
    %swap3A_2 = arith.index_cast %swap3A : i32 to index
    %swap3A_3 = arith.constant 0 : index
    %swap3A_4 = tpu.vector_load %arg10[%swap3A_2, %swap3A_3] {strides = array<i32>} : memref<16x64xf32, #tpu.memory_space<vmem>>, vector<1x16xf32>,
    %swap3A_5 = vector.shape_cast %swap3A_4 : vector<1x16xf32> to vector<16xf32>
    %swap3A_6 = vector.shape_cast %broadcast_in_dim3A_1 : vector<16xf32> to vector<1x16xf32>
    tpu.vector_store %arg10[%swap3A_2, %swap3A_3], %swap3A_6 {strides = array<i32>} : memref<16x64xf32, #tpu.memory_space<vmem>>, vector<1x16xf32>,
    %swap3A_7 = arith.constant 0 : i32
    %swap3A_8 = arith.index_cast %swap3A_7 : i32 to index
    %swap3A_9 = arith.constant 16 : index
    %swap3A_10 = tpu.vector_load %arg10[%swap3A_8, %swap3A_9] {strides = array<i32>} : memref<16x64xf32, #tpu.memory_space<vmem>>, vector<1x16xf32>,
    %swap3A_11 = vector.shape_cast %swap3A_10 : vector<1x16xf32> to vector<16xf32>
    %swap3A_12 = vector.shape_cast %broadcast_in_dim3A_1 : vector<16xf32> to vector<1x16xf32>
    tpu.vector_store %arg10[%swap3A_8, %swap3A_9], %swap3A_12 {strides = array<i32>} : memref<16x64xf32, #tpu.memory_space<vmem>>, vector<1x16xf32>,
    %swap3A_13 = arith.constant 0 : i32
    %swap3A_14 = arith.index_cast %swap3A_13 : i32 to index
    %swap3A_15 = arith.constant 32 : index
    %swap3A_16 = tpu.vector_load %arg10[%swap3A_14, %swap3A_15] {strides = array<i32>} : memref<16x64xf32, #tpu.memory_space<vmem>>, vector<1x16xf32>,
    %swap3A_17 = vector.shape_cast %swap3A_16 : vector<1x16xf32> to vector<16xf32>
    %swap3A_18 = vector.shape_cast %broadcast_in_dim3A_1 : vector<16xf32> to vector<1x16xf32>
    tpu.vector_store %arg10[%swap3A_14, %swap3A_15], %swap3A_18 {strides = array<i32>} : memref<16x64xf32, #tpu.memory_space<vmem>>, vector<1x16xf32>,
    %swap3A_19 = arith.constant 0 : i32
    %swap3A_20 = arith.index_cast %swap3A_19 : i32 to index
    %swap3A_21 = arith.constant 48 : index
    %swap3A_22 = tpu.vector_load %arg10[%swap3A_20, %swap3A_21] {strides = array<i32>} : memref<16x64xf32, #tpu.memory_space<vmem>>, vector<1x16xf32>,
    %swap3A_23 = vector.shape_cast %swap3A_22 : vector<1x16xf32> to vector<16xf32>
    %swap3A_24 = vector.shape_cast %broadcast_in_dim3A_1 : vector<16xf32> to vector<1x16xf32>
    tpu.vector_store %arg10[%swap3A_20, %swap3A_21], %swap3A_24 {strides = array<i32>} : memref<16x64xf32, #tpu.memory_space<vmem>>, vector<1x16xf32>,
    %swap3A_25 = arith.constant 1 : i32
    %swap3A_26 = arith.index_cast %swap3A_25 : i32 to index
    %swap3A_27 = arith.constant 0 : index
    %swap3A_28 = tpu.vector_load %arg10[%swap3A_26, %swap3A_27] {strides = array<i32>} : memref<16x64xf32, #tpu.memory_space<vmem>>, vector<1x16xf32>,
    %swap3A_29 = vector.shape_cast %swap3A_28 : vector<1x16xf32> to vector<16xf32>
    %swap3A_30 = vector.shape_cast %broadcast_in_dim3A_1 : vector<16xf32> to vector<1x16xf32>
    tpu.vector_store %arg10[%swap3A_26, %swap3A_27], %swap3A_30 {strides = array<i32>} : memref<16x64xf32, #tpu.memory_space<vmem>>, vector<1x16xf32>,
    %swap3A_31 = arith.constant 1 : i32
    %swap3A_32 = arith.index_cast %swap3A_31 : i32 to index
    %swap3A_33 = arith.constant 16 : index
    %swap3A_34 = tpu.vector_load %arg10[%swap3A_32, %swap3A_33] {strides = array<i32>} : memref<16x64xf32, #tpu.memory_space<vmem>>, vector<1x16xf32>,
    %swap3A_35 = vector.shape_cast %swap3A_34 : vector<1x16xf32> to vector<16xf32>
    %swap3A_36 = vector.shape_cast %broadcast_in_dim3A_1 : vector<16xf32> to vector<1x16xf32>
    tpu.vector_store %arg10[%swap3A_32, %swap3A_33], %swap3A_36 {strides = array<i32>} : memref<16x64xf32, #tpu.memory_space<vmem>>, vector<1x16xf32>,
    %swap3A_37 = arith.constant 1 : i32
    %swap3A_38 = arith.index_cast %swap3A_37 : i32 to index
    %swap3A_39 = arith.constant 32 : index
    %swap3A_40 = tpu.vector_load %arg10[%swap3A_38, %swap3A_39] {strides = array<i32>} : memref<16x64xf32, #tpu.memory_space<vmem>>, vector<1x16xf32>,
    %swap3A_41 = vector.shape_cast %swap3A_40 : vector<1x16xf32> to vector<16xf32>
    %swap3A_42 = vector.shape_cast %broadcast_in_dim3A_1 : vector<16xf32> to vector<1x16xf32>
    tpu.vector_store %arg10[%swap3A_38, %swap3A_39], %swap3A_42 {strides = array<i32>} : memref<16x64xf32, #tpu.memory_space<vmem>>, vector<1x16xf32>,
    %swap3A_43 = arith.constant 1 : i32
    %swap3A_44 = arith.index_cast %swap3A_43 : i32 to index
    %swap3A_45 = arith.constant 48 : index
    %swap3A_46 = tpu.vector_load %arg10[%swap3A_44, %swap3A_45] {strides = array<i32>} : memref<16x64xf32, #tpu.memory_space<vmem>>, vector<1x16xf32>,
    %swap3A_47 = vector.shape_cast %swap3A_46 : vector<1x16xf32> to vector<16xf32>
    %swap3A_48 = vector.shape_cast %broadcast_in_dim3A_1 : vector<16xf32> to vector<1x16xf32>
    tpu.vector_store %arg10[%swap3A_44, %swap3A_45], %swap3A_48 {strides = array<i32>} : memref<16x64xf32, #tpu.memory_space<vmem>>, vector<1x16xf32>,
    %swap3A_49 = arith.constant 2 : i32
    %swap3A_50 = arith.index_cast %swap3A_49 : i32 to index
    %swap3A_51 = arith.constant 0 : index
    %swap3A_52 = tpu.vector_load %arg10[%swap3A_50, %swap3A_51] {strides = array<i32>} : memref<16x64xf32, #tpu.memory_space<vmem>>, vector<1x16xf32>,
    %swap3A_53 = vector.shape_cast %swap3A_52 : vector<1x16xf32> to vector<16xf32>
    %swap3A_54 = vector.shape_cast %broadcast_in_dim3A_1 : vector<16xf32> to vector<1x16xf32>
    tpu.vector_store %arg10[%swap3A_50, %swap3A_51], %swap3A_54 {strides = array<i32>} : memref<16x64xf32, #tpu.memory_space<vmem>>, vector<1x16xf32>,
    %swap3A_55 = arith.constant 2 : i32
    %swap3A_56 = arith.index_cast %swap3A_55 : i32 to index
    %swap3A_57 = arith.constant 16 : index
    %swap3A_58 = tpu.vector_load %arg10[%swap3A_56, %swap3A_57] {strides = array<i32>} : memref<16x64xf32, #tpu.memory_space<vmem>>, vector<1x16xf32>,
    %swap3A_59 = vector.shape_cast %swap3A_58 : vector<1x16xf32> to vector<16xf32>
    %swap3A_60 = vector.shape_cast %broadcast_in_dim3A_1 : vector<16xf32> to vector<1x16xf32>
    tpu.vector_store %arg10[%swap3A_56, %swap3A_57], %swap3A_60 {strides = array<i32>} : memref<16x64xf32, #tpu.memory_space<vmem>>, vector<1x16xf32>,
    %swap3A_61 = arith.constant 2 : i32
    %swap3A_62 = arith.index_cast %swap3A_61 : i32 to index
    %swap3A_63 = arith.constant 32 : index
    %swap3A_64 = tpu.vector_load %arg10[%swap3A_62, %swap3A_63] {strides = array<i32>} : memref<16x64xf32, #tpu.memory_space<vmem>>, vector<1x16xf32>,
    %swap3A_65 = vector.shape_cast %swap3A_64 : vector<1x16xf32> to vector<16xf32>
    %swap3A_66 = vector.shape_cast %broadcast_in_dim3A_1 : vector<16xf32> to vector<1x16xf32>
    tpu.vector_store %arg10[%swap3A_62, %swap3A_63], %swap3A_66 {strides = array<i32>} : memref<16x64xf32, #tpu.memory_space<vmem>>, vector<1x16xf32>,
    %swap3A_67 = arith.constant 2 : i32
    %swap3A_68 = arith.index_cast %swap3A_67 : i32 to index
    %swap3A_69 = arith.constant 48 : index
    %swap3A_70 = tpu.vector_load %arg10[%swap3A_68, %swap3A_69] {strides = array<i32>} : memref<16x64xf32, #tpu.memory_space<vmem>>, vector<1x16xf32>,
    %swap3A_71 = vector.shape_cast %swap3A_70 : vector<1x16xf32> to vector<16xf32>
    %swap3A_72 = vector.shape_cast %broadcast_in_dim3A_1 : vector<16xf32> to vector<1x16xf32>
    tpu.vector_store %arg10[%swap3A_68, %swap3A_69], %swap3A_72 {strides = array<i32>} : memref<16x64xf32, #tpu.memory_space<vmem>>, vector<1x16xf32>,
    %swap3A_73 = arith.constant 3 : i32
    %swap3A_74 = arith.index_cast %swap3A_73 : i32 to index
    %swap3A_75 = arith.constant 0 : index
    %swap3A_76 = tpu.vector_load %arg10[%swap3A_74, %swap3A_75] {strides = array<i32>} : memref<16x64xf32, #tpu.memory_space<vmem>>, vector<1x16xf32>,
    %swap3A_77 = vector.shape_cast %swap3A_76 : vector<1x16xf32> to vector<16xf32>
    %swap3A_78 = vector.shape_cast %broadcast_in_dim3A_1 : vector<16xf32> to vector<1x16xf32>
    tpu.vector_store %arg10[%swap3A_74, %swap3A_75], %swap3A_78 {strides = array<i32>} : memref<16x64xf32, #tpu.memory_space<vmem>>, vector<1x16xf32>,
    %swap3A_79 = arith.constant 3 : i32
    %swap3A_80 = arith.index_cast %swap3A_79 : i32 to index
    %swap3A_81 = arith.constant 16 : index
    %swap3A_82 = tpu.vector_load %arg10[%swap3A_80, %swap3A_81] {strides = array<i32>} : memref<16x64xf32, #tpu.memory_space<vmem>>, vector<1x16xf32>,
    %swap3A_83 = vector.shape_cast %swap3A_82 : vector<1x16xf32> to vector<16xf32>
    %swap3A_84 = vector.shape_cast %broadcast_in_dim3A_1 : vector<16xf32> to vector<1x16xf32>
    tpu.vector_store %arg10[%swap3A_80, %swap3A_81], %swap3A_84 {strides = array<i32>} : memref<16x64xf32, #tpu.memory_space<vmem>>, vector<1x16xf32>,
    %swap3A_85 = arith.constant 3 : i32
    %swap3A_86 = arith.index_cast %swap3A_85 : i32 to index
    %swap3A_87 = arith.constant 32 : index
    %swap3A_88 = tpu.vector_load %arg10[%swap3A_86, %swap3A_87] {strides = array<i32>} : memref<16x64xf32, #tpu.memory_space<vmem>>, vector<1x16xf32>,
    %swap3A_89 = vector.shape_cast %swap3A_88 : vector<1x16xf32> to vector<16xf32>
    %swap3A_90 = vector.shape_cast %broadcast_in_dim3A_1 : vector<16xf32> to vector<1x16xf32>
    tpu.vector_store %arg10[%swap3A_86, %swap3A_87], %swap3A_90 {strides = array<i32>} : memref<16x64xf32, #tpu.memory_space<vmem>>, vector<1x16xf32>,
    %swap3A_91 = arith.constant 3 : i32
    %swap3A_92 = arith.index_cast %swap3A_91 : i32 to index
    %swap3A_93 = arith.constant 48 : index
    %swap3A_94 = tpu.vector_load %arg10[%swap3A_92, %swap3A_93] {strides = array<i32>} : memref<16x64xf32, #tpu.memory_space<vmem>>, vector<1x16xf32>,
    %swap3A_95 = vector.shape_cast %swap3A_94 : vector<1x16xf32> to vector<16xf32>
    %swap3A_96 = vector.shape_cast %broadcast_in_dim3A_1 : vector<16xf32> to vector<1x16xf32>
    tpu.vector_store %arg10[%swap3A_92, %swap3A_93], %swap3A_96 {strides = array<i32>} : memref<16x64xf32, #tpu.memory_space<vmem>>, vector<1x16xf32>,
    %swap3A_97 = arith.constant 4 : i32
    %swap3A_98 = arith.index_cast %swap3A_97 : i32 to index
    %swap3A_99 = arith.constant 0 : index
    %swap3A_100 = tpu.vector_load %arg10[%swap3A_98, %swap3A_99] {strides = array<i32>} : memref<16x64xf32, #tpu.memory_space<vmem>>, vector<1x16xf32>,
    %swap3A_101 = vector.shape_cast %swap3A_100 : vector<1x16xf32> to vector<16xf32>
    %swap3A_102 = vector.shape_cast %broadcast_in_dim3A_1 : vector<16xf32> to vector<1x16xf32>
    tpu.vector_store %arg10[%swap3A_98, %swap3A_99], %swap3A_102 {strides = array<i32>} : memref<16x64xf32, #tpu.memory_space<vmem>>, vector<1x16xf32>,
    %swap3A_103 = arith.constant 4 : i32
    %swap3A_104 = arith.index_cast %swap3A_103 : i32 to index
    %swap3A_105 = arith.constant 16 : index
    %swap3A_106 = tpu.vector_load %arg10[%swap3A_104, %swap3A_105] {strides = array<i32>} : memref<16x64xf32, #tpu.memory_space<vmem>>, vector<1x16xf32>,
    %swap3A_107 = vector.shape_cast %swap3A_106 : vector<1x16xf32> to vector<16xf32>
    %swap3A_108 = vector.shape_cast %broadcast_in_dim3A_1 : vector<16xf32> to vector<1x16xf32>
    tpu.vector_store %arg10[%swap3A_104, %swap3A_105], %swap3A_108 {strides = array<i32>} : memref<16x64xf32, #tpu.memory_space<vmem>>, vector<1x16xf32>,
    %swap3A_109 = arith.constant 4 : i32
    %swap3A_110 = arith.index_cast %swap3A_109 : i32 to index
    %swap3A_111 = arith.constant 32 : index
    %swap3A_112 = tpu.vector_load %arg10[%swap3A_110, %swap3A_111] {strides = array<i32>} : memref<16x64xf32, #tpu.memory_space<vmem>>, vector<1x16xf32>,
    %swap3A_113 = vector.shape_cast %swap3A_112 : vector<1x16xf32> to vector<16xf32>
    %swap3A_114 = vector.shape_cast %broadcast_in_dim3A_1 : vector<16xf32> to vector<1x16xf32>
    tpu.vector_store %arg10[%swap3A_110, %swap3A_111], %swap3A_114 {strides = array<i32>} : memref<16x64xf32, #tpu.memory_space<vmem>>, vector<1x16xf32>,
    %swap3A_115 = arith.constant 4 : i32
    %swap3A_116 = arith.index_cast %swap3A_115 : i32 to index
    %swap3A_117 = arith.constant 48 : index
    %swap3A_118 = tpu.vector_load %arg10[%swap3A_116, %swap3A_117] {strides = array<i32>} : memref<16x64xf32, #tpu.memory_space<vmem>>, vector<1x16xf32>,
    %swap3A_119 = vector.shape_cast %swap3A_118 : vector<1x16xf32> to vector<16xf32>
    %swap3A_120 = vector.shape_cast %broadcast_in_dim3A_1 : vector<16xf32> to vector<1x16xf32>
    tpu.vector_store %arg10[%swap3A_116, %swap3A_117], %swap3A_120 {strides = array<i32>} : memref<16x64xf32, #tpu.memory_space<vmem>>, vector<1x16xf32>,
    %swap3A_121 = arith.constant 5 : i32
    %swap3A_122 = arith.index_cast %swap3A_121 : i32 to index
    %swap3A_123 = arith.constant 0 : index
    %swap3A_124 = tpu.vector_load %arg10[%swap3A_122, %swap3A_123] {strides = array<i32>} : memref<16x64xf32, #tpu.memory_space<vmem>>, vector<1x16xf32>,
    %swap3A_125 = vector.shape_cast %swap3A_124 : vector<1x16xf32> to vector<16xf32>
    %swap3A_126 = vector.shape_cast %broadcast_in_dim3A_1 : vector<16xf32> to vector<1x16xf32>
    tpu.vector_store %arg10[%swap3A_122, %swap3A_123], %swap3A_126 {strides = array<i32>} : memref<16x64xf32, #tpu.memory_space<vmem>>, vector<1x16xf32>,
    %swap3A_127 = arith.constant 5 : i32
    %swap3A_128 = arith.index_cast %swap3A_127 : i32 to index
    %swap3A_129 = arith.constant 16 : index
    %swap3A_130 = tpu.vector_load %arg10[%swap3A_128, %swap3A_129] {strides = array<i32>} : memref<16x64xf32, #tpu.memory_space<vmem>>, vector<1x16xf32>,
    %swap3A_131 = vector.shape_cast %swap3A_130 : vector<1x16xf32> to vector<16xf32>
    %swap3A_132 = vector.shape_cast %broadcast_in_dim3A_1 : vector<16xf32> to vector<1x16xf32>
    tpu.vector_store %arg10[%swap3A_128, %swap3A_129], %swap3A_132 {strides = array<i32>} : memref<16x64xf32, #tpu.memory_space<vmem>>, vector<1x16xf32>,
    %swap3A_133 = arith.constant 5 : i32
    %swap3A_134 = arith.index_cast %swap3A_133 : i32 to index
    %swap3A_135 = arith.constant 32 : index
    %swap3A_136 = tpu.vector_load %arg10[%swap3A_134, %swap3A_135] {strides = array<i32>} : memref<16x64xf32, #tpu.memory_space<vmem>>, vector<1x16xf32>,
    %swap3A_137 = vector.shape_cast %swap3A_136 : vector<1x16xf32> to vector<16xf32>
    %swap3A_138 = vector.shape_cast %broadcast_in_dim3A_1 : vector<16xf32> to vector<1x16xf32>
    tpu.vector_store %arg10[%swap3A_134, %swap3A_135], %swap3A_138 {strides = array<i32>} : memref<16x64xf32, #tpu.memory_space<vmem>>, vector<1x16xf32>,
    %swap3A_139 = arith.constant 5 : i32
    %swap3A_140 = arith.index_cast %swap3A_139 : i32 to index
    %swap3A_141 = arith.constant 48 : index
    %swap3A_142 = tpu.vector_load %arg10[%swap3A_140, %swap3A_141] {strides = array<i32>} : memref<16x64xf32, #tpu.memory_space<vmem>>, vector<1x16xf32>,
    %swap3A_143 = vector.shape_cast %swap3A_142 : vector<1x16xf32> to vector<16xf32>
    %swap3A_144 = vector.shape_cast %broadcast_in_dim3A_1 : vector<16xf32> to vector<1x16xf32>
    tpu.vector_store %arg10[%swap3A_140, %swap3A_141], %swap3A_144 {strides = array<i32>} : memref<16x64xf32, #tpu.memory_space<vmem>>, vector<1x16xf32>,
    %swap3A_145 = arith.constant 6 : i32
    %swap3A_146 = arith.index_cast %swap3A_145 : i32 to index
    %swap3A_147 = arith.constant 0 : index
    %swap3A_148 = tpu.vector_load %arg10[%swap3A_146, %swap3A_147] {strides = array<i32>} : memref<16x64xf32, #tpu.memory_space<vmem>>, vector<1x16xf32>,
    %swap3A_149 = vector.shape_cast %swap3A_148 : vector<1x16xf32> to vector<16xf32>
    %swap3A_150 = vector.shape_cast %broadcast_in_dim3A_1 : vector<16xf32> to vector<1x16xf32>
    tpu.vector_store %arg10[%swap3A_146, %swap3A_147], %swap3A_150 {strides = array<i32>} : memref<16x64xf32, #tpu.memory_space<vmem>>, vector<1x16xf32>,
    %swap3A_151 = arith.constant 6 : i32
    %swap3A_152 = arith.index_cast %swap3A_151 : i32 to index
    %swap3A_153 = arith.constant 16 : index
    %swap3A_154 = tpu.vector_load %arg10[%swap3A_152, %swap3A_153] {strides = array<i32>} : memref<16x64xf32, #tpu.memory_space<vmem>>, vector<1x16xf32>,
    %swap3A_155 = vector.shape_cast %swap3A_154 : vector<1x16xf32> to vector<16xf32>
    %swap3A_156 = vector.shape_cast %broadcast_in_dim3A_1 : vector<16xf32> to vector<1x16xf32>
    tpu.vector_store %arg10[%swap3A_152, %swap3A_153], %swap3A_156 {strides = array<i32>} : memref<16x64xf32, #tpu.memory_space<vmem>>, vector<1x16xf32>,
    %swap3A_157 = arith.constant 6 : i32
    %swap3A_158 = arith.index_cast %swap3A_157 : i32 to index
    %swap3A_159 = arith.constant 32 : index
    %swap3A_160 = tpu.vector_load %arg10[%swap3A_158, %swap3A_159] {strides = array<i32>} : memref<16x64xf32, #tpu.memory_space<vmem>>, vector<1x16xf32>,
    %swap3A_161 = vector.shape_cast %swap3A_160 : vector<1x16xf32> to vector<16xf32>
    %swap3A_162 = vector.shape_cast %broadcast_in_dim3A_1 : vector<16xf32> to vector<1x16xf32>
    tpu.vector_store %arg10[%swap3A_158, %swap3A_159], %swap3A_162 {strides = array<i32>} : memref<16x64xf32, #tpu.memory_space<vmem>>, vector<1x16xf32>,
    %swap3A_163 = arith.constant 6 : i32
    %swap3A_164 = arith.index_cast %swap3A_163 : i32 to index
    %swap3A_165 = arith.constant 48 : index
    %swap3A_166 = tpu.vector_load %arg10[%swap3A_164, %swap3A_165] {strides = array<i32>} : memref<16x64xf32, #tpu.memory_space<vmem>>, vector<1x16xf32>,
    %swap3A_167 = vector.shape_cast %swap3A_166 : vector<1x16xf32> to vector<16xf32>
    %swap3A_168 = vector.shape_cast %broadcast_in_dim3A_1 : vector<16xf32> to vector<1x16xf32>
    tpu.vector_store %arg10[%swap3A_164, %swap3A_165], %swap3A_168 {strides = array<i32>} : memref<16x64xf32, #tpu.memory_space<vmem>>, vector<1x16xf32>,
    %swap3A_169 = arith.constant 7 : i32
    %swap3A_170 = arith.index_cast %swap3A_169 : i32 to index
    %swap3A_171 = arith.constant 0 : index
    %swap3A_172 = tpu.vector_load %arg10[%swap3A_170, %swap3A_171] {strides = array<i32>} : memref<16x64xf32, #tpu.memory_space<vmem>>, vector<1x16xf32>,
    %swap3A_173 = vector.shape_cast %swap3A_172 : vector<1x16xf32> to vector<16xf32>
    %swap3A_174 = vector.shape_cast %broadcast_in_dim3A_1 : vector<16xf32> to vector<1x16xf32>
    tpu.vector_store %arg10[%swap3A_170, %swap3A_171], %swap3A_174 {strides = array<i32>} : memref<16x64xf32, #tpu.memory_space<vmem>>, vector<1x16xf32>,
    %swap3A_175 = arith.constant 7 : i32
    %swap3A_176 = arith.index_cast %swap3A_175 : i32 to index
    %swap3A_177 = arith.constant 16 : index
    %swap3A_178 = tpu.vector_load %arg10[%swap3A_176, %swap3A_177] {strides = array<i32>} : memref<16x64xf32, #tpu.memory_space<vmem>>, vector<1x16xf32>,
    %swap3A_179 = vector.shape_cast %swap3A_178 : vector<1x16xf32> to vector<16xf32>
    %swap3A_180 = vector.shape_cast %broadcast_in_dim3A_1 : vector<16xf32> to vector<1x16xf32>
    tpu.vector_store %arg10[%swap3A_176, %swap3A_177], %swap3A_180 {strides = array<i32>} : memref<16x64xf32, #tpu.memory_space<vmem>>, vector<1x16xf32>,
    %swap3A_181 = arith.constant 7 : i32
    %swap3A_182 = arith.index_cast %swap3A_181 : i32 to index
    %swap3A_183 = arith.constant 32 : index
    %swap3A_184 = tpu.vector_load %arg10[%swap3A_182, %swap3A_183] {strides = array<i32>} : memref<16x64xf32, #tpu.memory_space<vmem>>, vector<1x16xf32>,
    %swap3A_185 = vector.shape_cast %swap3A_184 : vector<1x16xf32> to vector<16xf32>
    %swap3A_186 = vector.shape_cast %broadcast_in_dim3A_1 : vector<16xf32> to vector<1x16xf32>
    tpu.vector_store %arg10[%swap3A_182, %swap3A_183], %swap3A_186 {strides = array<i32>} : memref<16x64xf32, #tpu.memory_space<vmem>>, vector<1x16xf32>,
    %swap3A_187 = arith.constant 7 : i32
    %swap3A_188 = arith.index_cast %swap3A_187 : i32 to index
    %swap3A_189 = arith.constant 48 : index
    %swap3A_190 = tpu.vector_load %arg10[%swap3A_188, %swap3A_189] {strides = array<i32>} : memref<16x64xf32, #tpu.memory_space<vmem>>, vector<1x16xf32>,
    %swap3A_191 = vector.shape_cast %swap3A_190 : vector<1x16xf32> to vector<16xf32>
    %swap3A_192 = vector.shape_cast %broadcast_in_dim3A_1 : vector<16xf32> to vector<1x16xf32>
    tpu.vector_store %arg10[%swap3A_188, %swap3A_189], %swap3A_192 {strides = array<i32>} : memref<16x64xf32, #tpu.memory_space<vmem>>, vector<1x16xf32>,
    %swap3A_193 = arith.constant 8 : i32
    %swap3A_194 = arith.index_cast %swap3A_193 : i32 to index
    %swap3A_195 = arith.constant 0 : index
    %swap3A_196 = tpu.vector_load %arg10[%swap3A_194, %swap3A_195] {strides = array<i32>} : memref<16x64xf32, #tpu.memory_space<vmem>>, vector<1x16xf32>,
    %swap3A_197 = vector.shape_cast %swap3A_196 : vector<1x16xf32> to vector<16xf32>
    %swap3A_198 = vector.shape_cast %broadcast_in_dim3A_1 : vector<16xf32> to vector<1x16xf32>
    tpu.vector_store %arg10[%swap3A_194, %swap3A_195], %swap3A_198 {strides = array<i32>} : memref<16x64xf32, #tpu.memory_space<vmem>>, vector<1x16xf32>,
    %swap3A_199 = arith.constant 8 : i32
    %swap3A_200 = arith.index_cast %swap3A_199 : i32 to index
    %swap3A_201 = arith.constant 16 : index
    %swap3A_202 = tpu.vector_load %arg10[%swap3A_200, %swap3A_201] {strides = array<i32>} : memref<16x64xf32, #tpu.memory_space<vmem>>, vector<1x16xf32>,
    %swap3A_203 = vector.shape_cast %swap3A_202 : vector<1x16xf32> to vector<16xf32>
    %swap3A_204 = vector.shape_cast %broadcast_in_dim3A_1 : vector<16xf32> to vector<1x16xf32>
    tpu.vector_store %arg10[%swap3A_200, %swap3A_201], %swap3A_204 {strides = array<i32>} : memref<16x64xf32, #tpu.memory_space<vmem>>, vector<1x16xf32>,
    %swap3A_205 = arith.constant 8 : i32
    %swap3A_206 = arith.index_cast %swap3A_205 : i32 to index
    %swap3A_207 = arith.constant 32 : index
    %swap3A_208 = tpu.vector_load %arg10[%swap3A_206, %swap3A_207] {strides = array<i32>} : memref<16x64xf32, #tpu.memory_space<vmem>>, vector<1x16xf32>,
    %swap3A_209 = vector.shape_cast %swap3A_208 : vector<1x16xf32> to vector<16xf32>
    %swap3A_210 = vector.shape_cast %broadcast_in_dim3A_1 : vector<16xf32> to vector<1x16xf32>
    tpu.vector_store %arg10[%swap3A_206, %swap3A_207], %swap3A_210 {strides = array<i32>} : memref<16x64xf32, #tpu.memory_space<vmem>>, vector<1x16xf32>,
    %swap3A_211 = arith.constant 8 : i32
    %swap3A_212 = arith.index_cast %swap3A_211 : i32 to index
    %swap3A_213 = arith.constant 48 : index
    %swap3A_214 = tpu.vector_load %arg10[%swap3A_212, %swap3A_213] {strides = array<i32>} : memref<16x64xf32, #tpu.memory_space<vmem>>, vector<1x16xf32>,
    %swap3A_215 = vector.shape_cast %swap3A_214 : vector<1x16xf32> to vector<16xf32>
    %swap3A_216 = vector.shape_cast %broadcast_in_dim3A_1 : vector<16xf32> to vector<1x16xf32>
    tpu.vector_store %arg10[%swap3A_212, %swap3A_213], %swap3A_216 {strides = array<i32>} : memref<16x64xf32, #tpu.memory_space<vmem>>, vector<1x16xf32>,
    %swap3A_217 = arith.constant 9 : i32
    %swap3A_218 = arith.index_cast %swap3A_217 : i32 to index
    %swap3A_219 = arith.constant 0 : index
    %swap3A_220 = tpu.vector_load %arg10[%swap3A_218, %swap3A_219] {strides = array<i32>} : memref<16x64xf32, #tpu.memory_space<vmem>>, vector<1x16xf32>,
    %swap3A_221 = vector.shape_cast %swap3A_220 : vector<1x16xf32> to vector<16xf32>
    %swap3A_222 = vector.shape_cast %broadcast_in_dim3A_1 : vector<16xf32> to vector<1x16xf32>
    tpu.vector_store %arg10[%swap3A_218, %swap3A_219], %swap3A_222 {strides = array<i32>} : memref<16x64xf32, #tpu.memory_space<vmem>>, vector<1x16xf32>,
    %swap3A_223 = arith.constant 9 : i32
    %swap3A_224 = arith.index_cast %swap3A_223 : i32 to index
    %swap3A_225 = arith.constant 16 : index
    %swap3A_226 = tpu.vector_load %arg10[%swap3A_224, %swap3A_225] {strides = array<i32>} : memref<16x64xf32, #tpu.memory_space<vmem>>, vector<1x16xf32>,
    %swap3A_227 = vector.shape_cast %swap3A_226 : vector<1x16xf32> to vector<16xf32>
    %swap3A_228 = vector.shape_cast %broadcast_in_dim3A_1 : vector<16xf32> to vector<1x16xf32>
    tpu.vector_store %arg10[%swap3A_224, %swap3A_225], %swap3A_228 {strides = array<i32>} : memref<16x64xf32, #tpu.memory_space<vmem>>, vector<1x16xf32>,
    %swap3A_229 = arith.constant 9 : i32
    %swap3A_230 = arith.index_cast %swap3A_229 : i32 to index
    %swap3A_231 = arith.constant 32 : index
    %swap3A_232 = tpu.vector_load %arg10[%swap3A_230, %swap3A_231] {strides = array<i32>} : memref<16x64xf32, #tpu.memory_space<vmem>>, vector<1x16xf32>,
    %swap3A_233 = vector.shape_cast %swap3A_232 : vector<1x16xf32> to vector<16xf32>
    %swap3A_234 = vector.shape_cast %broadcast_in_dim3A_1 : vector<16xf32> to vector<1x16xf32>
    tpu.vector_store %arg10[%swap3A_230, %swap3A_231], %swap3A_234 {strides = array<i32>} : memref<16x64xf32, #tpu.memory_space<vmem>>, vector<1x16xf32>,
    %swap3A_235 = arith.constant 9 : i32
    %swap3A_236 = arith.index_cast %swap3A_235 : i32 to index
    %swap3A_237 = arith.constant 48 : index
    %swap3A_238 = tpu.vector_load %arg10[%swap3A_236, %swap3A_237] {strides = array<i32>} : memref<16x64xf32, #tpu.memory_space<vmem>>, vector<1x16xf32>,
    %swap3A_239 = vector.shape_cast %swap3A_238 : vector<1x16xf32> to vector<16xf32>
    %swap3A_240 = vector.shape_cast %broadcast_in_dim3A_1 : vector<16xf32> to vector<1x16xf32>
    tpu.vector_store %arg10[%swap3A_236, %swap3A_237], %swap3A_240 {strides = array<i32>} : memref<16x64xf32, #tpu.memory_space<vmem>>, vector<1x16xf32>,
    %swap3A_241 = arith.constant 10 : i32
    %swap3A_242 = arith.index_cast %swap3A_241 : i32 to index
    %swap3A_243 = arith.constant 0 : index
    %swap3A_244 = tpu.vector_load %arg10[%swap3A_242, %swap3A_243] {strides = array<i32>} : memref<16x64xf32, #tpu.memory_space<vmem>>, vector<1x16xf32>,
    %swap3A_245 = vector.shape_cast %swap3A_244 : vector<1x16xf32> to vector<16xf32>
    %swap3A_246 = vector.shape_cast %broadcast_in_dim3A_1 : vector<16xf32> to vector<1x16xf32>
    tpu.vector_store %arg10[%swap3A_242, %swap3A_243], %swap3A_246 {strides = array<i32>} : memref<16x64xf32, #tpu.memory_space<vmem>>, vector<1x16xf32>,
    %swap3A_247 = arith.constant 10 : i32
    %swap3A_248 = arith.index_cast %swap3A_247 : i32 to index
    %swap3A_249 = arith.constant 16 : index
    %swap3A_250 = tpu.vector_load %arg10[%swap3A_248, %swap3A_249] {strides = array<i32>} : memref<16x64xf32, #tpu.memory_space<vmem>>, vector<1x16xf32>,
    %swap3A_251 = vector.shape_cast %swap3A_250 : vector<1x16xf32> to vector<16xf32>
    %swap3A_252 = vector.shape_cast %broadcast_in_dim3A_1 : vector<16xf32> to vector<1x16xf32>
    tpu.vector_store %arg10[%swap3A_248, %swap3A_249], %swap3A_252 {strides = array<i32>} : memref<16x64xf32, #tpu.memory_space<vmem>>, vector<1x16xf32>,
    %swap3A_253 = arith.constant 10 : i32
    %swap3A_254 = arith.index_cast %swap3A_253 : i32 to index
    %swap3A_255 = arith.constant 32 : index
    %swap3A_256 = tpu.vector_load %arg10[%swap3A_254, %swap3A_255] {strides = array<i32>} : memref<16x64xf32, #tpu.memory_space<vmem>>, vector<1x16xf32>,
    %swap3A_257 = vector.shape_cast %swap3A_256 : vector<1x16xf32> to vector<16xf32>
    %swap3A_258 = vector.shape_cast %broadcast_in_dim3A_1 : vector<16xf32> to vector<1x16xf32>
    tpu.vector_store %arg10[%swap3A_254, %swap3A_255], %swap3A_258 {strides = array<i32>} : memref<16x64xf32, #tpu.memory_space<vmem>>, vector<1x16xf32>,
    %swap3A_259 = arith.constant 10 : i32
    %swap3A_260 = arith.index_cast %swap3A_259 : i32 to index
    %swap3A_261 = arith.constant 48 : index
    %swap3A_262 = tpu.vector_load %arg10[%swap3A_260, %swap3A_261] {strides = array<i32>} : memref<16x64xf32, #tpu.memory_space<vmem>>, vector<1x16xf32>,
    %swap3A_263 = vector.shape_cast %swap3A_262 : vector<1x16xf32> to vector<16xf32>
    %swap3A_264 = vector.shape_cast %broadcast_in_dim3A_1 : vector<16xf32> to vector<1x16xf32>
    tpu.vector_store %arg10[%swap3A_260, %swap3A_261], %swap3A_264 {strides = array<i32>} : memref<16x64xf32, #tpu.memory_space<vmem>>, vector<1x16xf32>,
    %swap3A_265 = arith.constant 11 : i32
    %swap3A_266 = arith.index_cast %swap3A_265 : i32 to index
    %swap3A_267 = arith.constant 0 : index
    %swap3A_268 = tpu.vector_load %arg10[%swap3A_266, %swap3A_267] {strides = array<i32>} : memref<16x64xf32, #tpu.memory_space<vmem>>, vector<1x16xf32>,
    %swap3A_269 = vector.shape_cast %swap3A_268 : vector<1x16xf32> to vector<16xf32>
    %swap3A_270 = vector.shape_cast %broadcast_in_dim3A_1 : vector<16xf32> to vector<1x16xf32>
    tpu.vector_store %arg10[%swap3A_266, %swap3A_267], %swap3A_270 {strides = array<i32>} : memref<16x64xf32, #tpu.memory_space<vmem>>, vector<1x16xf32>,
    %swap3A_271 = arith.constant 11 : i32
    %swap3A_272 = arith.index_cast %swap3A_271 : i32 to index
    %swap3A_273 = arith.constant 16 : index
    %swap3A_274 = tpu.vector_load %arg10[%swap3A_272, %swap3A_273] {strides = array<i32>} : memref<16x64xf32, #tpu.memory_space<vmem>>, vector<1x16xf32>,
    %swap3A_275 = vector.shape_cast %swap3A_274 : vector<1x16xf32> to vector<16xf32>
    %swap3A_276 = vector.shape_cast %broadcast_in_dim3A_1 : vector<16xf32> to vector<1x16xf32>
    tpu.vector_store %arg10[%swap3A_272, %swap3A_273], %swap3A_276 {strides = array<i32>} : memref<16x64xf32, #tpu.memory_space<vmem>>, vector<1x16xf32>,
    %swap3A_277 = arith.constant 11 : i32
    %swap3A_278 = arith.index_cast %swap3A_277 : i32 to index
    %swap3A_279 = arith.constant 32 : index
    %swap3A_280 = tpu.vector_load %arg10[%swap3A_278, %swap3A_279] {strides = array<i32>} : memref<16x64xf32, #tpu.memory_space<vmem>>, vector<1x16xf32>,
    %swap3A_281 = vector.shape_cast %swap3A_280 : vector<1x16xf32> to vector<16xf32>
    %swap3A_282 = vector.shape_cast %broadcast_in_dim3A_1 : vector<16xf32> to vector<1x16xf32>
    tpu.vector_store %arg10[%swap3A_278, %swap3A_279], %swap3A_282 {strides = array<i32>} : memref<16x64xf32, #tpu.memory_space<vmem>>, vector<1x16xf32>,
    %swap3A_283 = arith.constant 11 : i32
    %swap3A_284 = arith.index_cast %swap3A_283 : i32 to index
    %swap3A_285 = arith.constant 48 : index
    %swap3A_286 = tpu.vector_load %arg10[%swap3A_284, %swap3A_285] {strides = array<i32>} : memref<16x64xf32, #tpu.memory_space<vmem>>, vector<1x16xf32>,
    %swap3A_287 = vector.shape_cast %swap3A_286 : vector<1x16xf32> to vector<16xf32>
    %swap3A_288 = vector.shape_cast %broadcast_in_dim3A_1 : vector<16xf32> to vector<1x16xf32>
    tpu.vector_store %arg10[%swap3A_284, %swap3A_285], %swap3A_288 {strides = array<i32>} : memref<16x64xf32, #tpu.memory_space<vmem>>, vector<1x16xf32>,
    %swap3A_289 = arith.constant 12 : i32
    %swap3A_290 = arith.index_cast %swap3A_289 : i32 to index
    %swap3A_291 = arith.constant 0 : index
    %swap3A_292 = tpu.vector_load %arg10[%swap3A_290, %swap3A_291] {strides = array<i32>} : memref<16x64xf32, #tpu.memory_space<vmem>>, vector<1x16xf32>,
    %swap3A_293 = vector.shape_cast %swap3A_292 : vector<1x16xf32> to vector<16xf32>
    %swap3A_294 = vector.shape_cast %broadcast_in_dim3A_1 : vector<16xf32> to vector<1x16xf32>
    tpu.vector_store %arg10[%swap3A_290, %swap3A_291], %swap3A_294 {strides = array<i32>} : memref<16x64xf32, #tpu.memory_space<vmem>>, vector<1x16xf32>,
    %swap3A_295 = arith.constant 12 : i32
    %swap3A_296 = arith.index_cast %swap3A_295 : i32 to index
    %swap3A_297 = arith.constant 16 : index
    %swap3A_298 = tpu.vector_load %arg10[%swap3A_296, %swap3A_297] {strides = array<i32>} : memref<16x64xf32, #tpu.memory_space<vmem>>, vector<1x16xf32>,
    %swap3A_299 = vector.shape_cast %swap3A_298 : vector<1x16xf32> to vector<16xf32>
    %swap3A_300 = vector.shape_cast %broadcast_in_dim3A_1 : vector<16xf32> to vector<1x16xf32>
    tpu.vector_store %arg10[%swap3A_296, %swap3A_297], %swap3A_300 {strides = array<i32>} : memref<16x64xf32, #tpu.memory_space<vmem>>, vector<1x16xf32>,
    %swap3A_301 = arith.constant 12 : i32
    %swap3A_302 = arith.index_cast %swap3A_301 : i32 to index
    %swap3A_303 = arith.constant 32 : index
    %swap3A_304 = tpu.vector_load %arg10[%swap3A_302, %swap3A_303] {strides = array<i32>} : memref<16x64xf32, #tpu.memory_space<vmem>>, vector<1x16xf32>,
    %swap3A_305 = vector.shape_cast %swap3A_304 : vector<1x16xf32> to vector<16xf32>
    %swap3A_306 = vector.shape_cast %broadcast_in_dim3A_1 : vector<16xf32> to vector<1x16xf32>
    tpu.vector_store %arg10[%swap3A_302, %swap3A_303], %swap3A_306 {strides = array<i32>} : memref<16x64xf32, #tpu.memory_space<vmem>>, vector<1x16xf32>,
    %swap3A_307 = arith.constant 12 : i32
    %swap3A_308 = arith.index_cast %swap3A_307 : i32 to index
    %swap3A_309 = arith.constant 48 : index
    %swap3A_310 = tpu.vector_load %arg10[%swap3A_308, %swap3A_309] {strides = array<i32>} : memref<16x64xf32, #tpu.memory_space<vmem>>, vector<1x16xf32>,
    %swap3A_311 = vector.shape_cast %swap3A_310 : vector<1x16xf32> to vector<16xf32>
    %swap3A_312 = vector.shape_cast %broadcast_in_dim3A_1 : vector<16xf32> to vector<1x16xf32>
    tpu.vector_store %arg10[%swap3A_308, %swap3A_309], %swap3A_312 {strides = array<i32>} : memref<16x64xf32, #tpu.memory_space<vmem>>, vector<1x16xf32>,
    %swap3A_313 = arith.constant 13 : i32
    %swap3A_314 = arith.index_cast %swap3A_313 : i32 to index
    %swap3A_315 = arith.constant 0 : index
    %swap3A_316 = tpu.vector_load %arg10[%swap3A_314, %swap3A_315] {strides = array<i32>} : memref<16x64xf32, #tpu.memory_space<vmem>>, vector<1x16xf32>,
    %swap3A_317 = vector.shape_cast %swap3A_316 : vector<1x16xf32> to vector<16xf32>
    %swap3A_318 = vector.shape_cast %broadcast_in_dim3A_1 : vector<16xf32> to vector<1x16xf32>
    tpu.vector_store %arg10[%swap3A_314, %swap3A_315], %swap3A_318 {strides = array<i32>} : memref<16x64xf32, #tpu.memory_space<vmem>>, vector<1x16xf32>,
    %swap3A_319 = arith.constant 13 : i32
    %swap3A_320 = arith.index_cast %swap3A_319 : i32 to index
    %swap3A_321 = arith.constant 16 : index
    %swap3A_322 = tpu.vector_load %arg10[%swap3A_320, %swap3A_321] {strides = array<i32>} : memref<16x64xf32, #tpu.memory_space<vmem>>, vector<1x16xf32>,
    %swap3A_323 = vector.shape_cast %swap3A_322 : vector<1x16xf32> to vector<16xf32>
    %swap3A_324 = vector.shape_cast %broadcast_in_dim3A_1 : vector<16xf32> to vector<1x16xf32>
    tpu.vector_store %arg10[%swap3A_320, %swap3A_321], %swap3A_324 {strides = array<i32>} : memref<16x64xf32, #tpu.memory_space<vmem>>, vector<1x16xf32>,
    %swap3A_325 = arith.constant 13 : i32
    %swap3A_326 = arith.index_cast %swap3A_325 : i32 to index
    %swap3A_327 = arith.constant 32 : index
    %swap3A_328 = tpu.vector_load %arg10[%swap3A_326, %swap3A_327] {strides = array<i32>} : memref<16x64xf32, #tpu.memory_space<vmem>>, vector<1x16xf32>,
    %swap3A_329 = vector.shape_cast %swap3A_328 : vector<1x16xf32> to vector<16xf32>
    %swap3A_330 = vector.shape_cast %broadcast_in_dim3A_1 : vector<16xf32> to vector<1x16xf32>
    tpu.vector_store %arg10[%swap3A_326, %swap3A_327], %swap3A_330 {strides = array<i32>} : memref<16x64xf32, #tpu.memory_space<vmem>>, vector<1x16xf32>,
    %swap3A_331 = arith.constant 13 : i32
    %swap3A_332 = arith.index_cast %swap3A_331 : i32 to index
    %swap3A_333 = arith.constant 48 : index
    %swap3A_334 = tpu.vector_load %arg10[%swap3A_332, %swap3A_333] {strides = array<i32>} : memref<16x64xf32, #tpu.memory_space<vmem>>, vector<1x16xf32>,
    %swap3A_335 = vector.shape_cast %swap3A_334 : vector<1x16xf32> to vector<16xf32>
    %swap3A_336 = vector.shape_cast %broadcast_in_dim3A_1 : vector<16xf32> to vector<1x16xf32>
    tpu.vector_store %arg10[%swap3A_332, %swap3A_333], %swap3A_336 {strides = array<i32>} : memref<16x64xf32, #tpu.memory_space<vmem>>, vector<1x16xf32>,
    %swap3A_337 = arith.constant 14 : i32
    %swap3A_338 = arith.index_cast %swap3A_337 : i32 to index
    %swap3A_339 = arith.constant 0 : index
    %swap3A_340 = tpu.vector_load %arg10[%swap3A_338, %swap3A_339] {strides = array<i32>} : memref<16x64xf32, #tpu.memory_space<vmem>>, vector<1x16xf32>,
    %swap3A_341 = vector.shape_cast %swap3A_340 : vector<1x16xf32> to vector<16xf32>
    %swap3A_342 = vector.shape_cast %broadcast_in_dim3A_1 : vector<16xf32> to vector<1x16xf32>
    tpu.vector_store %arg10[%swap3A_338, %swap3A_339], %swap3A_342 {strides = array<i32>} : memref<16x64xf32, #tpu.memory_space<vmem>>, vector<1x16xf32>,
    %swap3A_343 = arith.constant 14 : i32
    %swap3A_344 = arith.index_cast %swap3A_343 : i32 to index
    %swap3A_345 = arith.constant 16 : index
    %swap3A_346 = tpu.vector_load %arg10[%swap3A_344, %swap3A_345] {strides = array<i32>} : memref<16x64xf32, #tpu.memory_space<vmem>>, vector<1x16xf32>,
    %swap3A_347 = vector.shape_cast %swap3A_346 : vector<1x16xf32> to vector<16xf32>
    %swap3A_348 = vector.shape_cast %broadcast_in_dim3A_1 : vector<16xf32> to vector<1x16xf32>
    tpu.vector_store %arg10[%swap3A_344, %swap3A_345], %swap3A_348 {strides = array<i32>} : memref<16x64xf32, #tpu.memory_space<vmem>>, vector<1x16xf32>,
    %swap3A_349 = arith.constant 14 : i32
    %swap3A_350 = arith.index_cast %swap3A_349 : i32 to index
    %swap3A_351 = arith.constant 32 : index
    %swap3A_352 = tpu.vector_load %arg10[%swap3A_350, %swap3A_351] {strides = array<i32>} : memref<16x64xf32, #tpu.memory_space<vmem>>, vector<1x16xf32>,
    %swap3A_353 = vector.shape_cast %swap3A_352 : vector<1x16xf32> to vector<16xf32>
    %swap3A_354 = vector.shape_cast %broadcast_in_dim3A_1 : vector<16xf32> to vector<1x16xf32>
    tpu.vector_store %arg10[%swap3A_350, %swap3A_351], %swap3A_354 {strides = array<i32>} : memref<16x64xf32, #tpu.memory_space<vmem>>, vector<1x16xf32>,
    %swap3A_355 = arith.constant 14 : i32
    %swap3A_356 = arith.index_cast %swap3A_355 : i32 to index
    %swap3A_357 = arith.constant 48 : index
    %swap3A_358 = tpu.vector_load %arg10[%swap3A_356, %swap3A_357] {strides = array<i32>} : memref<16x64xf32, #tpu.memory_space<vmem>>, vector<1x16xf32>,
    %swap3A_359 = vector.shape_cast %swap3A_358 : vector<1x16xf32> to vector<16xf32>
    %swap3A_360 = vector.shape_cast %broadcast_in_dim3A_1 : vector<16xf32> to vector<1x16xf32>
    tpu.vector_store %arg10[%swap3A_356, %swap3A_357], %swap3A_360 {strides = array<i32>} : memref<16x64xf32, #tpu.memory_space<vmem>>, vector<1x16xf32>,
    %swap3A_361 = arith.constant 15 : i32
    %swap3A_362 = arith.index_cast %swap3A_361 : i32 to index
    %swap3A_363 = arith.constant 0 : index
    %swap3A_364 = tpu.vector_load %arg10[%swap3A_362, %swap3A_363] {strides = array<i32>} : memref<16x64xf32, #tpu.memory_space<vmem>>, vector<1x16xf32>,
    %swap3A_365 = vector.shape_cast %swap3A_364 : vector<1x16xf32> to vector<16xf32>
    %swap3A_366 = vector.shape_cast %broadcast_in_dim3A_1 : vector<16xf32> to vector<1x16xf32>
    tpu.vector_store %arg10[%swap3A_362, %swap3A_363], %swap3A_366 {strides = array<i32>} : memref<16x64xf32, #tpu.memory_space<vmem>>, vector<1x16xf32>,
    %swap3A_367 = arith.constant 15 : i32
    %swap3A_368 = arith.index_cast %swap3A_367 : i32 to index
    %swap3A_369 = arith.constant 16 : index
    %swap3A_370 = tpu.vector_load %arg10[%swap3A_368, %swap3A_369] {strides = array<i32>} : memref<16x64xf32, #tpu.memory_space<vmem>>, vector<1x16xf32>,
    %swap3A_371 = vector.shape_cast %swap3A_370 : vector<1x16xf32> to vector<16xf32>
    %swap3A_372 = vector.shape_cast %broadcast_in_dim3A_1 : vector<16xf32> to vector<1x16xf32>
    tpu.vector_store %arg10[%swap3A_368, %swap3A_369], %swap3A_372 {strides = array<i32>} : memref<16x64xf32, #tpu.memory_space<vmem>>, vector<1x16xf32>,
    %swap3A_373 = arith.constant 15 : i32
    %swap3A_374 = arith.index_cast %swap3A_373 : i32 to index
    %swap3A_375 = arith.constant 32 : index
    %swap3A_376 = tpu.vector_load %arg10[%swap3A_374, %swap3A_375] {strides = array<i32>} : memref<16x64xf32, #tpu.memory_space<vmem>>, vector<1x16xf32>,
    %swap3A_377 = vector.shape_cast %swap3A_376 : vector<1x16xf32> to vector<16xf32>
    %swap3A_378 = vector.shape_cast %broadcast_in_dim3A_1 : vector<16xf32> to vector<1x16xf32>
    tpu.vector_store %arg10[%swap3A_374, %swap3A_375], %swap3A_378 {strides = array<i32>} : memref<16x64xf32, #tpu.memory_space<vmem>>, vector<1x16xf32>,
    %swap3A_379 = arith.constant 15 : i32
    %swap3A_380 = arith.index_cast %swap3A_379 : i32 to index
    %swap3A_381 = arith.constant 48 : index
    %swap3A_382 = tpu.vector_load %arg10[%swap3A_380, %swap3A_381] {strides = array<i32>} : memref<16x64xf32, #tpu.memory_space<vmem>>, vector<1x16xf32>,
    %swap3A_383 = vector.shape_cast %swap3A_382 : vector<1x16xf32> to vector<16xf32>
    %swap3A_384 = vector.shape_cast %broadcast_in_dim3A_1 : vector<16xf32> to vector<1x16xf32>
    tpu.vector_store %arg10[%swap3A_380, %swap3A_381], %swap3A_384 {strides = array<i32>} : memref<16x64xf32, #tpu.memory_space<vmem>>, vector<1x16xf32>,
    %mul3A_385 = arith.constant 640 : i32
    %mul3A_386 = arith.muli %arg1, %mul3A_385 : i32
    %scan3A = arith.constant 0 : i32
    %scan3A_387 = arith.constant 0 : i32
    %scan3A_388 = arith.constant 40 : i32
    %scan3A_389 = arith.addi %scan3A_387, %scan3A_388 : i32
    %scan3A_390 = arith.constant 1 : i32
    %scan3A_391 = scf.for %scan3A_422 = %scan3A_387 to %scan3A_389 step %scan3A_390 iter_args(%scan3A_423 = %scan3A) -> (i32)  : i32 {
      %mul3A_424 = arith.constant 16 : i32
      %mul3A_425 = arith.muli %scan3A_422, %mul3A_424 : i32
      %add3A_426 = arith.addi %mul3A_386, %mul3A_425 : i32
      "tpu.region"() ({
        %run_scoped3A = tpu.sem_alloc : memref<!tpu.dma_semaphore, #tpu.memory_space<semaphore_mem>>
        %dma_start3A = arith.constant 0 : i32
        %dma_start3A_428 = tpu.memref_slice %arg11[%add3A_426, %dma_start3A] : memref<10240x64xf32, #tpu.memory_space<vmem_shared>> -> memref<16x64xf32, #tpu.memory_space<vmem_shared>>
        %dma_start3A_429 = arith.constant 0 : i32
        %dma_start3A_430 = tpu.memref_slice %arg11[%add3A_426, %dma_start3A_429] : memref<10240x64xf32, #tpu.memory_space<vmem_shared>> -> memref<16x64xf32, #tpu.memory_space<vmem_shared>>
        tpu.enqueue_dma source(%arg10 : memref<16x64xf32, #tpu.memory_space<vmem>>) target(%dma_start3A_430 : memref<16x64xf32, #tpu.memory_space<vmem_shared>>) target_semaphore(%run_scoped3A : memref<!tpu.dma_semaphore, #tpu.memory_space<semaphore_mem>>)
        %dma_wait3A_431 = arith.constant 0 : i32
        %dma_wait3A_432 = tpu.memref_slice %arg11[%add3A_426, %dma_wait3A_431] : memref<10240x64xf32, #tpu.memory_space<vmem_shared>> -> memref<16x64xf32, #tpu.memory_space<vmem_shared>>
        %dma_wait3A_433 = arith.constant 0 : i32
        %dma_wait3A_434 = tpu.memref_slice %arg11[%add3A_426, %dma_wait3A_433] : memref<10240x64xf32, #tpu.memory_space<vmem_shared>> -> memref<16x64xf32, #tpu.memory_space<vmem_shared>>
        tpu.wait_dma2 semaphore(%run_scoped3A : memref<!tpu.dma_semaphore, #tpu.memory_space<semaphore_mem>>) src(%arg10 : memref<16x64xf32, #tpu.memory_space<vmem>>) dst(%dma_wait3A_434 : memref<16x64xf32, #tpu.memory_space<vmem_shared>>)
        tpu.yield
      }) : () -> ()
      %scan3A_427 = arith.constant 0 : i32
      scf.yield %scan3A_427 : i32
    }
    %scan3A_392 = arith.constant 40 : i32
    %barrier3A = arith.constant 0 : index
    tpu.barrier barrier_id(%barrier3A)
    %scan3A_393 = arith.constant 0 : i32
    %scan3A_394 = arith.constant 0 : i32
    %scan3A_395 = arith.constant 2 : i32
    %scan3A_396 = arith.addi %scan3A_394, %scan3A_395 : i32
    %scan3A_397 = arith.constant 1 : i32
    %scan3A_398 = scf.for %scan3A_422 = %scan3A_394 to %scan3A_396 step %scan3A_397 iter_args(%scan3A_423 = %scan3A_393) -> (i32)  : i32 {
      %dma_start3A = arith.constant 0 : i32
      %dma_start3A_424 = arith.constant 0 : i32
      %dma_start3A_425 = tpu.memref_slice %arg9[%scan3A_422, %dma_start3A, %dma_start3A_424] : memref<3x125x64xf32, #tpu.memory_space<vmem>> -> memref<1x125x64xf32, #tpu.memory_space<vmem>>
      %dma_start3A_426 = tpu.memref_squeeze %dma_start3A_425 : memref<1x125x64xf32, #tpu.memory_space<vmem>> -> memref<125x64xf32, #tpu.memory_space<vmem>>
      %dma_start3A_427 = arith.constant 0 : i32
      %dma_start3A_428 = tpu.memref_slice %arg7[%scan3A_422, %dma_start3A_427] : memref<80x125xi32, #tpu.memory_space<vmem>> -> memref<1x125xi32, #tpu.memory_space<vmem>>
      %dma_start3A_429 = tpu.memref_squeeze %dma_start3A_428 : memref<1x125xi32, #tpu.memory_space<vmem>> -> memref<125xi32, #tpu.memory_space<vmem>>
      %dma_start3A_430 = arith.constant 0 : i32
      %dma_start3A_431 = arith.constant 0 : i32
      %dma_start3A_432 = tpu.memref_slice %arg2[%dma_start3A_430, %dma_start3A_431] : memref<10000x64xf32, #tpu.memory_space<hbm>> -> memref<10000x64xf32, #tpu.memory_space<hbm>>
      %dma_start3A_433 = tpu.memref_slice %arg12[%scan3A_422] : memref<3x!tpu.dma_semaphore, #tpu.memory_space<semaphore_mem>> -> memref<1x!tpu.dma_semaphore, #tpu.memory_space<semaphore_mem>>
      %dma_start3A_434 = tpu.memref_squeeze %dma_start3A_433 : memref<1x!tpu.dma_semaphore, #tpu.memory_space<semaphore_mem>> -> memref<!tpu.dma_semaphore, #tpu.memory_space<semaphore_mem>>
      tpu.enqueue_indirect_dma source(%dma_start3A_432 : memref<10000x64xf32, #tpu.memory_space<hbm>>) target(%dma_start3A_426 : memref<125x64xf32, #tpu.memory_space<vmem>>) offsets(%dma_start3A_429 : memref<125xi32, #tpu.memory_space<vmem>>) semaphore(%dma_start3A_434 : memref<!tpu.dma_semaphore, #tpu.memory_space<semaphore_mem>>)
      %scan3A_435 = arith.constant 0 : i32
      scf.yield %scan3A_435 : i32
    }
    %scan3A_399 = arith.constant 2 : i32
    %scan3A_400 = arith.constant 0 : i32
    %scan3A_401 = arith.constant 0 : i32
    %scan3A_402 = arith.constant 80 : i32
    %scan3A_403 = arith.addi %scan3A_401, %scan3A_402 : i32
    %scan3A_404 = arith.constant 1 : i32
    %scan3A_405 = scf.for %scan3A_422 = %scan3A_401 to %scan3A_403 step %scan3A_404 iter_args(%scan3A_423 = %scan3A_400) -> (i32)  : i32 {
      %rem3A_424 = arith.constant 3 : i32
      %rem3A_425 = arith.remsi %scan3A_422, %rem3A_424 : i32
      %dma_wait3A_426 = arith.constant 0 : i32
      %dma_wait3A_427 = arith.constant 0 : i32
      %dma_wait3A_428 = tpu.memref_slice %arg9[%rem3A_425, %dma_wait3A_426, %dma_wait3A_427] : memref<3x125x64xf32, #tpu.memory_space<vmem>> -> memref<1x125x64xf32, #tpu.memory_space<vmem>>
      %dma_wait3A_429 = tpu.memref_squeeze %dma_wait3A_428 : memref<1x125x64xf32, #tpu.memory_space<vmem>> -> memref<125x64xf32, #tpu.memory_space<vmem>>
      %dma_wait3A_430 = arith.constant 0 : i32
      %dma_wait3A_431 = tpu.memref_slice %arg7[%scan3A_422, %dma_wait3A_430] : memref<80x125xi32, #tpu.memory_space<vmem>> -> memref<1x125xi32, #tpu.memory_space<vmem>>
      %dma_wait3A_432 = tpu.memref_squeeze %dma_wait3A_431 : memref<1x125xi32, #tpu.memory_space<vmem>> -> memref<125xi32, #tpu.memory_space<vmem>>
      %dma_wait3A_433 = arith.constant 0 : i32
      %dma_wait3A_434 = arith.constant 0 : i32
      %dma_wait3A_435 = tpu.memref_slice %arg2[%dma_wait3A_433, %dma_wait3A_434] : memref<10000x64xf32, #tpu.memory_space<hbm>> -> memref<10000x64xf32, #tpu.memory_space<hbm>>
      %dma_wait3A_436 = tpu.memref_slice %arg12[%rem3A_425] : memref<3x!tpu.dma_semaphore, #tpu.memory_space<semaphore_mem>> -> memref<1x!tpu.dma_semaphore, #tpu.memory_space<semaphore_mem>>
      %dma_wait3A_437 = tpu.memref_squeeze %dma_wait3A_436 : memref<1x!tpu.dma_semaphore, #tpu.memory_space<semaphore_mem>> -> memref<!tpu.dma_semaphore, #tpu.memory_space<semaphore_mem>>
      tpu.wait_indirect_dma semaphore(%dma_wait3A_437 : memref<!tpu.dma_semaphore, #tpu.memory_space<semaphore_mem>>) src(%dma_wait3A_435 : memref<10000x64xf32, #tpu.memory_space<hbm>>) dst(%dma_wait3A_429 : memref<125x64xf32, #tpu.memory_space<vmem>>)
      %dma_start3A = arith.constant 0 : i32
      %dma_start3A_438 = arith.constant 0 : i32
      %dma_start3A_439 = tpu.memref_slice %arg9[%rem3A_425, %dma_start3A, %dma_start3A_438] : memref<3x125x64xf32, #tpu.memory_space<vmem>> -> memref<1x125x64xf32, #tpu.memory_space<vmem>>
      %dma_start3A_440 = tpu.memref_squeeze %dma_start3A_439 : memref<1x125x64xf32, #tpu.memory_space<vmem>> -> memref<125x64xf32, #tpu.memory_space<vmem>>
      %dma_start3A_441 = arith.constant 0 : i32
      %dma_start3A_442 = tpu.memref_slice %arg8[%scan3A_422, %dma_start3A_441] : memref<80x125xi32, #tpu.memory_space<vmem>> -> memref<1x125xi32, #tpu.memory_space<vmem>>
      %dma_start3A_443 = tpu.memref_squeeze %dma_start3A_442 : memref<1x125xi32, #tpu.memory_space<vmem>> -> memref<125xi32, #tpu.memory_space<vmem>>
      %dma_start3A_444 = arith.constant 0 : i32
      %dma_start3A_445 = arith.constant 0 : i32
      %dma_start3A_446 = tpu.memref_slice %arg11[%dma_start3A_444, %dma_start3A_445] : memref<10240x64xf32, #tpu.memory_space<vmem_shared>> -> memref<10240x64xf32, #tpu.memory_space<vmem_shared>>
      %dma_start3A_447 = tpu.memref_slice %arg13[%rem3A_425] : memref<3x!tpu.dma_semaphore, #tpu.memory_space<semaphore_mem>> -> memref<1x!tpu.dma_semaphore, #tpu.memory_space<semaphore_mem>>
      %dma_start3A_448 = tpu.memref_squeeze %dma_start3A_447 : memref<1x!tpu.dma_semaphore, #tpu.memory_space<semaphore_mem>> -> memref<!tpu.dma_semaphore, #tpu.memory_space<semaphore_mem>>
      tpu.enqueue_indirect_dma source(%dma_start3A_440 : memref<125x64xf32, #tpu.memory_space<vmem>>) target(%dma_start3A_446 : memref<10240x64xf32, #tpu.memory_space<vmem_shared>>) offsets(%dma_start3A_443 : memref<125xi32, #tpu.memory_space<vmem>>) semaphore(%dma_start3A_448 : memref<!tpu.dma_semaphore, #tpu.memory_space<semaphore_mem>>) {add = true}
      %ge3A = arith.constant 1 : i32
      %ge3A_449 = arith.cmpi sge, %scan3A_422, %ge3A : i32
      %convert_element_type3A = arith.extui %ge3A_449 : i1 to i32
      %cond3A = arith.constant 0 : i32
      %cond3A_450 = arith.cmpi ne, %convert_element_type3A, %cond3A : i32
      scf.if %cond3A_450 {
        %sub3A = arith.constant 1 : i32
        %sub3A_458 = arith.subi %scan3A_422, %sub3A : i32
        %sub3A_459 = arith.constant 1 : i32
        %sub3A_460 = arith.subi %scan3A_422, %sub3A_459 : i32
        %rem3A_461 = arith.constant 3 : i32
        %rem3A_462 = arith.remsi %sub3A_460, %rem3A_461 : i32
        %dma_wait3A_463 = arith.constant 0 : i32
        %dma_wait3A_464 = arith.constant 0 : i32
        %dma_wait3A_465 = tpu.memref_slice %arg9[%rem3A_462, %dma_wait3A_463, %dma_wait3A_464] : memref<3x125x64xf32, #tpu.memory_space<vmem>> -> memref<1x125x64xf32, #tpu.memory_space<vmem>>
        %dma_wait3A_466 = tpu.memref_squeeze %dma_wait3A_465 : memref<1x125x64xf32, #tpu.memory_space<vmem>> -> memref<125x64xf32, #tpu.memory_space<vmem>>
        %dma_wait3A_467 = arith.constant 0 : i32
        %dma_wait3A_468 = tpu.memref_slice %arg8[%sub3A_458, %dma_wait3A_467] : memref<80x125xi32, #tpu.memory_space<vmem>> -> memref<1x125xi32, #tpu.memory_space<vmem>>
        %dma_wait3A_469 = tpu.memref_squeeze %dma_wait3A_468 : memref<1x125xi32, #tpu.memory_space<vmem>> -> memref<125xi32, #tpu.memory_space<vmem>>
        %dma_wait3A_470 = arith.constant 0 : i32
        %dma_wait3A_471 = arith.constant 0 : i32
        %dma_wait3A_472 = tpu.memref_slice %arg11[%dma_wait3A_470, %dma_wait3A_471] : memref<10240x64xf32, #tpu.memory_space<vmem_shared>> -> memref<10240x64xf32, #tpu.memory_space<vmem_shared>>
        %dma_wait3A_473 = tpu.memref_slice %arg13[%rem3A_462] : memref<3x!tpu.dma_semaphore, #tpu.memory_space<semaphore_mem>> -> memref<1x!tpu.dma_semaphore, #tpu.memory_space<semaphore_mem>>
        %dma_wait3A_474 = tpu.memref_squeeze %dma_wait3A_473 : memref<1x!tpu.dma_semaphore, #tpu.memory_space<semaphore_mem>> -> memref<!tpu.dma_semaphore, #tpu.memory_space<semaphore_mem>>
        tpu.wait_indirect_dma semaphore(%dma_wait3A_474 : memref<!tpu.dma_semaphore, #tpu.memory_space<semaphore_mem>>) src(%dma_wait3A_466 : memref<125x64xf32, #tpu.memory_space<vmem>>) dst(%dma_wait3A_472 : memref<10240x64xf32, #tpu.memory_space<vmem_shared>>)
      } else {
      }
      %add3A_451 = arith.constant 2 : i32
      %add3A_452 = arith.addi %scan3A_422, %add3A_451 : i32
      %lt3A = arith.constant 80 : i32
      %lt3A_453 = arith.cmpi slt, %add3A_452, %lt3A : i32
      %convert_element_type3A_454 = arith.extui %lt3A_453 : i1 to i32
      %cond3A_455 = arith.constant 0 : i32
      %cond3A_456 = arith.cmpi ne, %convert_element_type3A_454, %cond3A_455 : i32
      scf.if %cond3A_456 {
        %add3A_458 = arith.constant 2 : i32
        %add3A_459 = arith.addi %scan3A_422, %add3A_458 : i32
        %rem3A_460 = arith.constant 3 : i32
        %rem3A_461 = arith.remsi %add3A_459, %rem3A_460 : i32
        %add3A_462 = arith.constant 2 : i32
        %add3A_463 = arith.addi %scan3A_422, %add3A_462 : i32
        %dma_start3A_464 = arith.constant 0 : i32
        %dma_start3A_465 = arith.constant 0 : i32
        %dma_start3A_466 = tpu.memref_slice %arg9[%rem3A_461, %dma_start3A_464, %dma_start3A_465] : memref<3x125x64xf32, #tpu.memory_space<vmem>> -> memref<1x125x64xf32, #tpu.memory_space<vmem>>
        %dma_start3A_467 = tpu.memref_squeeze %dma_start3A_466 : memref<1x125x64xf32, #tpu.memory_space<vmem>> -> memref<125x64xf32, #tpu.memory_space<vmem>>
        %dma_start3A_468 = arith.constant 0 : i32
        %dma_start3A_469 = tpu.memref_slice %arg7[%add3A_463, %dma_start3A_468] : memref<80x125xi32, #tpu.memory_space<vmem>> -> memref<1x125xi32, #tpu.memory_space<vmem>>
        %dma_start3A_470 = tpu.memref_squeeze %dma_start3A_469 : memref<1x125xi32, #tpu.memory_space<vmem>> -> memref<125xi32, #tpu.memory_space<vmem>>
        %dma_start3A_471 = arith.constant 0 : i32
        %dma_start3A_472 = arith.constant 0 : i32
        %dma_start3A_473 = tpu.memref_slice %arg2[%dma_start3A_471, %dma_start3A_472] : memref<10000x64xf32, #tpu.memory_space<hbm>> -> memref<10000x64xf32, #tpu.memory_space<hbm>>
        %dma_start3A_474 = tpu.memref_slice %arg12[%rem3A_461] : memref<3x!tpu.dma_semaphore, #tpu.memory_space<semaphore_mem>> -> memref<1x!tpu.dma_semaphore, #tpu.memory_space<semaphore_mem>>
        %dma_start3A_475 = tpu.memref_squeeze %dma_start3A_474 : memref<1x!tpu.dma_semaphore, #tpu.memory_space<semaphore_mem>> -> memref<!tpu.dma_semaphore, #tpu.memory_space<semaphore_mem>>
        tpu.enqueue_indirect_dma source(%dma_start3A_473 : memref<10000x64xf32, #tpu.memory_space<hbm>>) target(%dma_start3A_467 : memref<125x64xf32, #tpu.memory_space<vmem>>) offsets(%dma_start3A_470 : memref<125xi32, #tpu.memory_space<vmem>>) semaphore(%dma_start3A_475 : memref<!tpu.dma_semaphore, #tpu.memory_space<semaphore_mem>>)
      } else {
      }
      %scan3A_457 = arith.constant 0 : i32
      scf.yield %scan3A_457 : i32
    }
    %scan3A_406 = arith.constant 80 : i32
    %rem3A = arith.constant 79 : i32
    %rem3A_407 = arith.constant 3 : i32
    %rem3A_408 = arith.remsi %rem3A, %rem3A_407 : i32
    %dma_wait3A = arith.constant 79 : i32
    %dma_wait3A_409 = arith.constant 0 : i32
    %dma_wait3A_410 = arith.constant 0 : i32
    %dma_wait3A_411 = tpu.memref_slice %arg9[%rem3A_408, %dma_wait3A_409, %dma_wait3A_410] : memref<3x125x64xf32, #tpu.memory_space<vmem>> -> memref<1x125x64xf32, #tpu.memory_space<vmem>>
    %dma_wait3A_412 = tpu.memref_squeeze %dma_wait3A_411 : memref<1x125x64xf32, #tpu.memory_space<vmem>> -> memref<125x64xf32, #tpu.memory_space<vmem>>
    %dma_wait3A_413 = arith.constant 0 : i32
    %dma_wait3A_414 = tpu.memref_slice %arg8[%dma_wait3A, %dma_wait3A_413] : memref<80x125xi32, #tpu.memory_space<vmem>> -> memref<1x125xi32, #tpu.memory_space<vmem>>
    %dma_wait3A_415 = tpu.memref_squeeze %dma_wait3A_414 : memref<1x125xi32, #tpu.memory_space<vmem>> -> memref<125xi32, #tpu.memory_space<vmem>>
    %dma_wait3A_416 = arith.constant 0 : i32
    %dma_wait3A_417 = arith.constant 0 : i32
    %dma_wait3A_418 = tpu.memref_slice %arg11[%dma_wait3A_416, %dma_wait3A_417] : memref<10240x64xf32, #tpu.memory_space<vmem_shared>> -> memref<10240x64xf32, #tpu.memory_space<vmem_shared>>
    %dma_wait3A_419 = tpu.memref_slice %arg13[%rem3A_408] : memref<3x!tpu.dma_semaphore, #tpu.memory_space<semaphore_mem>> -> memref<1x!tpu.dma_semaphore, #tpu.memory_space<semaphore_mem>>
    %dma_wait3A_420 = tpu.memref_squeeze %dma_wait3A_419 : memref<1x!tpu.dma_semaphore, #tpu.memory_space<semaphore_mem>> -> memref<!tpu.dma_semaphore, #tpu.memory_space<semaphore_mem>>
    tpu.wait_indirect_dma semaphore(%dma_wait3A_420 : memref<!tpu.dma_semaphore, #tpu.memory_space<semaphore_mem>>) src(%dma_wait3A_412 : memref<125x64xf32, #tpu.memory_space<vmem>>) dst(%dma_wait3A_418 : memref<10240x64xf32, #tpu.memory_space<vmem_shared>>)
    %barrier3A_421 = arith.constant 0 : index
    tpu.barrier barrier_id(%barrier3A_421)
    "tpu.region"() ({
      %run_scoped3A = tpu.sem_alloc : memref<!tpu.dma_semaphore, #tpu.memory_space<semaphore_mem>>
      %dma_start3A = arith.constant 0 : i32
      %dma_start3A_422 = tpu.memref_slice %arg6[%arg0, %mul3A_386, %dma_start3A] : memref<2x10240x64xf32, #tpu.memory_space<hbm>> -> memref<1x640x64xf32, #tpu.memory_space<hbm>>
      %dma_start3A_423 = tpu.memref_squeeze %dma_start3A_422 : memref<1x640x64xf32, #tpu.memory_space<hbm>> -> memref<640x64xf32, #tpu.memory_space<hbm>>
      %dma_start3A_424 = arith.constant 0 : i32
      %dma_start3A_425 = tpu.memref_slice %arg11[%mul3A_386, %dma_start3A_424] : memref<10240x64xf32, #tpu.memory_space<vmem_shared>> -> memref<640x64xf32, #tpu.memory_space<vmem_shared>>
      tpu.enqueue_dma source(%dma_start3A_425 : memref<640x64xf32, #tpu.memory_space<vmem_shared>>) target(%dma_start3A_423 : memref<640x64xf32, #tpu.memory_space<hbm>>) target_semaphore(%run_scoped3A : memref<!tpu.dma_semaphore, #tpu.memory_space<semaphore_mem>>)
      %dma_wait3A_426 = arith.constant 0 : i32
      %dma_wait3A_427 = tpu.memref_slice %arg6[%arg0, %mul3A_386, %dma_wait3A_426] : memref<2x10240x64xf32, #tpu.memory_space<hbm>> -> memref<1x640x64xf32, #tpu.memory_space<hbm>>
      %dma_wait3A_428 = tpu.memref_squeeze %dma_wait3A_427 : memref<1x640x64xf32, #tpu.memory_space<hbm>> -> memref<640x64xf32, #tpu.memory_space<hbm>>
      %dma_wait3A_429 = arith.constant 0 : i32
      %dma_wait3A_430 = tpu.memref_slice %arg11[%mul3A_386, %dma_wait3A_429] : memref<10240x64xf32, #tpu.memory_space<vmem_shared>> -> memref<640x64xf32, #tpu.memory_space<vmem_shared>>
      tpu.wait_dma2 semaphore(%run_scoped3A : memref<!tpu.dma_semaphore, #tpu.memory_space<semaphore_mem>>) src(%dma_wait3A_430 : memref<640x64xf32, #tpu.memory_space<vmem_shared>>) dst(%dma_wait3A_428 : memref<640x64xf32, #tpu.memory_space<hbm>>)
      tpu.yield
    }) : () -> ()
    return
  }
}

module attributes {stable_mosaic.version = 14 : i64} {
  func.func @body(%arg0: memref<10000x128xf32, #tpu.memory_space<vmem>>, %arg1: memref<128x128xf32, #tpu.memory_space<vmem>>, %arg2: memref<128x128xf32, #tpu.memory_space<vmem>>, %arg3: memref<10000x128xf32, #tpu.memory_space<vmem>>, %arg4: memref<10000x128xf32, #tpu.memory_space<vmem>>) attributes {dimension_semantics = [], scalar_prefetch = 0 : i64, scratch_operands = 0 : i64, tpu.core_type = #tpu.core_type<tc>} {
    %get3A = arith.constant 0 : index
    %get3A_0 = arith.constant 0 : index
    %get3A_1 = vector.load %arg0[%get3A, %get3A_0] : memref<10000x128xf32, #tpu.memory_space<vmem>>, vector<10000x128xf32>
    %get3A_2 = arith.constant 0 : index
    %get3A_3 = arith.constant 0 : index
    %get3A_4 = vector.load %arg1[%get3A_2, %get3A_3] : memref<128x128xf32, #tpu.memory_space<vmem>>, vector<128x128xf32>
    %dot_general3A = arith.constant dense<0.000000e+00> : vector<10000x128xf32>
    %dot_general3A_5 = tpu.matmul %get3A_1, %get3A_4, %dot_general3A {dimension_numbers = #tpu.dot_dimension_numbers<[1], [0], [0], [1], [0, 0, 1, 1], [], []>, transpose_lhs_hint = false} : vector<10000x128xf32>, vector<128x128xf32>, vector<10000x128xf32> -> vector<10000x128xf32>
    %swap3A = arith.constant 0 : index
    %swap3A_6 = arith.constant 0 : index
    %swap3A_7 = vector.load %arg3[%swap3A, %swap3A_6] : memref<10000x128xf32, #tpu.memory_space<vmem>>, vector<10000x128xf32>
    tpu.vector_store %arg3[%swap3A, %swap3A_6], %dot_general3A_5 {strides = array<i32>} : memref<10000x128xf32, #tpu.memory_space<vmem>>, vector<10000x128xf32>,
    %get3A_8 = arith.constant 0 : index
    %get3A_9 = arith.constant 0 : index
    %get3A_10 = vector.load %arg2[%get3A_8, %get3A_9] : memref<128x128xf32, #tpu.memory_space<vmem>>, vector<128x128xf32>
    %dot_general3A_11 = arith.constant dense<0.000000e+00> : vector<10000x128xf32>
    %dot_general3A_12 = tpu.matmul %get3A_1, %get3A_10, %dot_general3A_11 {dimension_numbers = #tpu.dot_dimension_numbers<[1], [0], [0], [1], [0, 0, 1, 1], [], []>, transpose_lhs_hint = false} : vector<10000x128xf32>, vector<128x128xf32>, vector<10000x128xf32> -> vector<10000x128xf32>
    %swap3A_13 = arith.constant 0 : index
    %swap3A_14 = arith.constant 0 : index
    %swap3A_15 = vector.load %arg4[%swap3A_13, %swap3A_14] : memref<10000x128xf32, #tpu.memory_space<vmem>>, vector<10000x128xf32>
    tpu.vector_store %arg4[%swap3A_13, %swap3A_14], %dot_general3A_12 {strides = array<i32>} : memref<10000x128xf32, #tpu.memory_space<vmem>>, vector<10000x128xf32>,
    return
  }
}

module attributes {stable_mosaic.version = 14 : i64} {
  func.func @body(%arg0: memref<2x10240x128xf32, #tpu.memory_space<vmem>>, %arg1: memref<2x10240x1xf32, #tpu.memory_space<vmem>>, %arg2: memref<10000x128xf32, #tpu.memory_space<vmem>>, %arg3: memref<1x128xf32, #tpu.memory_space<vmem>>, %arg4: memref<128x64xf32, #tpu.memory_space<vmem>>, %arg5: memref<128x64xf32, #tpu.memory_space<vmem>>, %arg6: memref<10000x64xf32, #tpu.memory_space<vmem>>, %arg7: memref<10000x64xf32, #tpu.memory_space<vmem>>) attributes {dimension_semantics = [], scalar_prefetch = 0 : i64, scratch_operands = 0 : i64, tpu.core_type = #tpu.core_type<tc>} {
    %get3A = arith.constant 0 : index
    %get3A_0 = arith.constant 0 : index
    %get3A_1 = arith.constant 0 : index
    %get3A_2 = vector.load %arg1[%get3A, %get3A_0, %get3A_1] : memref<2x10240x1xf32, #tpu.memory_space<vmem>>, vector<1x10000x1xf32>
    %get3A_3 = vector.shape_cast %get3A_2 : vector<1x10000x1xf32> to vector<10000x1xf32>
    %get3A_4 = arith.constant 1 : index
    %get3A_5 = arith.constant 0 : index
    %get3A_6 = arith.constant 0 : index
    %get3A_7 = vector.load %arg1[%get3A_4, %get3A_5, %get3A_6] : memref<2x10240x1xf32, #tpu.memory_space<vmem>>, vector<1x10000x1xf32>
    %get3A_8 = vector.shape_cast %get3A_7 : vector<1x10000x1xf32> to vector<10000x1xf32>
    %add3A = arith.addf %get3A_3, %get3A_8 : vector<10000x1xf32>
    %max3A = arith.constant 1.000000e+00 : f32
    %max3A_9 = vector.broadcast %max3A : f32 to vector<10000x1xf32>
    %max3A_10 = arith.maximumf %add3A, %max3A_9 : vector<10000x1xf32>
    %get3A_11 = arith.constant 0 : index
    %get3A_12 = arith.constant 0 : index
    %get3A_13 = arith.constant 0 : index
    %get3A_14 = vector.load %arg0[%get3A_11, %get3A_12, %get3A_13] : memref<2x10240x128xf32, #tpu.memory_space<vmem>>, vector<1x10000x128xf32>
    %get3A_15 = vector.shape_cast %get3A_14 : vector<1x10000x128xf32> to vector<10000x128xf32>
    %get3A_16 = arith.constant 1 : index
    %get3A_17 = arith.constant 0 : index
    %get3A_18 = arith.constant 0 : index
    %get3A_19 = vector.load %arg0[%get3A_16, %get3A_17, %get3A_18] : memref<2x10240x128xf32, #tpu.memory_space<vmem>>, vector<1x10000x128xf32>
    %get3A_20 = vector.shape_cast %get3A_19 : vector<1x10000x128xf32> to vector<10000x128xf32>
    %add3A_21 = arith.addf %get3A_15, %get3A_20 : vector<10000x128xf32>
    %div3A = vector.broadcast %max3A_10 : vector<10000x1xf32> to vector<10000x128xf32>
    %div3A_22 = arith.divf %add3A_21, %div3A : vector<10000x128xf32>
    %get3A_23 = arith.constant 0 : index
    %get3A_24 = arith.constant 0 : index
    %get3A_25 = vector.load %arg3[%get3A_23, %get3A_24] : memref<1x128xf32, #tpu.memory_space<vmem>>, vector<1x128xf32>
    %add3A_26 = vector.broadcast %get3A_25 : vector<1x128xf32> to vector<10000x128xf32>
    %add3A_27 = arith.addf %div3A_22, %add3A_26 : vector<10000x128xf32>
    %get3A_28 = arith.constant 0 : index
    %get3A_29 = arith.constant 0 : index
    %get3A_30 = vector.load %arg2[%get3A_28, %get3A_29] : memref<10000x128xf32, #tpu.memory_space<vmem>>, vector<10000x128xf32>
    %add3A_31 = arith.addf %add3A_27, %get3A_30 : vector<10000x128xf32>
    %max3A_32 = arith.constant 0.000000e+00 : f32
    %max3A_33 = vector.broadcast %max3A_32 : f32 to vector<10000x128xf32>
    %max3A_34 = arith.maximumf %add3A_31, %max3A_33 : vector<10000x128xf32>
    %get3A_35 = arith.constant 0 : index
    %get3A_36 = arith.constant 0 : index
    %get3A_37 = vector.load %arg4[%get3A_35, %get3A_36] : memref<128x64xf32, #tpu.memory_space<vmem>>, vector<128x64xf32>
    %dot_general3A = arith.constant dense<0.000000e+00> : vector<10000x64xf32>
    %dot_general3A_38 = tpu.matmul %max3A_34, %get3A_37, %dot_general3A {dimension_numbers = #tpu.dot_dimension_numbers<[1], [0], [0], [1], [0, 0, 1, 1], [], []>, transpose_lhs_hint = false} : vector<10000x128xf32>, vector<128x64xf32>, vector<10000x64xf32> -> vector<10000x64xf32>
    %swap3A = arith.constant 0 : index
    %swap3A_39 = arith.constant 0 : index
    %swap3A_40 = vector.load %arg6[%swap3A, %swap3A_39] : memref<10000x64xf32, #tpu.memory_space<vmem>>, vector<10000x64xf32>
    tpu.vector_store %arg6[%swap3A, %swap3A_39], %dot_general3A_38 {strides = array<i32>} : memref<10000x64xf32, #tpu.memory_space<vmem>>, vector<10000x64xf32>,
    %get3A_41 = arith.constant 0 : index
    %get3A_42 = arith.constant 0 : index
    %get3A_43 = vector.load %arg5[%get3A_41, %get3A_42] : memref<128x64xf32, #tpu.memory_space<vmem>>, vector<128x64xf32>
    %dot_general3A_44 = arith.constant dense<0.000000e+00> : vector<10000x64xf32>
    %dot_general3A_45 = tpu.matmul %max3A_34, %get3A_43, %dot_general3A_44 {dimension_numbers = #tpu.dot_dimension_numbers<[1], [0], [0], [1], [0, 0, 1, 1], [], []>, transpose_lhs_hint = false} : vector<10000x128xf32>, vector<128x64xf32>, vector<10000x64xf32> -> vector<10000x64xf32>
    %swap3A_46 = arith.constant 0 : index
    %swap3A_47 = arith.constant 0 : index
    %swap3A_48 = vector.load %arg7[%swap3A_46, %swap3A_47] : memref<10000x64xf32, #tpu.memory_space<vmem>>, vector<10000x64xf32>
    tpu.vector_store %arg7[%swap3A_46, %swap3A_47], %dot_general3A_45 {strides = array<i32>} : memref<10000x64xf32, #tpu.memory_space<vmem>>, vector<10000x64xf32>,
    return
  }
}

module attributes {stable_mosaic.version = 14 : i64} {
  func.func @body(%arg0: memref<2x10240x64xf32, #tpu.memory_space<vmem>>, %arg1: memref<2x10240x1xf32, #tpu.memory_space<vmem>>, %arg2: memref<10000x64xf32, #tpu.memory_space<vmem>>, %arg3: memref<1x64xf32, #tpu.memory_space<vmem>>, %arg4: memref<10000x64xf32, #tpu.memory_space<vmem>>) attributes {dimension_semantics = [], scalar_prefetch = 0 : i64, scratch_operands = 0 : i64, tpu.core_type = #tpu.core_type<tc>} {
    %get3A = arith.constant 0 : index
    %get3A_0 = arith.constant 0 : index
    %get3A_1 = arith.constant 0 : index
    %get3A_2 = vector.load %arg1[%get3A, %get3A_0, %get3A_1] : memref<2x10240x1xf32, #tpu.memory_space<vmem>>, vector<1x10000x1xf32>
    %get3A_3 = vector.shape_cast %get3A_2 : vector<1x10000x1xf32> to vector<10000x1xf32>
    %get3A_4 = arith.constant 1 : index
    %get3A_5 = arith.constant 0 : index
    %get3A_6 = arith.constant 0 : index
    %get3A_7 = vector.load %arg1[%get3A_4, %get3A_5, %get3A_6] : memref<2x10240x1xf32, #tpu.memory_space<vmem>>, vector<1x10000x1xf32>
    %get3A_8 = vector.shape_cast %get3A_7 : vector<1x10000x1xf32> to vector<10000x1xf32>
    %add3A = arith.addf %get3A_3, %get3A_8 : vector<10000x1xf32>
    %max3A = arith.constant 1.000000e+00 : f32
    %max3A_9 = vector.broadcast %max3A : f32 to vector<10000x1xf32>
    %max3A_10 = arith.maximumf %add3A, %max3A_9 : vector<10000x1xf32>
    %get3A_11 = arith.constant 0 : index
    %get3A_12 = arith.constant 0 : index
    %get3A_13 = arith.constant 0 : index
    %get3A_14 = vector.load %arg0[%get3A_11, %get3A_12, %get3A_13] : memref<2x10240x64xf32, #tpu.memory_space<vmem>>, vector<1x10000x64xf32>
    %get3A_15 = vector.shape_cast %get3A_14 : vector<1x10000x64xf32> to vector<10000x64xf32>
    %get3A_16 = arith.constant 1 : index
    %get3A_17 = arith.constant 0 : index
    %get3A_18 = arith.constant 0 : index
    %get3A_19 = vector.load %arg0[%get3A_16, %get3A_17, %get3A_18] : memref<2x10240x64xf32, #tpu.memory_space<vmem>>, vector<1x10000x64xf32>
    %get3A_20 = vector.shape_cast %get3A_19 : vector<1x10000x64xf32> to vector<10000x64xf32>
    %add3A_21 = arith.addf %get3A_15, %get3A_20 : vector<10000x64xf32>
    %div3A = vector.broadcast %max3A_10 : vector<10000x1xf32> to vector<10000x64xf32>
    %div3A_22 = arith.divf %add3A_21, %div3A : vector<10000x64xf32>
    %get3A_23 = arith.constant 0 : index
    %get3A_24 = arith.constant 0 : index
    %get3A_25 = vector.load %arg3[%get3A_23, %get3A_24] : memref<1x64xf32, #tpu.memory_space<vmem>>, vector<1x64xf32>
    %add3A_26 = vector.broadcast %get3A_25 : vector<1x64xf32> to vector<10000x64xf32>
    %add3A_27 = arith.addf %div3A_22, %add3A_26 : vector<10000x64xf32>
    %get3A_28 = arith.constant 0 : index
    %get3A_29 = arith.constant 0 : index
    %get3A_30 = vector.load %arg2[%get3A_28, %get3A_29] : memref<10000x64xf32, #tpu.memory_space<vmem>>, vector<10000x64xf32>
    %add3A_31 = arith.addf %add3A_27, %get3A_30 : vector<10000x64xf32>
    %reduce_max3A = arith.constant dense<0xFF800000> : vector<10000xf32>
    %reduce_max3A_32 = vector.multi_reduction <maximumf>, %add3A_31, %reduce_max3A [1] : vector<10000x64xf32> to vector<10000xf32>
    %broadcast_in_dim3A = vector.shape_cast %reduce_max3A_32 : vector<10000xf32> to vector<10000x1xf32>
    %sub3A = vector.broadcast %broadcast_in_dim3A : vector<10000x1xf32> to vector<10000x64xf32>
    %sub3A_33 = arith.subf %add3A_31, %sub3A : vector<10000x64xf32>
    %exp3A = math.exp %sub3A_33 : vector<10000x64xf32>
    %reduce_sum3A = arith.constant dense<0.000000e+00> : vector<10000xf32>
    %reduce_sum3A_34 = vector.multi_reduction <add>, %exp3A, %reduce_sum3A [1] : vector<10000x64xf32> to vector<10000xf32>
    %broadcast_in_dim3A_35 = vector.shape_cast %reduce_sum3A_34 : vector<10000xf32> to vector<10000x1xf32>
    %log3A = math.log %broadcast_in_dim3A_35 : vector<10000x1xf32>
    %add3A_36 = arith.addf %log3A, %broadcast_in_dim3A : vector<10000x1xf32>
    %sub3A_37 = vector.broadcast %add3A_36 : vector<10000x1xf32> to vector<10000x64xf32>
    %sub3A_38 = arith.subf %add3A_31, %sub3A_37 : vector<10000x64xf32>
    %swap3A = arith.constant 0 : index
    %swap3A_39 = arith.constant 0 : index
    %swap3A_40 = vector.load %arg4[%swap3A, %swap3A_39] : memref<10000x64xf32, #tpu.memory_space<vmem>>, vector<10000x64xf32>
    tpu.vector_store %arg4[%swap3A, %swap3A_39], %sub3A_38 {strides = array<i32>} : memref<10000x64xf32, #tpu.memory_space<vmem>>, vector<10000x64xf32>,
    return
  }
}

</mosaic_0001>

<sc_bundles>
// kernel: agg.3.cloned.1.call-start
scs
__scs_entry_jumppad:
0x0: {  	(pc) =	sbr.rel $0x88, $3  }
0x1: {  	(tag) =	ssettag $0x0;
	lr =	simm.s32 $0x1  }
0x2: {  	[smem:$0x3F99] =	sst lr;
	_ =	strace $0xD0000000  }
0x3: {  	_ = 	snop  }
0x4: {  	_ = 	snop  }
0x5: {  	_ = 	snop  }
0x6: {  	_ = 	snop  }
0x7: {  	_ = 	snop  }
__scs_overlays_trampoline_lowered:
0x8: {  	[smem:$0x3FA8] =	sst s0  }
0x9: {  	[smem:$0x3FA9] =	sst s1  }
0xa: {  	[smem:$0x3FAA] =	sst s2  }
0xb: {  	[smem:$0x3FAB] =	sst s3  }
0xc: {  	[smem:$0x3FAC] =	sst s4  }
0xd: {  	[smem:$0x3FAD] =	sst s5  }
0xe: {  	[smem:$0x3FAE] =	sst s6  }
0xf: {  	[smem:$0x3FAF] =	sst s7  }
0x10: {  	[smem:$0x3FB0] =	sst s8  }
0x11: {  	[smem:$0x3FB1] =	sst s9;
	s0 =	simm.s32 @!p0 $0x0  }
0x12: {  	s1 =	sld [smem:$0x3F97];
	s0 =	simm.s32 @p0 $0x1  }
0x13: {  	[smem:$0x3FB2] =	sst s0;
	s0 =	simm.s32 @!p1 $0x0  }
0x14: {  	s2 =	sld [smem:$0x3F96];
	s0 =	simm.s32 @p1 $0x1  }
0x15: {  	[smem:$0x3FB3] =	sst s0;
	s0 =	simm.s32 @!p2 $0x0  }
0x16: {  	s3 =	sld [smem:$0x3FDB];
	s0 =	simm.s32 @p2 $0x1  }
0x17: {  	s4 =	simm.s32 $0x1BF5;
	[smem:$0x3FB5] =	sst s0  }
0x18: {  	s0 =	sld [smem:$0x3F98];
	_ =	swait.ge [sflag:s4], $0x0  }
0x19: {  	s7 =	sld [smem:$0x3F99]  }
0x1a: {  	s8 =	sadd.s32 $0xFFFFE003, lr  }
0x1b: {  	s9 =	sadd.s32 $0xFFFFFEF7, lr;
	s5 =	simm.s32 $0xFFFFFFFF;
	p2 =	slt.u32 s8, $0xFFFFF086  }
0x1c: {  	p1 =	slt.u32 s9, $0xF7A;
	s5 =	simm.s32 @!p2 $0x0  }
0x1d: {  	s5 =	simm.s32 @p1 $0x1;
	p0 =	seq.s32 s7, s2  }
0x1e: {  	s7 =	smul.u32 @!p0 $0xF7A, s2;
	p2 =	seq.s32 @!p0 s5, $0x0  }
0x1f: {  	s9 =	smul.u32 $0xF7A, s1;
	s8 =	simm.s32 @!p0 $0x1BF5;
	p2 =	por !p2, p0  }
0x20: {  	[sflag:s8] =	ssyncset.s32 @!p0 $0xFFFFF086;
	s6 =	sadd.s32 @!p0 s3, s7;
	s7 =	simm.s32 @!p0 $0x108  }
0x21: {  	s3 =	sadd.s32 s3, s9;
	s6 =	sadd.s32 @!p0 $0x88, s6;
	s7 =	simm.s32 @p2 $0x1082  }
0x22: {  	[simem:s7], [sflag:s8] =	dma.local @!p0 [hbm:s6], $0xF7A  }
0x23: {  	s9 =	sor.u32 $0xD0000000, s2;
	s6 =	simm.s32 $0x108;
	_ =	swait.ge @!p0 [sflag:s8], $0x0  }
0x24: {  	s3 =	sadd.s32 $0x88, s3;
	s6 =	simm.s32 @!p1 $0x1082;
	[sflag:s4] =	ssyncset.s32 $0xFFFFF086  }
0x25: {  	[simem:s6], [sflag:s4] =	dma.local [hbm:s3], $0xF7A  }
0x26: {  	[smem:$0x3F99] =	sst s1;
	(tag) =	ssettag s2;
	_ =	strace s9  }
0x27: {  	s1 =	sld [smem:$0x3FA9]  }
0x28: {  	s2 =	sld [smem:$0x3FAA]  }
0x29: {  	s4 =	sld [smem:$0x3FAC]  }
0x2a: {  	p0 =	seq.s32 s5, $0x0;
	s5 =	sld [smem:$0x3FAD]  }
0x2b: {  	s6 =	sld [smem:$0x3FAE]  }
0x2c: {  	s7 =	sld [smem:$0x3FAF]  }
0x2d: {  	s3 =	simm.s32 $0x108;
	s8 =	sld [smem:$0x3FB0]  }
0x2e: {  	s3 =	simm.s32 @!p0 $0x1082;
	s9 =	sld [smem:$0x3FB1]  }
0x2f: {  	lr =	sadd.s32 s0, s3;
	s0 =	sld [smem:$0x3FA8]  }
0x30: {  	s3 =	sld [smem:$0x3FAB]  }
0x31: {  	[smem:$0x3FB4] =	sst s10  }
0x32: {  	s10 =	sld [smem:$0x3FB2];
	_ =	sdelay $0x3  }
0x33: {  	p0 =	seq.s32 s10, $0x1;
	s10 =	sld [smem:$0x3FB4];
	_ =	sdelay $0x3  }
0x34: {  	[smem:$0x3FB4] =	sst s10  }
0x35: {  	s10 =	sld [smem:$0x3FB3];
	_ =	sdelay $0x3  }
0x36: {  	p1 =	seq.s32 s10, $0x1;
	s10 =	sld [smem:$0x3FB4];
	_ =	sdelay $0x3  }
0x37: {  	[smem:$0x3FB4] =	sst s10  }
0x38: {  	s10 =	sld [smem:$0x3FB5]  }
0x39: {  	_ = 	snop;
	(pc) =	sbr.ind lr, $3  }
0x3a: {  	_ = 	snop  }
0x3b: {  	_ = 	snop  }
0x3c: {  	p2 =	seq.s32 s10, $0x1;
	s10 =	sld [smem:$0x3FB4]  }
0x3d: {  	_ =	shalt  }
0x3e: {  	_ =	shalt  }
0x3f: {  	_ =	shalt  }
0x40: {  	_ =	shalt  }
0x41: {  	_ =	shalt  }
0x42: {  	_ =	shalt  }
0x43: {  	_ =	shalt  }
0x44: {  	_ =	shalt  }
0x45: {  	_ =	shalt  }
0x46: {  	_ =	shalt  }
0x47: {  	_ =	shalt  }
0x48: {  	_ =	shalt  }
0x49: {  	_ =	shalt  }
0x4a: {  	_ =	shalt  }
0x4b: {  	_ =	shalt  }
0x4c: {  	_ =	shalt  }
0x4d: {  	_ =	shalt  }
0x4e: {  	_ =	shalt  }
0x4f: {  	_ =	shalt  }
0x50: {  	_ =	shalt  }
0x51: {  	_ =	shalt  }
0x52: {  	_ =	shalt  }
0x53: {  	_ =	shalt  }
0x54: {  	_ =	shalt  }
0x55: {  	_ =	shalt  }
0x56: {  	_ =	shalt  }
0x57: {  	_ =	shalt  }
0x58: {  	_ =	shalt  }
0x59: {  	_ =	shalt  }
0x5a: {  	_ =	shalt  }
0x5b: {  	_ =	shalt  }
0x5c: {  	_ =	shalt  }
0x5d: {  	_ =	shalt  }
0x5e: {  	_ =	shalt  }
0x5f: {  	_ =	shalt  }
0x60: {  	_ =	shalt  }
0x61: {  	_ =	shalt  }
0x62: {  	_ =	shalt  }
0x63: {  	_ =	shalt  }
0x64: {  	_ =	shalt  }
0x65: {  	_ =	shalt  }
0x66: {  	_ =	shalt  }
0x67: {  	_ =	shalt  }
0x68: {  	_ =	shalt  }
0x69: {  	_ =	shalt  }
0x6a: {  	_ =	shalt  }
0x6b: {  	_ =	shalt  }
0x6c: {  	_ =	shalt  }
0x6d: {  	_ =	shalt  }
0x6e: {  	_ =	shalt  }
0x6f: {  	_ =	shalt  }
0x70: {  	_ =	shalt  }
0x71: {  	_ =	shalt  }
0x72: {  	_ =	shalt  }
0x73: {  	_ =	shalt  }
0x74: {  	_ =	shalt  }
0x75: {  	_ =	shalt  }
0x76: {  	_ =	shalt  }
0x77: {  	_ =	shalt  }
0x78: {  	_ =	shalt  }
0x79: {  	_ =	shalt  }
0x7a: {  	_ =	shalt  }
0x7b: {  	_ =	shalt  }
0x7c: {  	_ =	shalt  }
0x7d: {  	_ =	shalt  }
0x7e: {  	_ =	shalt  }
0x7f: {  	_ =	shalt  }
0x80: {  	_ =	shalt  }
0x81: {  	_ =	shalt  }
0x82: {  	_ =	shalt  }
0x83: {  	_ =	shalt  }
0x84: {  	_ =	shalt  }
0x85: {  	_ =	shalt  }
0x86: {  	_ =	shalt  }
0x87: {  	_ =	shalt  }
.Lfunc_end0:
.L_simem_size_0:
called_computation.1_lowered:
.L_overlay_start_0:
0x88: {  	s2 =	sld [smem:$0x3FD9]  }
0x89: {  	s3 =	sld [smem:$0x3FFE];
	_ =	sdelay $0x1  }
0x8a: {  	s1 =	srdreg.scid  }
0x8b: {  	s0 =	sand.u32 $0x1, s1  }
0x8c: {  	s17 =	sshll.u32 s0, $0xA;
	s2 =	sadd.s32 s3, s2  }
0x8d: {  	s2 =	sadd.s32 s2, s17  }
0x8e: {  	[smem:$0x3FC0] =	sst s2  }
0x8f: {  	_ = 	snop  }
0x90: {  	s2 =	sld [smem:$0x3FD0];
	(tm) =	ssettm $0x1  }
0x91: {  	s18 =	sld [smem:$0x3FFB];
	_ =	sdelay $0x3  }
0x92: {  	_ =	strace s18  }
0x93: {  	s3 =	sld [smem:$0x3FFC];
	_ =	sdelay $0x3  }
0x94: {  	_ =	strace s3  }
0x95: {  	s3 =	sld [smem:$0x3FFD];
	_ =	sdelay $0x3  }
0x96: {  	_ =	strace s3  }
0x97: {  	_ =	strace $0x8FFFFFFF  }
0x98: {  	s19 =	sld [smem:$0x3FDB];
	_ =	sdelay $0x1  }
0x99: {  	s4 =	simm.s32 $_scs_section_size  }
0x9a: {  	s5 =	simm.s32 $_size__tile_overlayer_lowered;
	s6 =	simm.s32 $_tile_overlayer_lowered  }
0x9b: {  	s22 =	simm.s32 $0x1BFF;
	s21 =	sshll.u32 s6, $0x1;
	s3 =	sadd.s32 s4, s19  }
0x9c: {  	s7 =	simm.s32 $0x0;
	s20 =	sshll.u32 s5, $0x1;
	s5 =	sadd.s32 s21, s3  }
0x9d: {  	[timem:s7], [sflag:s22] =	dma.local [hbm:s5], s20  }
0x9e: {  	_ =	swait.ge [sflag:s22], s20  }
0x9f: {  	s4 =	ssub.s32 $0x0, s20;
	[sflag:s22] =	ssyncset.done $0x0  }
0xa0: {  	[sflag:s22] =	ssyncadd.s32 s4;
	_ =	sdelay $0x1  }
0xa1: {  	s23 =	simm.s32 $0x1B8B  }
0xa2: {  	_ =	swait.ge [sflag:s23], $0x1  }
0xa3: {  	[sflag:s23] =	ssyncset.done $0x0  }
0xa4: {  	s25 =	simm.s32 $0x1B8E;
	s24 =	sld [smem:$0x3FFE];
	[sflag:s23] =	ssyncadd.s32 $0xFFFFFFFF  }
0xa5: {  	s26 =	simm.s32 $execute0_lowered;
	[smem:$0x3FD2] =	sst s25  }
0xa6: {  	s5 =	sshll.u32 s26, $0x1;
	_ =	strace $0x80000049;
	[dreg:$0x1] =	wrdreg $0xFFFFFFFF  }
0xa7: {  	s28 =	simm.s32 $_size_execute0_lowered;
	s3 =	sadd.s32 s3, s5;
	[dreg:$0x0] =	wrdreg $0x0  }
0xa8: {  	s5 =	sshll.u32 s28, $0x1;
	[dreg:$0x2] =	wrdreg s3  }
0xa9: {  	[dreg:$0x3] =	wrdreg s5  }
0xaa: {  	[dreg:$0x4] =	wrdreg $0xC0  }
0xab: {  	_ =	task [dreg:s7], $0x5FFFF  }
0xac: {  	[dreg:$0x1] =	wrdreg $0xFFFFFFFF  }
0xad: {  	[dreg:$0x0] =	wrdreg $0x60  }
0xae: {  	[dreg:$0x2] =	wrdreg s2  }
0xaf: {  	[dreg:$0x3] =	wrdreg s24  }
0xb0: {  	[dreg:$0x4] =	wrdreg $0xB1C00  }
0xb1: {  	[dreg:$0x5] =	wrdreg $0x9  }
0xb2: {  	_ =	task.clear_ibuf [dreg:s7], $0x6FFFF;
	_ =	strace $0x90000049  }
0xb3: {  	s29 =	simm.s32 $0x9;
	_ =	strace $0x8000004B  }
0xb4: {  	_ =	swait.ge [sflag:s29], $0x1  }
0xb5: {  	[sflag:s29] =	ssyncadd.s32 $0xFFFFFFFF  }
0xb6: {  	_ =	strace $0x9000004B  }
0xb7: {  	_ =	sfence  }
0xb8: {  	s30 =	sld [smem:$0x0];
	_ =	sdelay $0x2  }
0xb9: {  	s31 =	sshll.u32 s1, $0xD;
	s1 =	sshrl.u32 s1, $0x2  }
0xba: {  	s3 =	sand.u32 $0x4000, s31;
	s1 =	sadd.s32 s1, s30  }
0xbb: {  	s0 =	sor.u32 s3, s0;
	s1 =	sshll.u32 s1, $0x11  }
0xbc: {  	s0 =	sor.u32 s1, s0  }
0xbd: {  	s0 =	sadd.s32 $0x8F2B, s0  }
0xbe: {  	[sflag:s0] =	ssyncadd.remote.s32 $0x1  }
0xbf: {  	_ =	sfence.sel $0xFFFF  }
0xc0: {  	[dreg:$0x0] =	wrdreg $0xFFFFFFFF;
	(pc) =	sbr.abs _section_cstart, $3  }
0xc1: {  	[dreg:$0x1] =	wrdreg $0xFFFFFFFF  }
0xc2: {  	_ =	task.clear_ibuf [dreg:s7], $0x2FFFF;
	_ =	strace $0x9FFFFFFF  }
0xc3: {  	(tm) =	ssettm $0x7FFFFFFF  }
tec
execute0_lowered:
.L_overlay_start_1:
0x0: {  	(tag) =	ssettag $0x1  }
0x1: {  	s1 =	rddreg [dreg:$0x0]  }
0x2: {  	s5 =	rddreg [dreg:$0x1]  }
0x3: {  	s3 =	rddreg [dreg:$0x2];
	s2 =	srdreg.scid  }
0x4: {  	s0 =	rddreg [dreg:$0x3];
	s4 =	simm.s32 $0x0;
	s13 =	simm.s32 $0x7D  }
0x5: {  	s14 =	simm.s32 $0x5000;
	s15 =	simm.s32 $0x80;
	s16 =	simm.s32 $0x6F40  }
0x6: {  	s17 =	simm.s32 $0x5;
	s6 =	sand.u32 $0x1, s2;
	s2 =	stileid.u32  }
0x7: {  	s19 =	simm.s32 $0x0;
	[smem:$0x7FF] =	sst s4;
	s7 =	smul.u32 $0xA0000, s6  }
0x8: {  	s8 =	sshll.u32 s2, $0x1;
	s9 =	smul.u32 $0xA000, s2;
	_ =	strace $0x8000004A  }
0x9: {  	s10 =	smul.u32 $0x28000, s2;
	s8 =	sor.u32 s6, s8;
	s6 =	ssub.s32 $0x2, s6  }
0xa: {  	s8 =	smul.u32 $0x500, s8;
	s7 =	sadd.s32 s9, s7;
	s30 =	sshrl.u32 s6, $0x1  }
0xb: {  	s31 =	sshrl.u32 s10, $0x2;
	s18 =	sadd.s32 s9, s3;
	s10 =	simm.s32 $0x7  }
0xc: {  	s7 =	sshrl.u32 s7, $0x3;
	s12 =	ssub.s32 s6, s30;
	s18 =	sshrl.u32 s18, $0x3  }
0xd: {  	s8 =	sadd.s32 s8, s5;
	s11 =	sadd.s32 s7, s5;
	s7 =	sadd.s32 s31, s3  }
0xe: {  	s9 =	smax.u32 s12, $0x1;
	s12 =	simm.s32 $0xADC0;
	s5 =	sadd.s32 $0xBE00, s8  }
0xf: {  	v0 =	vimm.f32 $0.0e+00;
	s6 =	sadd.s32 $0x1E00, s8;
	s8 =	sadd.s32 $0x3D200, s11;
	s11 =	simm.s32 $0x2800  }
.LBB2_1:
0x10: {  	[tilespmem:s4], [sflag:$0x7] =	stream.linear.gather [hbm4b:s5+s4], $0x2800, $0x38;
	[tilespmem:$0x151C0] =	vst v63  }
0x11: {  	_ =	swait.ge [sflag:s10], $0x2800  }
0x12: {  	[sflag:s10] =	ssyncset.done $0x0  }
0x13: {  	[sflag:s10] =	ssyncadd.s32 $0xFFFFD800  }
0x14: {  	[tilespmem:s11], [sflag:$0x7] =	stream.linear.gather [hbm4b:s6+s4], $0x2800, $0x38;
	[tilespmem:$0x151C0] =	vst v63  }
0x15: {  	_ =	swait.ge [sflag:s10], $0x2800  }
0x16: {  	[sflag:s10] =	ssyncset.done $0x0  }
0x17: {  	[sflag:s10] =	ssyncadd.s32 $0xFFFFD800  }
0x18: {  	[tilespmem:$0xADC0] =	vst v0  }
0x19: {  	[tilespmem:$0xADD0] =	vst v0  }
0x1a: {  	[tilespmem:$0xADE0] =	vst v0  }
0x1b: {  	[tilespmem:$0xADF0] =	vst v0  }
0x1c: {  	[tilespmem:$0xAE00] =	vst v0  }
0x1d: {  	[tilespmem:$0xAE10] =	vst v0  }
0x1e: {  	[tilespmem:$0xAE20] =	vst v0  }
0x1f: {  	[tilespmem:$0xAE30] =	vst v0  }
0x20: {  	[tilespmem:$0xAE40] =	vst v0  }
0x21: {  	[tilespmem:$0xAE50] =	vst v0  }
0x22: {  	[tilespmem:$0xAE60] =	vst v0  }
0x23: {  	[tilespmem:$0xAE70] =	vst v0  }
0x24: {  	[tilespmem:$0xAE80] =	vst v0  }
0x25: {  	[tilespmem:$0xAE90] =	vst v0  }
0x26: {  	[tilespmem:$0xAEA0] =	vst v0  }
0x27: {  	[tilespmem:$0xAEB0] =	vst v0  }
0x28: {  	[tilespmem:$0xAEC0] =	vst v0  }
0x29: {  	[tilespmem:$0xAED0] =	vst v0  }
0x2a: {  	[tilespmem:$0xAEE0] =	vst v0  }
0x2b: {  	[tilespmem:$0xAEF0] =	vst v0  }
0x2c: {  	[tilespmem:$0xAF00] =	vst v0  }
0x2d: {  	[tilespmem:$0xAF10] =	vst v0  }
0x2e: {  	[tilespmem:$0xAF20] =	vst v0  }
0x2f: {  	[tilespmem:$0xAF30] =	vst v0  }
0x30: {  	[tilespmem:$0xAF40] =	vst v0  }
0x31: {  	[tilespmem:$0xAF50] =	vst v0  }
0x32: {  	[tilespmem:$0xAF60] =	vst v0  }
0x33: {  	[tilespmem:$0xAF70] =	vst v0  }
0x34: {  	[tilespmem:$0xAF80] =	vst v0  }
0x35: {  	[tilespmem:$0xAF90] =	vst v0  }
0x36: {  	[tilespmem:$0xAFA0] =	vst v0  }
0x37: {  	[tilespmem:$0xAFB0] =	vst v0  }
0x38: {  	[tilespmem:$0xAFC0] =	vst v0  }
0x39: {  	[tilespmem:$0xAFD0] =	vst v0  }
0x3a: {  	[tilespmem:$0xAFE0] =	vst v0  }
0x3b: {  	[tilespmem:$0xAFF0] =	vst v0  }
0x3c: {  	[tilespmem:$0xB000] =	vst v0  }
0x3d: {  	[tilespmem:$0xB010] =	vst v0  }
0x3e: {  	[tilespmem:$0xB020] =	vst v0  }
0x3f: {  	[tilespmem:$0xB030] =	vst v0  }
0x40: {  	[tilespmem:$0xB040] =	vst v0  }
0x41: {  	[tilespmem:$0xB050] =	vst v0  }
0x42: {  	[tilespmem:$0xB060] =	vst v0  }
0x43: {  	[tilespmem:$0xB070] =	vst v0  }
0x44: {  	[tilespmem:$0xB080] =	vst v0  }
0x45: {  	[tilespmem:$0xB090] =	vst v0  }
0x46: {  	[tilespmem:$0xB0A0] =	vst v0  }
0x47: {  	[tilespmem:$0xB0B0] =	vst v0  }
0x48: {  	[tilespmem:$0xB0C0] =	vst v0  }
0x49: {  	[tilespmem:$0xB0D0] =	vst v0  }
0x4a: {  	[tilespmem:$0xB0E0] =	vst v0  }
0x4b: {  	[tilespmem:$0xB0F0] =	vst v0  }
0x4c: {  	[tilespmem:$0xB100] =	vst v0  }
0x4d: {  	[tilespmem:$0xB110] =	vst v0  }
0x4e: {  	[tilespmem:$0xB120] =	vst v0  }
0x4f: {  	[tilespmem:$0xB130] =	vst v0  }
0x50: {  	[tilespmem:$0xB140] =	vst v0  }
0x51: {  	[tilespmem:$0xB150] =	vst v0  }
0x52: {  	[tilespmem:$0xB160] =	vst v0  }
0x53: {  	[tilespmem:$0xB170] =	vst v0  }
0x54: {  	[tilespmem:$0xB180] =	vst v0  }
0x55: {  	[tilespmem:$0xB190] =	vst v0  }
0x56: {  	[tilespmem:$0xB1A0] =	vst v0  }
0x57: {  	s20 =	sadd.s32 $0x0, s7;
	[tilespmem:$0xB1B0] =	vst v0  }
0x58: {  	[spmem:s20] =	stream.linear.scatter [tilespmem:s12], [sflag:$0x7], $0x400, $0x38;
	[tilespmem:$0x151C0] =	vst v63  }
0x59: {  	s20 =	simm.s32 $0x1000;
	_ =	swait.ge [sflag:s10], $0x400  }
.LBB2_2:
0x5a: {  	s21 =	sshra.s32 s20, $0x2;
	[sflag:s10] =	ssyncset.done $0x0;
	p0 =	sne.s32 s20, $0x27000  }
.Ltmp0:
0x5b: {  	s21 =	sadd.s32 s21, s7;
	[sflag:s10] =	ssyncadd.s32 $0xFFFFFC00;
	(pc) =	sbr.rel @p0 .LBB2_2-.Ltmp0, $3  }
0x5c: {  	[spmem:s21] =	stream.linear.scatter [tilespmem:s12], [sflag:$0x7], $0x400, $0x38;
	[tilespmem:$0x151C0] =	vst v63  }
0x5d: {  	s20 =	sadd.s32 $0x1000, s20;
	_ =	sdelay $0x1  }
0x5e: {  	_ =	swait.ge [sflag:s10], $0x400  }
0x5f: {  	[sflag:s10] =	ssyncset.done $0x0  }
0x60: {  	[sflag:s10] =	ssyncadd.s32 $0xFFFFFC00  }
0x61: {  	s20 =	simm.s32 $0x0;
	[bflag:$0x0] =	sbarrier.arrive $0xFFFF  }
0x62: {  	[tilespmem:s14], [sflag:$0x1] =	stream.indirect.gather [hbm4b:s1+s13], $0x40, s20, s13, $0xb8;
	[tilespmem:$0x151C0] =	vst v63  }
0x63: {  	s21 =	simm.s32 $0x100;
	s22 =	simm.s32 $0x2800  }
0x64: {  	[tilespmem:s16], [sflag:$0x2] =	stream.indirect.gather [hbm4b:s1+s13], $0x40, s15, s13, $0xb8;
	[tilespmem:$0x151C0] =	vst v63  }
.LBB2_4:
0x65: {  	s23 =	smul.u32 $0xAB, s20;
	_ =	sdelay $0x1  }
0x66: {  	s23 =	sshrl.u32 s23, $0x9  }
0x67: {  	s23 =	sand.u32 $0x7F, s23  }
0x68: {  	s23 =	smul.u32 $0x3, s23  }
0x69: {  	p0 =	seq.s32 s20, $0x0  }
0x6a: {  	s24 =	sadd.s32 @!p0 $0xFFFFFFFF, s20;
	s23 =	ssub.s32 s20, s23  }
0x6b: {  	s28 =	sand.u32 @!p0 $0xFF, s24;
	s23 =	sand.u32 $0xFF, s23  }
0x6c: {  	s28 =	smul.u32 @!p0 $0xAB, s28;
	s26 =	sadd.s32 $0x1, s23  }
0x6d: {  	s25 =	smul.u32 $0x7D00, s23;
	_ =	swait.ge [sflag:s26], $0x1F40  }
0x6e: {  	[sflag:s26] =	ssyncset.done $0x0  }
0x6f: {  	s25 =	sshrl.u32 s25, $0x2;
	[sflag:s26] =	ssyncadd.s32 $0xFFFFE0C0;
	s26 =	sshrl.u32 @!p0 s28, $0x9  }
0x70: {  	s23 =	sor.u32 $0x4, s23;
	s25 =	sadd.s32 $0x5000, s25;
	s26 =	smul.u32 @!p0 $0x3, s26  }
0x71: {  	[spmem:s3] =	stream.indirect.scatter.add.f32 [tilespmem:s25], [sflag:s23], $0x40, s22, s13, $0xb8;
	[tilespmem:$0x151C0] =	vst v63  }
0x72: {  	s23 =	ssub.s32 @!p0 s24, s26  }
0x73: {  	s23 =	sor.u32 @!p0 $0x4, s23  }
0x74: {  	s23 =	sand.u32 @!p0 $0xFF, s23  }
0x75: {  	p1 =	sgt.u32 @!p0 s20, $0x4D;
	_ =	swait.ge @!p0 [sflag:s23], $0x1F40  }
0x76: {  	p1 =	por p0, !p1;
	[sflag:s23] =	ssyncset.done @!p0 $0x0  }
0x77: {  	[sflag:s23] =	ssyncadd.s32 @!p0 $0xFFFFE0C0;
	s23 =	sadd.s32 @p1 $0x2, s20  }
0x78: {  	s24 =	smul.u32 @p1 $0xAB, s23;
	_ =	sdelay $0x1  }
0x79: {  	s24 =	sshrl.u32 @p1 s24, $0x9  }
0x7a: {  	s24 =	sand.u32 @p1 $0x7F, s24  }
0x7b: {  	s24 =	smul.u32 @p1 $0x3, s24;
	_ =	sdelay $0x1  }
0x7c: {  	s23 =	ssub.s32 @p1 s23, s24  }
0x7d: {  	s20 =	sadd.s32 $0x1, s20;
	s23 =	sand.u32 @p1 $0xFF, s23  }
0x7e: {  	p0 =	sne.s32 s20, $0x50;
	s24 =	smul.u32 @p1 $0x7D00, s23  }
.Ltmp1:
0x7f: {  	_ = 	snop;
	(pc) =	sbr.rel @p0 .LBB2_4-.Ltmp1, $4  }
0x80: {  	s24 =	sshrl.u32 @p1 s24, $0x2  }
0x81: {  	s23 =	sadd.s32 @p1 $0x1, s23;
	s24 =	sadd.s32 @p1 $0x5000, s24  }
0x82: {  	[tilespmem:s24], [sflag:s23] =	stream.indirect.gather @p1 [hbm4b:s1+s13], $0x40, s21, s13, $0xb8;
	[tilespmem:$0x151C0] =	vst v63  }
0x83: {  	s22 =	sadd.s32 $0x80, s22;
	s21 =	sadd.s32 $0x80, s21  }
0x84: {  	_ =	swait.ge [sflag:s17], $0x1F40  }
0x85: {  	s19 =	sadd.s32 $0x1, s19;
	[sflag:s17] =	ssyncset.done $0x0  }
0x86: {  	s20 =	sshll.u32 s2, $0x6;
	p0 =	sne.s32 s19, s9;
	[sflag:s17] =	ssyncadd.s32 $0xFFFFE0C0  }
.Ltmp2:
0x87: {  	s20 =	sor.u32 $0x1C07, s20;
	[bflag:$0x0] =	sbarrier.arrive $0xFFFF;
	(pc) =	sbr.rel @p0 .LBB2_1-.Ltmp2, $4  }
0x88: {  	[hbm:s8], [sflag:s20] =	dma.local [spmem:s18], $0x1400  }
0x89: {  	_ =	swait.ge [sflag:s10], $0x1400  }
0x8a: {  	[sflag:s10] =	ssyncset.done $0x0  }
0x8b: {  	[sflag:s10] =	ssyncadd.s32 $0xFFFFEC00  }
0x8c: {  	_ =	sfence.sel $0x180000  }
0x8d: {  	[bflag:$0x0] =	sbarrier.arrive $0xFFFF  }
0x8e: {  	p0 =	sne.s32 s2, $0x0;
	_ =	strace $0x9000004A  }
0x8f: {  	s0 =	sadd.s32 @!p0 $0x100000, s0;
	[bflag:$0x2] =	sbarrier.arrive $0xFFFF  }
0x90: {  	[sflag:s0] =	ssyncadd.tile.s32 @!p0 $0x1;
	_ =	shalt  }
.Lfunc_end2:
_tile_overlayer_lowered:
.L_overlay_start_2:
0x91: {  	(tag) =	ssettag $0x2  }
0x92: {  	s0 =	rddreg [dreg:$0x0];
	s2 =	stileid.u32  }
0x93: {  	s1 =	rddreg [dreg:$0x1];
	p0 =	sne.s32 s2, $0x0  }
0x94: {  	s3 =	rddreg [dreg:$0x2];
	[bflag:$0x3] =	sbarrier.arrive $0xFFFF;
	s2 =	simm.s32 @!p0 $0x1C07  }
0x95: {  	[timem:s3], [sflag:s2] =	dma.local @!p0 [hbm:s0], s1  }
0x96: {  	s0 =	simm.s32 @!p0 $0x7  }
0x97: {  	_ =	swait.ge @!p0 [sflag:s0], s1  }
0x98: {  	s1 =	ssub.s32 @!p0 $0x0, s1;
	[sflag:s0] =	ssyncset.done @!p0 $0x0  }
0x99: {  	[sflag:s0] =	ssyncadd.s32 @!p0 s1  }
0x9a: {  	[bflag:$0x3] =	sbarrier.arrive $0xFFFF  }
0x9b: {  	_ =	shalt  }

// kernel: agg_deg.3.cloned.1.call-start
scs
__scs_entry_jumppad:
0x0: {  	(pc) =	sbr.rel $0x88, $3  }
0x1: {  	(tag) =	ssettag $0x0;
	lr =	simm.s32 $0x1  }
0x2: {  	[smem:$0x3F99] =	sst lr;
	_ =	strace $0xD0000000  }
0x3: {  	_ = 	snop  }
0x4: {  	_ = 	snop  }
0x5: {  	_ = 	snop  }
0x6: {  	_ = 	snop  }
0x7: {  	_ = 	snop  }
__scs_overlays_trampoline_lowered:
0x8: {  	[smem:$0x3FA8] =	sst s0  }
0x9: {  	[smem:$0x3FA9] =	sst s1  }
0xa: {  	[smem:$0x3FAA] =	sst s2  }
0xb: {  	[smem:$0x3FAB] =	sst s3  }
0xc: {  	[smem:$0x3FAC] =	sst s4  }
0xd: {  	[smem:$0x3FAD] =	sst s5  }
0xe: {  	[smem:$0x3FAE] =	sst s6  }
0xf: {  	[smem:$0x3FAF] =	sst s7  }
0x10: {  	[smem:$0x3FB0] =	sst s8  }
0x11: {  	[smem:$0x3FB1] =	sst s9;
	s0 =	simm.s32 @!p0 $0x0  }
0x12: {  	s1 =	sld [smem:$0x3F97];
	s0 =	simm.s32 @p0 $0x1  }
0x13: {  	[smem:$0x3FB2] =	sst s0;
	s0 =	simm.s32 @!p1 $0x0  }
0x14: {  	s2 =	sld [smem:$0x3F96];
	s0 =	simm.s32 @p1 $0x1  }
0x15: {  	[smem:$0x3FB3] =	sst s0;
	s0 =	simm.s32 @!p2 $0x0  }
0x16: {  	s3 =	sld [smem:$0x3FDB];
	s0 =	simm.s32 @p2 $0x1  }
0x17: {  	s4 =	simm.s32 $0x1BF5;
	[smem:$0x3FB5] =	sst s0  }
0x18: {  	s0 =	sld [smem:$0x3F98];
	_ =	swait.ge [sflag:s4], $0x0  }
0x19: {  	s7 =	sld [smem:$0x3F99]  }
0x1a: {  	s8 =	sadd.s32 $0xFFFFE003, lr  }
0x1b: {  	s9 =	sadd.s32 $0xFFFFFEF7, lr;
	s5 =	simm.s32 $0xFFFFFFFF;
	p2 =	slt.u32 s8, $0xFFFFF086  }
0x1c: {  	p1 =	slt.u32 s9, $0xF7A;
	s5 =	simm.s32 @!p2 $0x0  }
0x1d: {  	s5 =	simm.s32 @p1 $0x1;
	p0 =	seq.s32 s7, s2  }
0x1e: {  	s7 =	smul.u32 @!p0 $0xF7A, s2;
	p2 =	seq.s32 @!p0 s5, $0x0  }
0x1f: {  	s9 =	smul.u32 $0xF7A, s1;
	s8 =	simm.s32 @!p0 $0x1BF5;
	p2 =	por !p2, p0  }
0x20: {  	[sflag:s8] =	ssyncset.s32 @!p0 $0xFFFFF086;
	s6 =	sadd.s32 @!p0 s3, s7;
	s7 =	simm.s32 @!p0 $0x108  }
0x21: {  	s3 =	sadd.s32 s3, s9;
	s6 =	sadd.s32 @!p0 $0x88, s6;
	s7 =	simm.s32 @p2 $0x1082  }
0x22: {  	[simem:s7], [sflag:s8] =	dma.local @!p0 [hbm:s6], $0xF7A  }
0x23: {  	s9 =	sor.u32 $0xD0000000, s2;
	s6 =	simm.s32 $0x108;
	_ =	swait.ge @!p0 [sflag:s8], $0x0  }
0x24: {  	s3 =	sadd.s32 $0x88, s3;
	s6 =	simm.s32 @!p1 $0x1082;
	[sflag:s4] =	ssyncset.s32 $0xFFFFF086  }
0x25: {  	[simem:s6], [sflag:s4] =	dma.local [hbm:s3], $0xF7A  }
0x26: {  	[smem:$0x3F99] =	sst s1;
	(tag) =	ssettag s2;
	_ =	strace s9  }
0x27: {  	s1 =	sld [smem:$0x3FA9]  }
0x28: {  	s2 =	sld [smem:$0x3FAA]  }
0x29: {  	s4 =	sld [smem:$0x3FAC]  }
0x2a: {  	p0 =	seq.s32 s5, $0x0;
	s5 =	sld [smem:$0x3FAD]  }
0x2b: {  	s6 =	sld [smem:$0x3FAE]  }
0x2c: {  	s7 =	sld [smem:$0x3FAF]  }
0x2d: {  	s3 =	simm.s32 $0x108;
	s8 =	sld [smem:$0x3FB0]  }
0x2e: {  	s3 =	simm.s32 @!p0 $0x1082;
	s9 =	sld [smem:$0x3FB1]  }
0x2f: {  	lr =	sadd.s32 s0, s3;
	s0 =	sld [smem:$0x3FA8]  }
0x30: {  	s3 =	sld [smem:$0x3FAB]  }
0x31: {  	[smem:$0x3FB4] =	sst s10  }
0x32: {  	s10 =	sld [smem:$0x3FB2];
	_ =	sdelay $0x3  }
0x33: {  	p0 =	seq.s32 s10, $0x1;
	s10 =	sld [smem:$0x3FB4];
	_ =	sdelay $0x3  }
0x34: {  	[smem:$0x3FB4] =	sst s10  }
0x35: {  	s10 =	sld [smem:$0x3FB3];
	_ =	sdelay $0x3  }
0x36: {  	p1 =	seq.s32 s10, $0x1;
	s10 =	sld [smem:$0x3FB4];
	_ =	sdelay $0x3  }
0x37: {  	[smem:$0x3FB4] =	sst s10  }
0x38: {  	s10 =	sld [smem:$0x3FB5]  }
0x39: {  	_ = 	snop;
	(pc) =	sbr.ind lr, $3  }
0x3a: {  	_ = 	snop  }
0x3b: {  	_ = 	snop  }
0x3c: {  	p2 =	seq.s32 s10, $0x1;
	s10 =	sld [smem:$0x3FB4]  }
0x3d: {  	_ =	shalt  }
0x3e: {  	_ =	shalt  }
0x3f: {  	_ =	shalt  }
0x40: {  	_ =	shalt  }
0x41: {  	_ =	shalt  }
0x42: {  	_ =	shalt  }
0x43: {  	_ =	shalt  }
0x44: {  	_ =	shalt  }
0x45: {  	_ =	shalt  }
0x46: {  	_ =	shalt  }
0x47: {  	_ =	shalt  }
0x48: {  	_ =	shalt  }
0x49: {  	_ =	shalt  }
0x4a: {  	_ =	shalt  }
0x4b: {  	_ =	shalt  }
0x4c: {  	_ =	shalt  }
0x4d: {  	_ =	shalt  }
0x4e: {  	_ =	shalt  }
0x4f: {  	_ =	shalt  }
0x50: {  	_ =	shalt  }
0x51: {  	_ =	shalt  }
0x52: {  	_ =	shalt  }
0x53: {  	_ =	shalt  }
0x54: {  	_ =	shalt  }
0x55: {  	_ =	shalt  }
0x56: {  	_ =	shalt  }
0x57: {  	_ =	shalt  }
0x58: {  	_ =	shalt  }
0x59: {  	_ =	shalt  }
0x5a: {  	_ =	shalt  }
0x5b: {  	_ =	shalt  }
0x5c: {  	_ =	shalt  }
0x5d: {  	_ =	shalt  }
0x5e: {  	_ =	shalt  }
0x5f: {  	_ =	shalt  }
0x60: {  	_ =	shalt  }
0x61: {  	_ =	shalt  }
0x62: {  	_ =	shalt  }
0x63: {  	_ =	shalt  }
0x64: {  	_ =	shalt  }
0x65: {  	_ =	shalt  }
0x66: {  	_ =	shalt  }
0x67: {  	_ =	shalt  }
0x68: {  	_ =	shalt  }
0x69: {  	_ =	shalt  }
0x6a: {  	_ =	shalt  }
0x6b: {  	_ =	shalt  }
0x6c: {  	_ =	shalt  }
0x6d: {  	_ =	shalt  }
0x6e: {  	_ =	shalt  }
0x6f: {  	_ =	shalt  }
0x70: {  	_ =	shalt  }
0x71: {  	_ =	shalt  }
0x72: {  	_ =	shalt  }
0x73: {  	_ =	shalt  }
0x74: {  	_ =	shalt  }
0x75: {  	_ =	shalt  }
0x76: {  	_ =	shalt  }
0x77: {  	_ =	shalt  }
0x78: {  	_ =	shalt  }
0x79: {  	_ =	shalt  }
0x7a: {  	_ =	shalt  }
0x7b: {  	_ =	shalt  }
0x7c: {  	_ =	shalt  }
0x7d: {  	_ =	shalt  }
0x7e: {  	_ =	shalt  }
0x7f: {  	_ =	shalt  }
0x80: {  	_ =	shalt  }
0x81: {  	_ =	shalt  }
0x82: {  	_ =	shalt  }
0x83: {  	_ =	shalt  }
0x84: {  	_ =	shalt  }
0x85: {  	_ =	shalt  }
0x86: {  	_ =	shalt  }
0x87: {  	_ =	shalt  }
.Lfunc_end0:
.L_simem_size_0:
called_computation_lowered:
.L_overlay_start_0:
0x88: {  	s2 =	sld [smem:$0x3FD9]  }
0x89: {  	s3 =	sld [smem:$0x3FFE];
	_ =	sdelay $0x1  }
0x8a: {  	s1 =	srdreg.scid  }
0x8b: {  	s0 =	sand.u32 $0x1, s1  }
0x8c: {  	s17 =	sshll.u32 s0, $0xA;
	s2 =	sadd.s32 s3, s2  }
0x8d: {  	s2 =	sadd.s32 s2, s17  }
0x8e: {  	[smem:$0x3FC0] =	sst s2  }
0x8f: {  	_ = 	snop  }
0x90: {  	s2 =	sld [smem:$0x3FD0];
	(tm) =	ssettm $0x1  }
0x91: {  	s18 =	sld [smem:$0x3FFB];
	_ =	sdelay $0x3  }
0x92: {  	_ =	strace s18  }
0x93: {  	s3 =	sld [smem:$0x3FFC];
	_ =	sdelay $0x3  }
0x94: {  	_ =	strace s3  }
0x95: {  	s3 =	sld [smem:$0x3FFD];
	_ =	sdelay $0x3  }
0x96: {  	_ =	strace s3  }
0x97: {  	_ =	strace $0x8FFFFFFF  }
0x98: {  	s19 =	sld [smem:$0x3FDB];
	_ =	sdelay $0x1  }
0x99: {  	s4 =	simm.s32 $_scs_section_size  }
0x9a: {  	s5 =	simm.s32 $_size__tile_overlayer_lowered;
	s6 =	simm.s32 $_tile_overlayer_lowered  }
0x9b: {  	s22 =	simm.s32 $0x1BFF;
	s21 =	sshll.u32 s6, $0x1;
	s3 =	sadd.s32 s4, s19  }
0x9c: {  	s7 =	simm.s32 $0x0;
	s20 =	sshll.u32 s5, $0x1;
	s5 =	sadd.s32 s21, s3  }
0x9d: {  	[timem:s7], [sflag:s22] =	dma.local [hbm:s5], s20  }
0x9e: {  	_ =	swait.ge [sflag:s22], s20  }
0x9f: {  	s4 =	ssub.s32 $0x0, s20;
	[sflag:s22] =	ssyncset.done $0x0  }
0xa0: {  	[sflag:s22] =	ssyncadd.s32 s4;
	_ =	sdelay $0x1  }
0xa1: {  	s23 =	simm.s32 $0x1B8B  }
0xa2: {  	_ =	swait.ge [sflag:s23], $0x1  }
0xa3: {  	[sflag:s23] =	ssyncset.done $0x0  }
0xa4: {  	s25 =	simm.s32 $0x1B8E;
	s24 =	sld [smem:$0x3FFE];
	[sflag:s23] =	ssyncadd.s32 $0xFFFFFFFF  }
0xa5: {  	s26 =	simm.s32 $execute0_lowered;
	[smem:$0x3FD2] =	sst s25  }
0xa6: {  	s5 =	sshll.u32 s26, $0x1;
	_ =	strace $0x80000046;
	[dreg:$0x1] =	wrdreg $0xFFFFFFFF  }
0xa7: {  	s28 =	simm.s32 $_size_execute0_lowered;
	s3 =	sadd.s32 s3, s5;
	[dreg:$0x0] =	wrdreg $0x0  }
0xa8: {  	s5 =	sshll.u32 s28, $0x1;
	[dreg:$0x2] =	wrdreg s3  }
0xa9: {  	[dreg:$0x3] =	wrdreg s5  }
0xaa: {  	[dreg:$0x4] =	wrdreg $0xC0  }
0xab: {  	_ =	task [dreg:s7], $0x5FFFF  }
0xac: {  	[dreg:$0x1] =	wrdreg $0xFFFFFFFF  }
0xad: {  	[dreg:$0x0] =	wrdreg $0x60  }
0xae: {  	[dreg:$0x2] =	wrdreg s24  }
0xaf: {  	[dreg:$0x3] =	wrdreg s2  }
0xb0: {  	[dreg:$0x4] =	wrdreg $0x96800  }
0xb1: {  	[dreg:$0x5] =	wrdreg $0x1D9800  }
0xb2: {  	[dreg:$0x6] =	wrdreg $0x9  }
0xb3: {  	_ =	task.clear_ibuf [dreg:s7], $0x7FFFF;
	_ =	strace $0x90000046  }
0xb4: {  	s29 =	simm.s32 $0x9;
	_ =	strace $0x80000048  }
0xb5: {  	_ =	swait.ge [sflag:s29], $0x1  }
0xb6: {  	[sflag:s29] =	ssyncadd.s32 $0xFFFFFFFF  }
0xb7: {  	_ =	strace $0x90000048  }
0xb8: {  	_ =	sfence  }
0xb9: {  	s30 =	sld [smem:$0x0];
	_ =	sdelay $0x2  }
0xba: {  	s31 =	sshll.u32 s1, $0xD;
	s1 =	sshrl.u32 s1, $0x2  }
0xbb: {  	s3 =	sand.u32 $0x4000, s31;
	s1 =	sadd.s32 s1, s30  }
0xbc: {  	s0 =	sor.u32 s3, s0;
	s1 =	sshll.u32 s1, $0x11  }
0xbd: {  	s0 =	sor.u32 s1, s0  }
0xbe: {  	s0 =	sadd.s32 $0x8F2B, s0  }
0xbf: {  	[sflag:s0] =	ssyncadd.remote.s32 $0x1  }
0xc0: {  	_ =	sfence.sel $0xFFFF  }
0xc1: {  	[dreg:$0x0] =	wrdreg $0xFFFFFFFF;
	(pc) =	sbr.abs _section_cstart, $3  }
0xc2: {  	[dreg:$0x1] =	wrdreg $0xFFFFFFFF  }
0xc3: {  	_ =	task.clear_ibuf [dreg:s7], $0x2FFFF;
	_ =	strace $0x9FFFFFFF  }
0xc4: {  	(tm) =	ssettm $0x7FFFFFFF  }
0xc5: {  	_ =	shalt  }
tec
execute0_lowered:
.L_overlay_start_1:
0x0: {  	(tag) =	ssettag $0x1  }
0x1: {  	s7 =	rddreg [dreg:$0x0]  }
0x2: {  	s12 =	rddreg [dreg:$0x1]  }
0x3: {  	s1 =	srdreg.scid;
	s2 =	rddreg [dreg:$0x2]  }
0x4: {  	s0 =	stileid.u32;
	s3 =	rddreg [dreg:$0x3];
	s4 =	simm.s32 $0x0  }
0x5: {  	s18 =	simm.s32 $0x1D700;
	s19 =	simm.s32 $0x7D;
	s20 =	simm.s32 $0x5000  }
0x6: {  	s21 =	simm.s32 $0x1;
	s25 =	simm.s32 $0x0;
	s13 =	smul.u32 $0x14000, s0  }
0x7: {  	s8 =	sand.u32 $0x1, s1;
	s1 =	rddreg [dreg:$0x4];
	s14 =	smul.u32 $0x280, s0  }
0x8: {  	s28 =	sshll.u32 s0, $0x1;
	[smem:$0x7FF] =	sst s4;
	s16 =	smul.u32 $0x50000, s0  }
0x9: {  	s22 =	sshll.u32 s0, $0x6;
	s5 =	sor.u32 s8, s28;
	s9 =	smul.u32 $0x140000, s8  }
0xa: {  	_ =	strace $0x80000047;
	s11 =	ssub.s32 $0x2, s8;
	s29 =	smul.u32 $0x2800, s8  }
0xb: {  	s22 =	sor.u32 $0x1C03, s22;
	s6 =	smul.u32 $0x500, s5;
	s5 =	sadd.s32 $0x15E00, s7  }
0xc: {  	s15 =	sshrl.u32 s11, $0x1;
	s30 =	sshrl.u32 s16, $0x2;
	s23 =	sadd.s32 s13, s2  }
0xd: {  	s16 =	simm.s32 $0x8E80;
	s9 =	sadd.s32 s13, s9;
	s15 =	ssub.s32 s11, s15  }
0xe: {  	s23 =	sshrl.u32 s23, $0x3;
	s10 =	sadd.s32 s6, s7;
	s6 =	sadd.s32 $0x3D000, s7  }
0xf: {  	s9 =	sshrl.u32 s9, $0x3;
	s13 =	smax.u32 s15, $0x1;
	s15 =	simm.s32 $0x2800  }
0x10: {  	s17 =	sadd.s32 s9, s7;
	s7 =	sadd.s32 $0xBE00, s10;
	s8 =	sadd.s32 $0x1E00, s10  }
0x11: {  	s9 =	sadd.s32 s30, s2;
	s10 =	sadd.s32 s14, s3;
	s14 =	sadd.s32 s14, s29  }
0x12: {  	s11 =	sadd.s32 $0x3D200, s17;
	s31 =	sshrl.u32 s14, $0x3;
	s14 =	simm.s32 $0x3  }
0x13: {  	v0 =	vimm.f32 $0.0e+00;
	s17 =	simm.s32 $0x1D680;
	s24 =	sshrl.u32 s10, $0x3;
	s12 =	sadd.s32 s12, s31  }
.LBB2_1:
0x14: {  	[tilespmem:s4], [sflag:$0x3] =	stream.linear.gather [hbm4b:s7+s4], $0x2800, $0x38;
	[tilespmem:$0x1DC00] =	vst v63  }
0x15: {  	_ =	swait.ge [sflag:s14], $0x2800  }
0x16: {  	[sflag:s14] =	ssyncset.done $0x0  }
0x17: {  	[sflag:s14] =	ssyncadd.s32 $0xFFFFD800  }
0x18: {  	[tilespmem:s15], [sflag:$0x3] =	stream.linear.gather [hbm4b:s8+s4], $0x2800, $0x38;
	[tilespmem:$0x1DC00] =	vst v63  }
0x19: {  	_ =	swait.ge [sflag:s14], $0x2800  }
0x1a: {  	[sflag:s14] =	ssyncset.done $0x0  }
0x1b: {  	[sflag:s14] =	ssyncadd.s32 $0xFFFFD800  }
0x1c: {  	[tilespmem:$0x8E80] =	vst v0  }
0x1d: {  	[tilespmem:$0x8E90] =	vst v0  }
0x1e: {  	[tilespmem:$0x8EA0] =	vst v0  }
0x1f: {  	[tilespmem:$0x8EB0] =	vst v0  }
0x20: {  	[tilespmem:$0x8EC0] =	vst v0  }
0x21: {  	[tilespmem:$0x8ED0] =	vst v0  }
0x22: {  	[tilespmem:$0x8EE0] =	vst v0  }
0x23: {  	[tilespmem:$0x8EF0] =	vst v0  }
0x24: {  	[tilespmem:$0x8F00] =	vst v0  }
0x25: {  	[tilespmem:$0x8F10] =	vst v0  }
0x26: {  	[tilespmem:$0x8F20] =	vst v0  }
0x27: {  	[tilespmem:$0x8F30] =	vst v0  }
0x28: {  	[tilespmem:$0x8F40] =	vst v0  }
0x29: {  	[tilespmem:$0x8F50] =	vst v0  }
0x2a: {  	[tilespmem:$0x8F60] =	vst v0  }
0x2b: {  	[tilespmem:$0x8F70] =	vst v0  }
0x2c: {  	[tilespmem:$0x8F80] =	vst v0  }
0x2d: {  	[tilespmem:$0x8F90] =	vst v0  }
0x2e: {  	[tilespmem:$0x8FA0] =	vst v0  }
0x2f: {  	[tilespmem:$0x8FB0] =	vst v0  }
0x30: {  	[tilespmem:$0x8FC0] =	vst v0  }
0x31: {  	[tilespmem:$0x8FD0] =	vst v0  }
0x32: {  	[tilespmem:$0x8FE0] =	vst v0  }
0x33: {  	[tilespmem:$0x8FF0] =	vst v0  }
0x34: {  	[tilespmem:$0x9000] =	vst v0  }
0x35: {  	[tilespmem:$0x9010] =	vst v0  }
0x36: {  	[tilespmem:$0x9020] =	vst v0  }
0x37: {  	[tilespmem:$0x9030] =	vst v0  }
0x38: {  	[tilespmem:$0x9040] =	vst v0  }
0x39: {  	[tilespmem:$0x9050] =	vst v0  }
0x3a: {  	[tilespmem:$0x9060] =	vst v0  }
0x3b: {  	[tilespmem:$0x9070] =	vst v0  }
0x3c: {  	[tilespmem:$0x9080] =	vst v0  }
0x3d: {  	[tilespmem:$0x9090] =	vst v0  }
0x3e: {  	[tilespmem:$0x90A0] =	vst v0  }
0x3f: {  	[tilespmem:$0x90B0] =	vst v0  }
0x40: {  	[tilespmem:$0x90C0] =	vst v0  }
0x41: {  	[tilespmem:$0x90D0] =	vst v0  }
0x42: {  	[tilespmem:$0x90E0] =	vst v0  }
0x43: {  	[tilespmem:$0x90F0] =	vst v0  }
0x44: {  	[tilespmem:$0x9100] =	vst v0  }
0x45: {  	[tilespmem:$0x9110] =	vst v0  }
0x46: {  	[tilespmem:$0x9120] =	vst v0  }
0x47: {  	[tilespmem:$0x9130] =	vst v0  }
0x48: {  	[tilespmem:$0x9140] =	vst v0  }
0x49: {  	[tilespmem:$0x9150] =	vst v0  }
0x4a: {  	[tilespmem:$0x9160] =	vst v0  }
0x4b: {  	[tilespmem:$0x9170] =	vst v0  }
0x4c: {  	[tilespmem:$0x9180] =	vst v0  }
0x4d: {  	[tilespmem:$0x9190] =	vst v0  }
0x4e: {  	[tilespmem:$0x91A0] =	vst v0  }
0x4f: {  	[tilespmem:$0x91B0] =	vst v0  }
0x50: {  	[tilespmem:$0x91C0] =	vst v0  }
0x51: {  	[tilespmem:$0x91D0] =	vst v0  }
0x52: {  	[tilespmem:$0x91E0] =	vst v0  }
0x53: {  	[tilespmem:$0x91F0] =	vst v0  }
0x54: {  	[tilespmem:$0x9200] =	vst v0  }
0x55: {  	[tilespmem:$0x9210] =	vst v0  }
0x56: {  	[tilespmem:$0x9220] =	vst v0  }
0x57: {  	[tilespmem:$0x9230] =	vst v0  }
0x58: {  	[tilespmem:$0x9240] =	vst v0  }
0x59: {  	[tilespmem:$0x9250] =	vst v0  }
0x5a: {  	[tilespmem:$0x9260] =	vst v0  }
0x5b: {  	[tilespmem:$0x9270] =	vst v0  }
0x5c: {  	[tilespmem:$0x9280] =	vst v0  }
0x5d: {  	[tilespmem:$0x9290] =	vst v0  }
0x5e: {  	[tilespmem:$0x92A0] =	vst v0  }
0x5f: {  	[tilespmem:$0x92B0] =	vst v0  }
0x60: {  	[tilespmem:$0x92C0] =	vst v0  }
0x61: {  	[tilespmem:$0x92D0] =	vst v0  }
0x62: {  	[tilespmem:$0x92E0] =	vst v0  }
0x63: {  	[tilespmem:$0x92F0] =	vst v0  }
0x64: {  	[tilespmem:$0x9300] =	vst v0  }
0x65: {  	[tilespmem:$0x9310] =	vst v0  }
0x66: {  	[tilespmem:$0x9320] =	vst v0  }
0x67: {  	[tilespmem:$0x9330] =	vst v0  }
0x68: {  	[tilespmem:$0x9340] =	vst v0  }
0x69: {  	[tilespmem:$0x9350] =	vst v0  }
0x6a: {  	[tilespmem:$0x9360] =	vst v0  }
0x6b: {  	[tilespmem:$0x9370] =	vst v0  }
0x6c: {  	[tilespmem:$0x9380] =	vst v0  }
0x6d: {  	[tilespmem:$0x9390] =	vst v0  }
0x6e: {  	[tilespmem:$0x93A0] =	vst v0  }
0x6f: {  	[tilespmem:$0x93B0] =	vst v0  }
0x70: {  	[tilespmem:$0x93C0] =	vst v0  }
0x71: {  	[tilespmem:$0x93D0] =	vst v0  }
0x72: {  	[tilespmem:$0x93E0] =	vst v0  }
0x73: {  	[tilespmem:$0x93F0] =	vst v0  }
0x74: {  	[tilespmem:$0x9400] =	vst v0  }
0x75: {  	[tilespmem:$0x9410] =	vst v0  }
0x76: {  	[tilespmem:$0x9420] =	vst v0  }
0x77: {  	[tilespmem:$0x9430] =	vst v0  }
0x78: {  	[tilespmem:$0x9440] =	vst v0  }
0x79: {  	[tilespmem:$0x9450] =	vst v0  }
0x7a: {  	[tilespmem:$0x9460] =	vst v0  }
0x7b: {  	[tilespmem:$0x9470] =	vst v0  }
0x7c: {  	[tilespmem:$0x9480] =	vst v0  }
0x7d: {  	[tilespmem:$0x9490] =	vst v0  }
0x7e: {  	[tilespmem:$0x94A0] =	vst v0  }
0x7f: {  	[tilespmem:$0x94B0] =	vst v0  }
0x80: {  	[tilespmem:$0x94C0] =	vst v0  }
0x81: {  	[tilespmem:$0x94D0] =	vst v0  }
0x82: {  	[tilespmem:$0x94E0] =	vst v0  }
0x83: {  	[tilespmem:$0x94F0] =	vst v0  }
0x84: {  	[tilespmem:$0x9500] =	vst v0  }
0x85: {  	[tilespmem:$0x9510] =	vst v0  }
0x86: {  	[tilespmem:$0x9520] =	vst v0  }
0x87: {  	[tilespmem:$0x9530] =	vst v0  }
0x88: {  	[tilespmem:$0x9540] =	vst v0  }
0x89: {  	[tilespmem:$0x9550] =	vst v0  }
0x8a: {  	[tilespmem:$0x9560] =	vst v0  }
0x8b: {  	[tilespmem:$0x9570] =	vst v0  }
0x8c: {  	[tilespmem:$0x9580] =	vst v0  }
0x8d: {  	[tilespmem:$0x9590] =	vst v0  }
0x8e: {  	[tilespmem:$0x95A0] =	vst v0  }
0x8f: {  	[tilespmem:$0x95B0] =	vst v0  }
0x90: {  	[tilespmem:$0x95C0] =	vst v0  }
0x91: {  	[tilespmem:$0x95D0] =	vst v0  }
0x92: {  	[tilespmem:$0x95E0] =	vst v0  }
0x93: {  	[tilespmem:$0x95F0] =	vst v0  }
0x94: {  	[tilespmem:$0x9600] =	vst v0  }
0x95: {  	[tilespmem:$0x9610] =	vst v0  }
0x96: {  	[tilespmem:$0x9620] =	vst v0  }
0x97: {  	[tilespmem:$0x9630] =	vst v0  }
0x98: {  	[tilespmem:$0x9640] =	vst v0  }
0x99: {  	[tilespmem:$0x9650] =	vst v0  }
0x9a: {  	[tilespmem:$0x9660] =	vst v0  }
0x9b: {  	s26 =	sadd.s32 $0x0, s9;
	[tilespmem:$0x9670] =	vst v0  }
0x9c: {  	[spmem:s26] =	stream.linear.scatter [tilespmem:s16], [sflag:$0x3], $0x800, $0x38;
	[tilespmem:$0x1DC00] =	vst v63  }
0x9d: {  	s26 =	simm.s32 $0x2000;
	_ =	swait.ge [sflag:s14], $0x800  }
.LBB2_2:
0x9e: {  	s28 =	sshra.s32 s26, $0x2;
	[sflag:s14] =	ssyncset.done $0x0;
	p0 =	sne.s32 s26, $0x4E000  }
.Ltmp0:
0x9f: {  	s28 =	sadd.s32 s28, s9;
	[sflag:s14] =	ssyncadd.s32 $0xFFFFF800;
	(pc) =	sbr.rel @p0 .LBB2_2-.Ltmp0, $3  }
0xa0: {  	[spmem:s28] =	stream.linear.scatter [tilespmem:s16], [sflag:$0x3], $0x800, $0x38;
	[tilespmem:$0x1DC00] =	vst v63  }
0xa1: {  	s26 =	sadd.s32 $0x2000, s26;
	_ =	sdelay $0x1  }
0xa2: {  	_ =	swait.ge [sflag:s14], $0x800  }
0xa3: {  	[sflag:s14] =	ssyncset.done $0x0  }
0xa4: {  	s26 =	simm.s32 $0x0;
	[sflag:s14] =	ssyncadd.s32 $0xFFFFF800  }
0xa5: {  	[tilespmem:s17], [sflag:$0x3] =	stream.linear.gather [hbm4b:s6+s26], $0x80, $0x38;
	[tilespmem:$0x1DC00] =	vst v63  }
0xa6: {  	_ =	swait.ge [sflag:s14], $0x80  }
0xa7: {  	[sflag:s14] =	ssyncset.done $0x0  }
0xa8: {  	[sflag:s14] =	ssyncadd.s32 $0xFFFFFF80  }
0xa9: {  	[tilespmem:$0x1D700] =	vst v0  }
0xaa: {  	[tilespmem:$0x1D710] =	vst v0  }
0xab: {  	[tilespmem:$0x1D720] =	vst v0  }
0xac: {  	[tilespmem:$0x1D730] =	vst v0  }
0xad: {  	[tilespmem:$0x1D740] =	vst v0  }
0xae: {  	[tilespmem:$0x1D750] =	vst v0  }
0xaf: {  	[tilespmem:$0x1D760] =	vst v0  }
0xb0: {  	[tilespmem:$0x1D770] =	vst v0  }
0xb1: {  	[tilespmem:$0x1D780] =	vst v0  }
0xb2: {  	[tilespmem:$0x1D790] =	vst v0  }
0xb3: {  	[tilespmem:$0x1D7A0] =	vst v0  }
0xb4: {  	[tilespmem:$0x1D7B0] =	vst v0  }
0xb5: {  	[tilespmem:$0x1D7C0] =	vst v0  }
0xb6: {  	[tilespmem:$0x1D7D0] =	vst v0  }
0xb7: {  	[tilespmem:$0x1D7E0] =	vst v0  }
0xb8: {  	[tilespmem:$0x1D7F0] =	vst v0  }
0xb9: {  	[tilespmem:$0x1D800] =	vst v0  }
0xba: {  	[tilespmem:$0x1D810] =	vst v0  }
0xbb: {  	[tilespmem:$0x1D820] =	vst v0  }
0xbc: {  	[tilespmem:$0x1D830] =	vst v0  }
0xbd: {  	[tilespmem:$0x1D840] =	vst v0  }
0xbe: {  	[tilespmem:$0x1D850] =	vst v0  }
0xbf: {  	[tilespmem:$0x1D860] =	vst v0  }
0xc0: {  	[tilespmem:$0x1D870] =	vst v0  }
0xc1: {  	[tilespmem:$0x1D880] =	vst v0  }
0xc2: {  	[tilespmem:$0x1D890] =	vst v0  }
0xc3: {  	[tilespmem:$0x1D8A0] =	vst v0  }
0xc4: {  	[tilespmem:$0x1D8B0] =	vst v0  }
0xc5: {  	[tilespmem:$0x1D8C0] =	vst v0  }
0xc6: {  	[tilespmem:$0x1D8D0] =	vst v0  }
0xc7: {  	[tilespmem:$0x1D8E0] =	vst v0  }
0xc8: {  	[tilespmem:$0x1D8F0] =	vst v0  }
0xc9: {  	[tilespmem:$0x1D900] =	vst v0  }
0xca: {  	[tilespmem:$0x1D910] =	vst v0  }
0xcb: {  	[tilespmem:$0x1D920] =	vst v0  }
0xcc: {  	[tilespmem:$0x1D930] =	vst v0  }
0xcd: {  	[tilespmem:$0x1D940] =	vst v0  }
0xce: {  	[tilespmem:$0x1D950] =	vst v0  }
0xcf: {  	[tilespmem:$0x1D960] =	vst v0  }
0xd0: {  	[tilespmem:$0x1D970] =	vst v0  }
0xd1: {  	[spmem:s10] =	stream.linear.scatter [tilespmem:s18], [sflag:$0x3], $0x280, $0x38;
	[tilespmem:$0x1DC00] =	vst v63  }
0xd2: {  	_ =	swait.ge [sflag:s14], $0x280  }
0xd3: {  	[sflag:s14] =	ssyncset.done $0x0  }
0xd4: {  	[sflag:s14] =	ssyncadd.s32 $0xFFFFFD80  }
0xd5: {  	s30 =	simm.s32 $0x0;
	[bflag:$0x0] =	sbarrier.arrive $0xFFFF  }
0xd6: {  	[tilespmem:s20], [sflag:$0x1] =	stream.indirect.gather [hbm4b:s5+s19], $0x80, s30, s19, $0xb8;
	[tilespmem:$0x1DC00] =	vst v63  }
0xd7: {  	_ =	swait.ge [sflag:s21], $0x3E80  }
0xd8: {  	[sflag:s21] =	ssyncset.done $0x0  }
0xd9: {  	s31 =	simm.s32 $0x2800;
	[sflag:s21] =	ssyncadd.s32 $0xFFFFC180  }
0xda: {  	[spmem:s2] =	stream.indirect.scatter.add.f32 [tilespmem:s20], [sflag:$0x3], $0x80, s31, s19, $0xb8;
	[tilespmem:$0x1DC00] =	vst v63  }
0xdb: {  	_ =	swait.ge [sflag:s14], $0x3E80  }
0xdc: {  	[sflag:s14] =	ssyncset.done $0x0  }
0xdd: {  	[sflag:s14] =	ssyncadd.s32 $0xFFFFC180  }
0xde: {  	[spmem:s3] =	stream.indirect.scatter.add.f32 [tilespmem:s17], [sflag:$0x3], $0x1, s31, s19, $0xb8;
	[tilespmem:$0x1DC00] =	vst v63  }
0xdf: {  	_ =	swait.ge [sflag:s14], $0x7D  }
0xe0: {  	s28 =	simm.s32 $0x400;
	s26 =	simm.s32 $0x200;
	[sflag:s14] =	ssyncset.done $0x0  }
.LBB2_4:
0xe1: {  	s29 =	sshra.s32 s26, $0x2  }
0xe2: {  	[sflag:s14] =	ssyncadd.s32 $0xFFFFFF83;
	s26 =	smov.u32 s28;
	s30 =	sadd.s32 $0x200, s28  }
0xe3: {  	[tilespmem:s20], [sflag:$0x1] =	stream.indirect.gather [hbm4b:s5+s19], $0x80, s29, s19, $0xb8;
	[tilespmem:$0x1DC00] =	vst v63  }
0xe4: {  	p0 =	sne.s32 s28, $0x9E00;
	_ =	swait.ge [sflag:s21], $0x3E80  }
0xe5: {  	[sflag:s21] =	ssyncset.done $0x0  }
0xe6: {  	s28 =	sadd.s32 $0x2800, s29;
	[sflag:s21] =	ssyncadd.s32 $0xFFFFC180  }
0xe7: {  	[spmem:s2] =	stream.indirect.scatter.add.f32 [tilespmem:s20], [sflag:$0x3], $0x80, s28, s19, $0xb8;
	[tilespmem:$0x1DC00] =	vst v63  }
0xe8: {  	_ =	swait.ge [sflag:s14], $0x3E80  }
.Ltmp1:
0xe9: {  	[sflag:s14] =	ssyncset.done $0x0;
	(pc) =	sbr.rel @p0 .LBB2_4-.Ltmp1, $4  }
0xea: {  	[sflag:s14] =	ssyncadd.s32 $0xFFFFC180  }
0xeb: {  	[spmem:s3] =	stream.indirect.scatter.add.f32 [tilespmem:s17], [sflag:$0x3], $0x1, s28, s19, $0xb8;
	[tilespmem:$0x1DC00] =	vst v63  }
0xec: {  	_ =	swait.ge [sflag:s14], $0x7D  }
0xed: {  	s28 =	smov.u32 s30;
	[sflag:s14] =	ssyncset.done $0x0  }
0xee: {  	s26 =	sshra.s32 s26, $0x2;
	[sflag:s14] =	ssyncadd.s32 $0xFFFFFF83  }
0xef: {  	[tilespmem:s20], [sflag:$0x1] =	stream.indirect.gather [hbm4b:s5+s19], $0x80, s26, s19, $0xb8;
	[tilespmem:$0x1DC00] =	vst v63  }
0xf0: {  	_ =	swait.ge [sflag:s21], $0x3E80  }
0xf1: {  	[sflag:s21] =	ssyncset.done $0x0  }
0xf2: {  	s26 =	sadd.s32 $0x2800, s26;
	[sflag:s21] =	ssyncadd.s32 $0xFFFFC180  }
0xf3: {  	[spmem:s2] =	stream.indirect.scatter.add.f32 [tilespmem:s20], [sflag:$0x3], $0x80, s26, s19, $0xb8;
	[tilespmem:$0x1DC00] =	vst v63  }
0xf4: {  	_ =	swait.ge [sflag:s14], $0x3E80  }
0xf5: {  	[sflag:s14] =	ssyncset.done $0x0  }
0xf6: {  	[sflag:s14] =	ssyncadd.s32 $0xFFFFC180  }
0xf7: {  	[spmem:s3] =	stream.indirect.scatter.add.f32 [tilespmem:s17], [sflag:$0x3], $0x1, s26, s19, $0xb8;
	[tilespmem:$0x1DC00] =	vst v63  }
0xf8: {  	_ =	swait.ge [sflag:s14], $0x7D  }
0xf9: {  	[sflag:s14] =	ssyncset.done $0x0  }
0xfa: {  	[sflag:s14] =	ssyncadd.s32 $0xFFFFFF83  }
0xfb: {  	[bflag:$0x0] =	sbarrier.arrive $0xFFFF  }
0xfc: {  	[hbm:s11], [sflag:s22] =	dma.local [spmem:s23], $0x2800  }
0xfd: {  	s25 =	sadd.s32 $0x1, s25;
	_ =	swait.ge [sflag:s14], $0x2800  }
0xfe: {  	p0 =	sne.s32 s25, s13;
	[sflag:s14] =	ssyncset.done $0x0  }
.Ltmp2:
0xff: {  	[sflag:s14] =	ssyncadd.s32 $0xFFFFD800;
	(pc) =	sbr.rel @p0 .LBB2_1-.Ltmp2, $4  }
0x100: {  	[hbm:s12], [sflag:s22] =	dma.local [spmem:s24], $0x50  }
0x101: {  	_ =	swait.ge [sflag:s14], $0x50  }
0x102: {  	[sflag:s14] =	ssyncset.done $0x0  }
0x103: {  	[sflag:s14] =	ssyncadd.s32 $0xFFFFFFB0  }
0x104: {  	_ =	sfence.sel $0x180000  }
0x105: {  	[bflag:$0x0] =	sbarrier.arrive $0xFFFF  }
0x106: {  	p0 =	sne.s32 s0, $0x0;
	_ =	strace $0x90000047  }
0x107: {  	s0 =	sadd.s32 @!p0 $0x100000, s1;
	[bflag:$0x2] =	sbarrier.arrive $0xFFFF  }
0x108: {  	[sflag:s0] =	ssyncadd.tile.s32 @!p0 $0x1;
	_ =	shalt  }
.Lfunc_end2:
_tile_overlayer_lowered:
.L_overlay_start_2:
0x109: {  	(tag) =	ssettag $0x2  }
0x10a: {  	s0 =	rddreg [dreg:$0x0];
	s2 =	stileid.u32  }
0x10b: {  	s1 =	rddreg [dreg:$0x1];
	p0 =	sne.s32 s2, $0x0  }
0x10c: {  	s3 =	rddreg [dreg:$0x2];
	[bflag:$0x3] =	sbarrier.arrive $0xFFFF;
	s2 =	simm.s32 @!p0 $0x1C03  }
0x10d: {  	[timem:s3], [sflag:s2] =	dma.local @!p0 [hbm:s0], s1  }
0x10e: {  	s0 =	simm.s32 @!p0 $0x3  }
0x10f: {  	_ =	swait.ge @!p0 [sflag:s0], s1  }
0x110: {  	s1 =	ssub.s32 @!p0 $0x0, s1;
	[sflag:s0] =	ssyncset.done @!p0 $0x0  }
0x111: {  	[sflag:s0] =	ssyncadd.s32 @!p0 s1  }
0x112: {  	[bflag:$0x3] =	sbarrier.arrive $0xFFFF  }
0x113: {  	_ =	shalt  }

</sc_bundles>
